<compile_context>
chip_gen: v7x
topology: tpu7x:2x2x1
jax: 0.10.2.dev20260603
libtpu: 0.0.44.dev20260713+nightly
codegen_flags: <defaults>
</compile_context>

<pallas_src>
import functools

import jax
import jax.numpy as jnp
from jax import lax
from jax.experimental import pallas as pl
from jax.experimental.pallas import tpu as pltpu
from jax.experimental.pallas import tpu_sc as plsc

_NR = 128
_NS = 7
_ECBF = 16
_NC = 2
_NSUB = 16
_NW = _NC * _NSUB



def _edge_dense_body(d_ref, v_ref, w48_ref, w112_ref,
                     rbf_ref, r3t_ref, pv_ref, vnt_ref):
    d = d_ref[0]
    a = -21.0
    b = 35.0
    c = -15.0
    d2 = d * d
    d4 = d2 * d2
    d5 = d4 * d
    env = 1.0 + a * d5 + b * d5 * d + c * d5 * d2
    env = jnp.where(d < 1.0, env, 0.0)
    offs = (lax.broadcasted_iota(jnp.int32, (1, 1, _NR), 2)
            .astype(jnp.float32) * (1.0 / 127.0))
    diff = d[:, :, None] - offs
    coeff = -0.5 * 127.0 * 127.0
    rbf3d = env[:, :, None] * jnp.exp(coeff * diff * diff)
    be = d.shape[0] * 128
    rbf = rbf3d.reshape(be, _NR)
    rbf_ref[:, :] = rbf
    r48 = jnp.dot(rbf, w48_ref[:, :], preferred_element_type=jnp.float32)
    r3t_ref[:, :] = r48.T
    p112 = jnp.dot(rbf, w112_ref[:, :], preferred_element_type=jnp.float32)
    v = v_ref[:, :]
    nrm = jnp.sqrt(jnp.sum(v * v, axis=1, keepdims=True))
    vn3 = v / (nrm + 1e-12)
    vnt_ref[:, :] = vn3.T
    z13 = jnp.zeros((be, 13), jnp.float32)
    pv_ref[:, :] = jnp.concatenate([p112, vn3, z13], axis=1)


def _edge_dense(d2d, v3, w48, w112, n_edges, be=1280):
    grid = n_edges // be
    bd = be // 128
    return pl.pallas_call(
        _edge_dense_body,
        grid=(grid,),
        in_specs=[
            pl.BlockSpec((1, bd, 128), lambda i: (i, 0, 0)),
            pl.BlockSpec((be, 3), lambda i: (i, 0)),
            pl.BlockSpec((_NR, 48), lambda i: (0, 0)),
            pl.BlockSpec((_NR, 112), lambda i: (0, 0)),
        ],
        out_specs=[
            pl.BlockSpec((be, _NR), lambda i: (i, 0)),
            pl.BlockSpec((48, be), lambda i: (0, i)),
            pl.BlockSpec((be, _NR), lambda i: (i, 0)),
            pl.BlockSpec((3, be), lambda i: (0, i)),
        ],
        out_shape=[
            jax.ShapeDtypeStruct((n_edges, _NR), jnp.float32),
            jax.ShapeDtypeStruct((48, n_edges), jnp.float32),
            jax.ShapeDtypeStruct((n_edges, _NR), jnp.float32),
            jax.ShapeDtypeStruct((3, n_edges), jnp.float32),
        ],
    )(d2d, v3, w48, w112)



def _sc_gather_rows(table, idx, chunk=512):
    nsub = chunk // 128
    n = idx.shape[0]
    d = table.shape[1]
    nchunk = n // chunk
    iters = (nchunk + _NW - 1) // _NW
    mesh = plsc.VectorSubcoreMesh(core_axis_name="c", subcore_axis_name="s")

    @functools.partial(
        pl.kernel,
        mesh=mesh,
        out_type=jax.ShapeDtypeStruct((n, d), jnp.float32),
        scratch_types=[
            pltpu.VMEM((chunk,), jnp.int32),
            pltpu.VMEM((chunk, d), jnp.float32),
            pltpu.SemaphoreType.DMA,
        ],
    )
    def k(table_hbm, idx_hbm, out_hbm, idx_v, rows_v, sem):
        wid = lax.axis_index("s") * _NC + lax.axis_index("c")

        def body(t, carry):
            g = t * _NW + wid

            @pl.when(g < nchunk)
            def _():
                base = pl.multiple_of(g * chunk, 8)
                pltpu.sync_copy(idx_hbm.at[pl.ds(base, chunk)], idx_v)
                cps = [pltpu.async_copy(table_hbm.at[idx_v.at[pl.ds(j * 128, 128)]],
                                        rows_v.at[pl.ds(j * 128, 128)], sem)
                       for j in range(nsub)]
                for cp in cps:
                    cp.wait()
                pltpu.sync_copy(rows_v, out_hbm.at[pl.ds(base, chunk)])

            return carry

        lax.fori_loop(0, iters, body, 0)

    return k(table, idx)



def _sc_trip_gather(pv, vx, vy, vz, ba, ca, chunk=640):
    nsub = chunk // 128
    n = ba.shape[0]
    nchunk = n // chunk
    iters = (nchunk + _NW - 1) // _NW
    ngrp = chunk // 16
    mesh = plsc.VectorSubcoreMesh(core_axis_name="c", subcore_axis_name="s")

    @functools.partial(
        pl.kernel,
        mesh=mesh,
        out_type=jax.ShapeDtypeStruct((n, 128), jnp.float32),
        scratch_types=[
            pltpu.VMEM((chunk,), jnp.int32),
            pltpu.VMEM((chunk,), jnp.int32),
            pltpu.VMEM((chunk, 128), jnp.float32),
            pltpu.VMEM((chunk,), jnp.float32),
            pltpu.VMEM((chunk,), jnp.float32),
            pltpu.VMEM((chunk,), jnp.float32),
            pltpu.SemaphoreType.DMA,
        ],
        compiler_params=pltpu.CompilerParams(needs_layout_passes=False),
    )
    def k(pv_hbm, vx_hbm, vy_hbm, vz_hbm, ba_hbm, ca_hbm, out_hbm,
          iba_v, ica_v, pvg_v, v0_v, v1_v, v2_v, sem):
        wid = lax.axis_index("s") * _NC + lax.axis_index("c")

        def body(t, carry):
            g = t * _NW + wid

            @pl.when(g < nchunk)
            def _():
                base = pl.multiple_of(g * chunk, 8)
                icp = [pltpu.async_copy(ba_hbm.at[pl.ds(base, chunk)],
                                        iba_v, sem),
                       pltpu.async_copy(ca_hbm.at[pl.ds(base, chunk)],
                                        ica_v, sem)]
                for cp in icp:
                    cp.wait()
                cps = []
                for j in range(nsub):
                    dst = pl.ds(j * 128, 128)
                    cps.append(pltpu.async_copy(
                        pv_hbm.at[iba_v.at[dst]],
                        pvg_v.at[dst], sem))
                    cps.append(pltpu.async_copy(
                        vx_hbm.at[ica_v.at[dst]], v0_v.at[dst], sem))
                    cps.append(pltpu.async_copy(
                        vy_hbm.at[ica_v.at[dst]], v1_v.at[dst], sem))
                    cps.append(pltpu.async_copy(
                        vz_hbm.at[ica_v.at[dst]], v2_v.at[dst], sem))
                for cp in cps:
                    cp.wait()

                def ileave(grp, c2):
                    sl = pl.ds(grp * 16, 16)
                    rows = lax.broadcasted_iota(jnp.int32, (16,), 0) + grp * 16

                    def ldc(col):
                        return plsc.load_gather(
                            pvg_v, [rows, jnp.full((16,), col, jnp.int32)])

                    cos = (ldc(112) * v0_v[sl] + ldc(113) * v1_v[sl]
                           + ldc(114) * v2_v[sl])
                    cos = jnp.minimum(jnp.maximum(cos, -1.0), 1.0)
                    plsc.store_scatter(
                        pvg_v, [rows, jnp.full((16,), 112, jnp.int32)], cos)
                    return c2

                lax.fori_loop(0, ngrp, ileave, 0)
                pltpu.sync_copy(pvg_v, out_hbm.at[pl.ds(base, chunk)])

            return carry

        lax.fori_loop(0, iters, body, 0)

    return k(pv, vx, vy, vz, ba, ca)



def _trip_combine_body(pg_ref, out_ref):
    pg = pg_ref[:, :]
    cos = pg[:, 112:113]
    acc = pg[:, 0:_ECBF]
    tm1 = jnp.ones_like(cos)
    tcur = cos
    for s in range(1, _NS):
        acc = acc + tcur * pg[:, 16 * s:16 * s + _ECBF]
        tm1, tcur = tcur, 2.0 * cos * tcur - tm1
    out_ref[:, :] = acc.T


def _trip_combine(pg, n_trip, bt=1280):
    grid = n_trip // bt
    return pl.pallas_call(
        _trip_combine_body,
        grid=(grid,),
        in_specs=[pl.BlockSpec((bt, 128), lambda i: (i, 0))],
        out_specs=pl.BlockSpec((_ECBF, bt), lambda i: (0, i)),
        out_shape=jax.ShapeDtypeStruct((_ECBF, n_trip), jnp.float32),
    )(pg)



def _edge_embed_body(hs_ref, ht_ref, rbf_ref, we_ref, m_ref):
    we = we_ref[:, :].astype(jnp.bfloat16)
    x = jnp.dot(hs_ref[:, :].astype(jnp.bfloat16), we[0:128, :],
                preferred_element_type=jnp.float32)
    x = x + jnp.dot(ht_ref[:, :].astype(jnp.bfloat16), we[128:256, :],
                    preferred_element_type=jnp.float32)
    x = x + jnp.dot(rbf_ref[:, :].astype(jnp.bfloat16), we[256:384, :],
                    preferred_element_type=jnp.float32)
    m_ref[:, :] = x * jax.nn.sigmoid(x)


def _edge_embed(hs, ht, rbf, we, n_edges, be=800):
    grid = n_edges // be
    emb = we.shape[1]
    return pl.pallas_call(
        _edge_embed_body,
        grid=(grid,),
        in_specs=[
            pl.BlockSpec((be, _NR), lambda i: (i, 0)),
            pl.BlockSpec((be, _NR), lambda i: (i, 0)),
            pl.BlockSpec((be, _NR), lambda i: (i, 0)),
            pl.BlockSpec((384, emb), lambda i: (0, 0)),
        ],
        out_specs=pl.BlockSpec((be, emb), lambda i: (i, 0)),
        out_shape=jax.ShapeDtypeStruct((n_edges, emb), jnp.float32),
    )(hs, ht, rbf, we)



def kernel(h, edge_index, D_st, V_st, id3_ba, id3_ca,
           W_edge, W_rbf_h, W_rbf_out, W_rbf_tint, W_cbf_tint):
    n_edges = D_st.shape[0]
    n_trip = id3_ba.shape[0]

    src = edge_index[0].astype(jnp.int32)
    dst = edge_index[1].astype(jnp.int32)
    ba = id3_ba.astype(jnp.int32)
    ca = id3_ca.astype(jnp.int32)

    d2d = D_st.reshape(n_edges // 1280, 10, 128)
    w48 = jnp.concatenate([W_rbf_h, W_rbf_out, W_rbf_tint], axis=1)
    w112 = W_cbf_tint.reshape(_NR, _NS * _ECBF)

    rbf, rbf3t, pv, vnt = _edge_dense(d2d, V_st, w48, w112, n_edges)

    vx, vy, vz = vnt[0], vnt[1], vnt[2]
    half = n_trip // 2
    pg_a = _sc_trip_gather(pv, vx, vy, vz, ba[:half], ca[:half])
    pg_b = _sc_trip_gather(pv, vx, vy, vz, ba[half:], ca[half:])
    h_s = _sc_gather_rows(h, src)
    h_t = _sc_gather_rows(h, dst)
    cbf_a = _trip_combine(pg_a, half)
    cbf_b = _trip_combine(pg_b, half)
    cbf_tint = jnp.concatenate([cbf_a, cbf_b], axis=1).T
    m = _edge_embed(h_s, h_t, rbf, W_edge, n_edges)

    rbf_h = rbf3t[0:16].T
    rbf_out = rbf3t[16:32].T
    rbf_tint = rbf3t[32:48].T
    return (m, rbf_h, rbf_out, rbf_tint, cbf_tint)

# --- scband reference (transcript-rebuilt; emitter-appended) ---
"""Pipeline reference for scband-bases-7078106104328 (READ-ONLY COPY).

The authoritative reference and input builder live on the scoring server;
editing this copy changes nothing except your own understanding.
"""

import jax, jax.numpy as jnp
import numpy as np

NUM_RADIAL = 128
NUM_SPHERICAL = 7
EMB_ATOM = 128
EMB_EDGE = 256
EMB_RBF = 16
EMB_CBF = 16
N_NODES = 10000
N_EDGES = 320000
N_TRIPLETS = 640000
ENV_P = 5


def _poly_envelope(d):
    p = float(ENV_P)
    a = -(p + 1.0) * (p + 2.0) / 2.0
    b = p * (p + 2.0)
    c = -p * (p + 1.0) / 2.0
    env = 1.0 + a * d ** ENV_P + b * d ** (ENV_P + 1) + c * d ** (ENV_P + 2)
    return jnp.where(d < 1.0, env, 0.0)


def _gaussian_rbf(d):
    offsets = jnp.linspace(0.0, 1.0, NUM_RADIAL)
    coeff = -0.5 / (offsets[1] - offsets[0]) ** 2
    return jnp.exp(coeff * (d[:, None] - offsets[None, :]) ** 2)


def _radial_basis(d):
    # RadialBasis: polynomial envelope * gaussian RBF on cutoff-scaled distances
    return _poly_envelope(d)[:, None] * _gaussian_rbf(d)


def _circular_basis(cosphi):
    # CircularBasisLayer: Chebyshev/cosine basis T_l(cos phi) = cos(l*phi), l=0..S-1
    polys = [jnp.ones_like(cosphi), cosphi]
    for _ in range(2, NUM_SPHERICAL):
        polys.append(2.0 * cosphi * polys[-1] - polys[-2])
    return jnp.stack(polys[:NUM_SPHERICAL], axis=-1)


def _silu(x):
    return x * jax.nn.sigmoid(x)


def _forward(h, D_st, V_st, W_edge, W_rbf_h, W_rbf_out, W_rbf_tint, W_cbf_tint, edge_index, id3_ba, id3_ca):
    rbf = _radial_basis(D_st)                      # [E, num_radial]
    rbf_h = rbf @ W_rbf_h                          # mlp_rbf_h   -> [E, emb_size_rbf]
    rbf_out = rbf @ W_rbf_out                      # mlp_rbf_out -> [E, emb_size_rbf]
    rbf_tint = rbf @ W_rbf_tint                    # mlp_rbf_tint-> [E, emb_size_rbf]
    # triplet circular basis (cbf_basis_tint)
    Vn = V_st / (jnp.linalg.norm(V_st, axis=-1, keepdims=True) + 1e-12)
    cosphi = jnp.clip(jnp.sum(Vn[id3_ba] * Vn[id3_ca], axis=-1), -1.0, 1.0)
    cbf = _circular_basis(cosphi)                  # [T, num_spherical]
    # mlp_cbf_tint (BasisEmbedding): combine radial and circular bases
    rad_tri = jnp.take(rbf, id3_ba, axis=0)        # [T, num_radial] gather
    rbf_W1 = (rad_tri @ W_cbf_tint.reshape(NUM_RADIAL, NUM_SPHERICAL * EMB_CBF)).reshape(-1, NUM_SPHERICAL, EMB_CBF)
    cbf_tint = jnp.sum(rbf_W1 * cbf[:, :, None], axis=1)  # [T, emb_size_cbf]
    # EdgeEmbedding: m = Dense(silu)([h_s || h_t || rbf])
    h_s = jnp.take(h, edge_index[0], axis=0)
    h_t = jnp.take(h, edge_index[1], axis=0)
    m = _silu(jnp.concatenate([h_s, h_t, rbf], axis=-1) @ W_edge)  # [E, emb_size_edge]
    return (m, rbf_h, rbf_out, rbf_tint, cbf_tint)


def setup_inputs(seed: int = 0) -> dict:
    key = jax.random.key(seed)
    ks = jax.random.split(key, 11)
    h = jax.random.normal(ks[0], (N_NODES, EMB_ATOM), dtype=jnp.float32)
    edge_index = jax.random.randint(ks[1], (2, N_EDGES), 0, N_NODES, dtype=jnp.int64)
    D_st = jax.random.uniform(ks[2], (N_EDGES,), dtype=jnp.float32)
    V_st = jax.random.normal(ks[3], (N_EDGES, 3), dtype=jnp.float32)
    id3_ba = jax.random.randint(ks[4], (N_TRIPLETS,), 0, N_EDGES, dtype=jnp.int64)
    id3_ca = jax.random.randint(ks[5], (N_TRIPLETS,), 0, N_EDGES, dtype=jnp.int64)
    W_edge = jax.random.normal(ks[6], (2 * EMB_ATOM + NUM_RADIAL, EMB_EDGE), dtype=jnp.float32) * 0.02
    W_rbf_h = jax.random.normal(ks[7], (NUM_RADIAL, EMB_RBF), dtype=jnp.float32) * 0.05
    W_rbf_out = jax.random.normal(ks[8], (NUM_RADIAL, EMB_RBF), dtype=jnp.float32) * 0.05
    W_rbf_tint = jax.random.normal(ks[9], (NUM_RADIAL, EMB_RBF), dtype=jnp.float32) * 0.05
    W_cbf_tint = jax.random.normal(ks[10], (NUM_RADIAL, NUM_SPHERICAL, EMB_CBF), dtype=jnp.float32) * 0.05
    return {
        "h": h, "edge_index": edge_index, "D_st": D_st, "V_st": V_st,
        "id3_ba": id3_ba, "id3_ca": id3_ca,
        "W_edge": W_edge, "W_rbf_h": W_rbf_h, "W_rbf_out": W_rbf_out,
        "W_rbf_tint": W_rbf_tint, "W_cbf_tint": W_cbf_tint,
    }


def reference(h, edge_index, D_st, V_st, id3_ba, id3_ca, W_edge, W_rbf_h, W_rbf_out, W_rbf_tint, W_cbf_tint):
    return _forward(h, D_st, V_st, W_edge, W_rbf_h, W_rbf_out, W_rbf_tint, W_cbf_tint, edge_index, id3_ba, id3_ca)

if __name__ == "__main__":
    import jax
    _d = setup_inputs()
    print(jax.jit(kernel)(*tuple(_d.values())))

</pallas_src>

<mosaic_0001>
#map = affine_map<(d0, d1) -> (0, 0)>
#map1 = affine_map<(d0, d1) -> (0)>
module attributes {stable_mosaic.version = 14 : i64} {
  func.func @k(%arg0: i32, %arg1: i32, %arg2: memref<320000x128xf32, #tpu.memory_space<hbm>>, %arg3: memref<320000xf32, #tpu.memory_space<hbm>>, %arg4: memref<320000xf32, #tpu.memory_space<hbm>>, %arg5: memref<320000xf32, #tpu.memory_space<hbm>>, %arg6: memref<320000xi32, #tpu.memory_space<hbm>>, %arg7: memref<320000xi32, #tpu.memory_space<hbm>>, %arg8: memref<320000x128xf32, #tpu.memory_space<hbm>>, %arg9: memref<640xi32, #tpu.memory_space<vmem>>, %arg10: memref<640xi32, #tpu.memory_space<vmem>>, %arg11: memref<640x128xf32, #tpu.memory_space<vmem>>, %arg12: memref<640xf32, #tpu.memory_space<vmem>>, %arg13: memref<640xf32, #tpu.memory_space<vmem>>, %arg14: memref<640xf32, #tpu.memory_space<vmem>>, %arg15: memref<!tpu.dma_semaphore, #tpu.memory_space<semaphore_mem>>) attributes {dimension_semantics = [#tpu.dimension_semantics<core_parallel>, #tpu.dimension_semantics<subcore_parallel>], iteration_bounds = array<i64: 2, 16>, scalar_prefetch = 0 : i64, scratch_operands = 7 : i64, tpu.core_type = #tpu.core_type<sc_vector_subcore>, window_params = [{transform_indices = #map}, {transform_indices = #map1}, {transform_indices = #map1}, {transform_indices = #map1}, {transform_indices = #map1}, {transform_indices = #map1}, {transform_indices = #map}]} {
    %mul3A = arith.constant 2 : i32
    %mul3A_0 = arith.muli %arg1, %mul3A : i32
    %add3A = arith.addi %mul3A_0, %arg0 : i32
    %scan3A = arith.constant 0 : i32
    %scan3A_1 = arith.constant 0 : i32
    %scan3A_2 = arith.constant 16 : i32
    %scan3A_3 = arith.addi %scan3A_1, %scan3A_2 : i32
    %scan3A_4 = arith.constant 1 : i32
    scf.for %scan3A_6 = %scan3A_1 to %scan3A_3 step %scan3A_4  : i32 {
      %mul3A_7 = arith.constant 32 : i32
      %mul3A_8 = arith.muli %scan3A_6, %mul3A_7 : i32
      %add3A_9 = arith.addi %mul3A_8, %add3A : i32
      %lt3A = arith.constant 500 : i32
      %lt3A_10 = arith.cmpi slt, %add3A_9, %lt3A : i32
      %convert_element_type3A = arith.extui %lt3A_10 : i1 to i32
      %cond3A = arith.constant 0 : i32
      %cond3A_11 = arith.cmpi ne, %convert_element_type3A, %cond3A : i32
      scf.if %cond3A_11 {
        %mul3A_12 = arith.constant 640 : i32
        %mul3A_13 = arith.muli %add3A_9, %mul3A_12 : i32
        %multiple_of3A = tpu.assume_multiple %mul3A_13, 8 : i32
        %dma_start3A = tpu.memref_slice %arg6[%multiple_of3A] : memref<320000xi32, #tpu.memory_space<hbm>> -> memref<640xi32, #tpu.memory_space<hbm>>
        %dma_start3A_14 = tpu.memref_slice %arg6[%multiple_of3A] : memref<320000xi32, #tpu.memory_space<hbm>> -> memref<640xi32, #tpu.memory_space<hbm>>
        tpu.enqueue_dma source(%dma_start3A_14 : memref<640xi32, #tpu.memory_space<hbm>>) target(%arg9 : memref<640xi32, #tpu.memory_space<vmem>>) target_semaphore(%arg15 : memref<!tpu.dma_semaphore, #tpu.memory_space<semaphore_mem>>)
        %dma_start3A_15 = tpu.memref_slice %arg7[%multiple_of3A] : memref<320000xi32, #tpu.memory_space<hbm>> -> memref<640xi32, #tpu.memory_space<hbm>>
        %dma_start3A_16 = tpu.memref_slice %arg7[%multiple_of3A] : memref<320000xi32, #tpu.memory_space<hbm>> -> memref<640xi32, #tpu.memory_space<hbm>>
        tpu.enqueue_dma source(%dma_start3A_16 : memref<640xi32, #tpu.memory_space<hbm>>) target(%arg10 : memref<640xi32, #tpu.memory_space<vmem>>) target_semaphore(%arg15 : memref<!tpu.dma_semaphore, #tpu.memory_space<semaphore_mem>>)
        %dma_wait3A = tpu.memref_slice %arg6[%multiple_of3A] : memref<320000xi32, #tpu.memory_space<hbm>> -> memref<640xi32, #tpu.memory_space<hbm>>
        %dma_wait3A_17 = tpu.memref_slice %arg6[%multiple_of3A] : memref<320000xi32, #tpu.memory_space<hbm>> -> memref<640xi32, #tpu.memory_space<hbm>>
        tpu.wait_dma2 semaphore(%arg15 : memref<!tpu.dma_semaphore, #tpu.memory_space<semaphore_mem>>) src(%dma_wait3A_17 : memref<640xi32, #tpu.memory_space<hbm>>) dst(%arg9 : memref<640xi32, #tpu.memory_space<vmem>>)
        %dma_wait3A_18 = tpu.memref_slice %arg7[%multiple_of3A] : memref<320000xi32, #tpu.memory_space<hbm>> -> memref<640xi32, #tpu.memory_space<hbm>>
        %dma_wait3A_19 = tpu.memref_slice %arg7[%multiple_of3A] : memref<320000xi32, #tpu.memory_space<hbm>> -> memref<640xi32, #tpu.memory_space<hbm>>
        tpu.wait_dma2 semaphore(%arg15 : memref<!tpu.dma_semaphore, #tpu.memory_space<semaphore_mem>>) src(%dma_wait3A_19 : memref<640xi32, #tpu.memory_space<hbm>>) dst(%arg10 : memref<640xi32, #tpu.memory_space<vmem>>)
        %dma_start3A_20 = arith.constant 0 : i32
        %dma_start3A_21 = arith.constant 0 : i32
        %dma_start3A_22 = tpu.memref_slice %arg11[%dma_start3A_20, %dma_start3A_21] : memref<640x128xf32, #tpu.memory_space<vmem>> -> memref<128x128xf32, #tpu.memory_space<vmem>>
        %dma_start3A_23 = arith.constant 0 : i32
        %dma_start3A_24 = tpu.memref_slice %arg9[%dma_start3A_23] : memref<640xi32, #tpu.memory_space<vmem>> -> memref<128xi32, #tpu.memory_space<vmem>>
        %dma_start3A_25 = arith.constant 0 : i32
        %dma_start3A_26 = arith.constant 0 : i32
        %dma_start3A_27 = tpu.memref_slice %arg2[%dma_start3A_25, %dma_start3A_26] : memref<320000x128xf32, #tpu.memory_space<hbm>> -> memref<320000x128xf32, #tpu.memory_space<hbm>>
        tpu.enqueue_indirect_dma source(%dma_start3A_27 : memref<320000x128xf32, #tpu.memory_space<hbm>>) target(%dma_start3A_22 : memref<128x128xf32, #tpu.memory_space<vmem>>) offsets(%dma_start3A_24 : memref<128xi32, #tpu.memory_space<vmem>>) semaphore(%arg15 : memref<!tpu.dma_semaphore, #tpu.memory_space<semaphore_mem>>)
        %dma_start3A_28 = arith.constant 0 : i32
        %dma_start3A_29 = tpu.memref_slice %arg12[%dma_start3A_28] : memref<640xf32, #tpu.memory_space<vmem>> -> memref<128xf32, #tpu.memory_space<vmem>>
        %dma_start3A_30 = arith.constant 0 : i32
        %dma_start3A_31 = tpu.memref_slice %arg10[%dma_start3A_30] : memref<640xi32, #tpu.memory_space<vmem>> -> memref<128xi32, #tpu.memory_space<vmem>>
        %dma_start3A_32 = arith.constant 0 : i32
        %dma_start3A_33 = tpu.memref_slice %arg3[%dma_start3A_32] : memref<320000xf32, #tpu.memory_space<hbm>> -> memref<320000xf32, #tpu.memory_space<hbm>>
        tpu.enqueue_indirect_dma source(%dma_start3A_33 : memref<320000xf32, #tpu.memory_space<hbm>>) target(%dma_start3A_29 : memref<128xf32, #tpu.memory_space<vmem>>) offsets(%dma_start3A_31 : memref<128xi32, #tpu.memory_space<vmem>>) semaphore(%arg15 : memref<!tpu.dma_semaphore, #tpu.memory_space<semaphore_mem>>)
        %dma_start3A_34 = arith.constant 0 : i32
        %dma_start3A_35 = tpu.memref_slice %arg13[%dma_start3A_34] : memref<640xf32, #tpu.memory_space<vmem>> -> memref<128xf32, #tpu.memory_space<vmem>>
        %dma_start3A_36 = arith.constant 0 : i32
        %dma_start3A_37 = tpu.memref_slice %arg10[%dma_start3A_36] : memref<640xi32, #tpu.memory_space<vmem>> -> memref<128xi32, #tpu.memory_space<vmem>>
        %dma_start3A_38 = arith.constant 0 : i32
        %dma_start3A_39 = tpu.memref_slice %arg4[%dma_start3A_38] : memref<320000xf32, #tpu.memory_space<hbm>> -> memref<320000xf32, #tpu.memory_space<hbm>>
        tpu.enqueue_indirect_dma source(%dma_start3A_39 : memref<320000xf32, #tpu.memory_space<hbm>>) target(%dma_start3A_35 : memref<128xf32, #tpu.memory_space<vmem>>) offsets(%dma_start3A_37 : memref<128xi32, #tpu.memory_space<vmem>>) semaphore(%arg15 : memref<!tpu.dma_semaphore, #tpu.memory_space<semaphore_mem>>)
        %dma_start3A_40 = arith.constant 0 : i32
        %dma_start3A_41 = tpu.memref_slice %arg14[%dma_start3A_40] : memref<640xf32, #tpu.memory_space<vmem>> -> memref<128xf32, #tpu.memory_space<vmem>>
        %dma_start3A_42 = arith.constant 0 : i32
        %dma_start3A_43 = tpu.memref_slice %arg10[%dma_start3A_42] : memref<640xi32, #tpu.memory_space<vmem>> -> memref<128xi32, #tpu.memory_space<vmem>>
        %dma_start3A_44 = arith.constant 0 : i32
        %dma_start3A_45 = tpu.memref_slice %arg5[%dma_start3A_44] : memref<320000xf32, #tpu.memory_space<hbm>> -> memref<320000xf32, #tpu.memory_space<hbm>>
        tpu.enqueue_indirect_dma source(%dma_start3A_45 : memref<320000xf32, #tpu.memory_space<hbm>>) target(%dma_start3A_41 : memref<128xf32, #tpu.memory_space<vmem>>) offsets(%dma_start3A_43 : memref<128xi32, #tpu.memory_space<vmem>>) semaphore(%arg15 : memref<!tpu.dma_semaphore, #tpu.memory_space<semaphore_mem>>)
        %dma_start3A_46 = arith.constant 128 : i32
        %dma_start3A_47 = arith.constant 0 : i32
        %dma_start3A_48 = tpu.memref_slice %arg11[%dma_start3A_46, %dma_start3A_47] : memref<640x128xf32, #tpu.memory_space<vmem>> -> memref<128x128xf32, #tpu.memory_space<vmem>>
        %dma_start3A_49 = arith.constant 128 : i32
        %dma_start3A_50 = tpu.memref_slice %arg9[%dma_start3A_49] : memref<640xi32, #tpu.memory_space<vmem>> -> memref<128xi32, #tpu.memory_space<vmem>>
        %dma_start3A_51 = arith.constant 0 : i32
        %dma_start3A_52 = arith.constant 0 : i32
        %dma_start3A_53 = tpu.memref_slice %arg2[%dma_start3A_51, %dma_start3A_52] : memref<320000x128xf32, #tpu.memory_space<hbm>> -> memref<320000x128xf32, #tpu.memory_space<hbm>>
        tpu.enqueue_indirect_dma source(%dma_start3A_53 : memref<320000x128xf32, #tpu.memory_space<hbm>>) target(%dma_start3A_48 : memref<128x128xf32, #tpu.memory_space<vmem>>) offsets(%dma_start3A_50 : memref<128xi32, #tpu.memory_space<vmem>>) semaphore(%arg15 : memref<!tpu.dma_semaphore, #tpu.memory_space<semaphore_mem>>)
        %dma_start3A_54 = arith.constant 128 : i32
        %dma_start3A_55 = tpu.memref_slice %arg12[%dma_start3A_54] : memref<640xf32, #tpu.memory_space<vmem>> -> memref<128xf32, #tpu.memory_space<vmem>>
        %dma_start3A_56 = arith.constant 128 : i32
        %dma_start3A_57 = tpu.memref_slice %arg10[%dma_start3A_56] : memref<640xi32, #tpu.memory_space<vmem>> -> memref<128xi32, #tpu.memory_space<vmem>>
        %dma_start3A_58 = arith.constant 0 : i32
        %dma_start3A_59 = tpu.memref_slice %arg3[%dma_start3A_58] : memref<320000xf32, #tpu.memory_space<hbm>> -> memref<320000xf32, #tpu.memory_space<hbm>>
        tpu.enqueue_indirect_dma source(%dma_start3A_59 : memref<320000xf32, #tpu.memory_space<hbm>>) target(%dma_start3A_55 : memref<128xf32, #tpu.memory_space<vmem>>) offsets(%dma_start3A_57 : memref<128xi32, #tpu.memory_space<vmem>>) semaphore(%arg15 : memref<!tpu.dma_semaphore, #tpu.memory_space<semaphore_mem>>)
        %dma_start3A_60 = arith.constant 128 : i32
        %dma_start3A_61 = tpu.memref_slice %arg13[%dma_start3A_60] : memref<640xf32, #tpu.memory_space<vmem>> -> memref<128xf32, #tpu.memory_space<vmem>>
        %dma_start3A_62 = arith.constant 128 : i32
        %dma_start3A_63 = tpu.memref_slice %arg10[%dma_start3A_62] : memref<640xi32, #tpu.memory_space<vmem>> -> memref<128xi32, #tpu.memory_space<vmem>>
        %dma_start3A_64 = arith.constant 0 : i32
        %dma_start3A_65 = tpu.memref_slice %arg4[%dma_start3A_64] : memref<320000xf32, #tpu.memory_space<hbm>> -> memref<320000xf32, #tpu.memory_space<hbm>>
        tpu.enqueue_indirect_dma source(%dma_start3A_65 : memref<320000xf32, #tpu.memory_space<hbm>>) target(%dma_start3A_61 : memref<128xf32, #tpu.memory_space<vmem>>) offsets(%dma_start3A_63 : memref<128xi32, #tpu.memory_space<vmem>>) semaphore(%arg15 : memref<!tpu.dma_semaphore, #tpu.memory_space<semaphore_mem>>)
        %dma_start3A_66 = arith.constant 128 : i32
        %dma_start3A_67 = tpu.memref_slice %arg14[%dma_start3A_66] : memref<640xf32, #tpu.memory_space<vmem>> -> memref<128xf32, #tpu.memory_space<vmem>>
        %dma_start3A_68 = arith.constant 128 : i32
        %dma_start3A_69 = tpu.memref_slice %arg10[%dma_start3A_68] : memref<640xi32, #tpu.memory_space<vmem>> -> memref<128xi32, #tpu.memory_space<vmem>>
        %dma_start3A_70 = arith.constant 0 : i32
        %dma_start3A_71 = tpu.memref_slice %arg5[%dma_start3A_70] : memref<320000xf32, #tpu.memory_space<hbm>> -> memref<320000xf32, #tpu.memory_space<hbm>>
        tpu.enqueue_indirect_dma source(%dma_start3A_71 : memref<320000xf32, #tpu.memory_space<hbm>>) target(%dma_start3A_67 : memref<128xf32, #tpu.memory_space<vmem>>) offsets(%dma_start3A_69 : memref<128xi32, #tpu.memory_space<vmem>>) semaphore(%arg15 : memref<!tpu.dma_semaphore, #tpu.memory_space<semaphore_mem>>)
        %dma_start3A_72 = arith.constant 256 : i32
        %dma_start3A_73 = arith.constant 0 : i32
        %dma_start3A_74 = tpu.memref_slice %arg11[%dma_start3A_72, %dma_start3A_73] : memref<640x128xf32, #tpu.memory_space<vmem>> -> memref<128x128xf32, #tpu.memory_space<vmem>>
        %dma_start3A_75 = arith.constant 256 : i32
        %dma_start3A_76 = tpu.memref_slice %arg9[%dma_start3A_75] : memref<640xi32, #tpu.memory_space<vmem>> -> memref<128xi32, #tpu.memory_space<vmem>>
        %dma_start3A_77 = arith.constant 0 : i32
        %dma_start3A_78 = arith.constant 0 : i32
        %dma_start3A_79 = tpu.memref_slice %arg2[%dma_start3A_77, %dma_start3A_78] : memref<320000x128xf32, #tpu.memory_space<hbm>> -> memref<320000x128xf32, #tpu.memory_space<hbm>>
        tpu.enqueue_indirect_dma source(%dma_start3A_79 : memref<320000x128xf32, #tpu.memory_space<hbm>>) target(%dma_start3A_74 : memref<128x128xf32, #tpu.memory_space<vmem>>) offsets(%dma_start3A_76 : memref<128xi32, #tpu.memory_space<vmem>>) semaphore(%arg15 : memref<!tpu.dma_semaphore, #tpu.memory_space<semaphore_mem>>)
        %dma_start3A_80 = arith.constant 256 : i32
        %dma_start3A_81 = tpu.memref_slice %arg12[%dma_start3A_80] : memref<640xf32, #tpu.memory_space<vmem>> -> memref<128xf32, #tpu.memory_space<vmem>>
        %dma_start3A_82 = arith.constant 256 : i32
        %dma_start3A_83 = tpu.memref_slice %arg10[%dma_start3A_82] : memref<640xi32, #tpu.memory_space<vmem>> -> memref<128xi32, #tpu.memory_space<vmem>>
        %dma_start3A_84 = arith.constant 0 : i32
        %dma_start3A_85 = tpu.memref_slice %arg3[%dma_start3A_84] : memref<320000xf32, #tpu.memory_space<hbm>> -> memref<320000xf32, #tpu.memory_space<hbm>>
        tpu.enqueue_indirect_dma source(%dma_start3A_85 : memref<320000xf32, #tpu.memory_space<hbm>>) target(%dma_start3A_81 : memref<128xf32, #tpu.memory_space<vmem>>) offsets(%dma_start3A_83 : memref<128xi32, #tpu.memory_space<vmem>>) semaphore(%arg15 : memref<!tpu.dma_semaphore, #tpu.memory_space<semaphore_mem>>)
        %dma_start3A_86 = arith.constant 256 : i32
        %dma_start3A_87 = tpu.memref_slice %arg13[%dma_start3A_86] : memref<640xf32, #tpu.memory_space<vmem>> -> memref<128xf32, #tpu.memory_space<vmem>>
        %dma_start3A_88 = arith.constant 256 : i32
        %dma_start3A_89 = tpu.memref_slice %arg10[%dma_start3A_88] : memref<640xi32, #tpu.memory_space<vmem>> -> memref<128xi32, #tpu.memory_space<vmem>>
        %dma_start3A_90 = arith.constant 0 : i32
        %dma_start3A_91 = tpu.memref_slice %arg4[%dma_start3A_90] : memref<320000xf32, #tpu.memory_space<hbm>> -> memref<320000xf32, #tpu.memory_space<hbm>>
        tpu.enqueue_indirect_dma source(%dma_start3A_91 : memref<320000xf32, #tpu.memory_space<hbm>>) target(%dma_start3A_87 : memref<128xf32, #tpu.memory_space<vmem>>) offsets(%dma_start3A_89 : memref<128xi32, #tpu.memory_space<vmem>>) semaphore(%arg15 : memref<!tpu.dma_semaphore, #tpu.memory_space<semaphore_mem>>)
        %dma_start3A_92 = arith.constant 256 : i32
        %dma_start3A_93 = tpu.memref_slice %arg14[%dma_start3A_92] : memref<640xf32, #tpu.memory_space<vmem>> -> memref<128xf32, #tpu.memory_space<vmem>>
        %dma_start3A_94 = arith.constant 256 : i32
        %dma_start3A_95 = tpu.memref_slice %arg10[%dma_start3A_94] : memref<640xi32, #tpu.memory_space<vmem>> -> memref<128xi32, #tpu.memory_space<vmem>>
        %dma_start3A_96 = arith.constant 0 : i32
        %dma_start3A_97 = tpu.memref_slice %arg5[%dma_start3A_96] : memref<320000xf32, #tpu.memory_space<hbm>> -> memref<320000xf32, #tpu.memory_space<hbm>>
        tpu.enqueue_indirect_dma source(%dma_start3A_97 : memref<320000xf32, #tpu.memory_space<hbm>>) target(%dma_start3A_93 : memref<128xf32, #tpu.memory_space<vmem>>) offsets(%dma_start3A_95 : memref<128xi32, #tpu.memory_space<vmem>>) semaphore(%arg15 : memref<!tpu.dma_semaphore, #tpu.memory_space<semaphore_mem>>)
        %dma_start3A_98 = arith.constant 384 : i32
        %dma_start3A_99 = arith.constant 0 : i32
        %dma_start3A_100 = tpu.memref_slice %arg11[%dma_start3A_98, %dma_start3A_99] : memref<640x128xf32, #tpu.memory_space<vmem>> -> memref<128x128xf32, #tpu.memory_space<vmem>>
        %dma_start3A_101 = arith.constant 384 : i32
        %dma_start3A_102 = tpu.memref_slice %arg9[%dma_start3A_101] : memref<640xi32, #tpu.memory_space<vmem>> -> memref<128xi32, #tpu.memory_space<vmem>>
        %dma_start3A_103 = arith.constant 0 : i32
        %dma_start3A_104 = arith.constant 0 : i32
        %dma_start3A_105 = tpu.memref_slice %arg2[%dma_start3A_103, %dma_start3A_104] : memref<320000x128xf32, #tpu.memory_space<hbm>> -> memref<320000x128xf32, #tpu.memory_space<hbm>>
        tpu.enqueue_indirect_dma source(%dma_start3A_105 : memref<320000x128xf32, #tpu.memory_space<hbm>>) target(%dma_start3A_100 : memref<128x128xf32, #tpu.memory_space<vmem>>) offsets(%dma_start3A_102 : memref<128xi32, #tpu.memory_space<vmem>>) semaphore(%arg15 : memref<!tpu.dma_semaphore, #tpu.memory_space<semaphore_mem>>)
        %dma_start3A_106 = arith.constant 384 : i32
        %dma_start3A_107 = tpu.memref_slice %arg12[%dma_start3A_106] : memref<640xf32, #tpu.memory_space<vmem>> -> memref<128xf32, #tpu.memory_space<vmem>>
        %dma_start3A_108 = arith.constant 384 : i32
        %dma_start3A_109 = tpu.memref_slice %arg10[%dma_start3A_108] : memref<640xi32, #tpu.memory_space<vmem>> -> memref<128xi32, #tpu.memory_space<vmem>>
        %dma_start3A_110 = arith.constant 0 : i32
        %dma_start3A_111 = tpu.memref_slice %arg3[%dma_start3A_110] : memref<320000xf32, #tpu.memory_space<hbm>> -> memref<320000xf32, #tpu.memory_space<hbm>>
        tpu.enqueue_indirect_dma source(%dma_start3A_111 : memref<320000xf32, #tpu.memory_space<hbm>>) target(%dma_start3A_107 : memref<128xf32, #tpu.memory_space<vmem>>) offsets(%dma_start3A_109 : memref<128xi32, #tpu.memory_space<vmem>>) semaphore(%arg15 : memref<!tpu.dma_semaphore, #tpu.memory_space<semaphore_mem>>)
        %dma_start3A_112 = arith.constant 384 : i32
        %dma_start3A_113 = tpu.memref_slice %arg13[%dma_start3A_112] : memref<640xf32, #tpu.memory_space<vmem>> -> memref<128xf32, #tpu.memory_space<vmem>>
        %dma_start3A_114 = arith.constant 384 : i32
        %dma_start3A_115 = tpu.memref_slice %arg10[%dma_start3A_114] : memref<640xi32, #tpu.memory_space<vmem>> -> memref<128xi32, #tpu.memory_space<vmem>>
        %dma_start3A_116 = arith.constant 0 : i32
        %dma_start3A_117 = tpu.memref_slice %arg4[%dma_start3A_116] : memref<320000xf32, #tpu.memory_space<hbm>> -> memref<320000xf32, #tpu.memory_space<hbm>>
        tpu.enqueue_indirect_dma source(%dma_start3A_117 : memref<320000xf32, #tpu.memory_space<hbm>>) target(%dma_start3A_113 : memref<128xf32, #tpu.memory_space<vmem>>) offsets(%dma_start3A_115 : memref<128xi32, #tpu.memory_space<vmem>>) semaphore(%arg15 : memref<!tpu.dma_semaphore, #tpu.memory_space<semaphore_mem>>)
        %dma_start3A_118 = arith.constant 384 : i32
        %dma_start3A_119 = tpu.memref_slice %arg14[%dma_start3A_118] : memref<640xf32, #tpu.memory_space<vmem>> -> memref<128xf32, #tpu.memory_space<vmem>>
        %dma_start3A_120 = arith.constant 384 : i32
        %dma_start3A_121 = tpu.memref_slice %arg10[%dma_start3A_120] : memref<640xi32, #tpu.memory_space<vmem>> -> memref<128xi32, #tpu.memory_space<vmem>>
        %dma_start3A_122 = arith.constant 0 : i32
        %dma_start3A_123 = tpu.memref_slice %arg5[%dma_start3A_122] : memref<320000xf32, #tpu.memory_space<hbm>> -> memref<320000xf32, #tpu.memory_space<hbm>>
        tpu.enqueue_indirect_dma source(%dma_start3A_123 : memref<320000xf32, #tpu.memory_space<hbm>>) target(%dma_start3A_119 : memref<128xf32, #tpu.memory_space<vmem>>) offsets(%dma_start3A_121 : memref<128xi32, #tpu.memory_space<vmem>>) semaphore(%arg15 : memref<!tpu.dma_semaphore, #tpu.memory_space<semaphore_mem>>)
        %dma_start3A_124 = arith.constant 512 : i32
        %dma_start3A_125 = arith.constant 0 : i32
        %dma_start3A_126 = tpu.memref_slice %arg11[%dma_start3A_124, %dma_start3A_125] : memref<640x128xf32, #tpu.memory_space<vmem>> -> memref<128x128xf32, #tpu.memory_space<vmem>>
        %dma_start3A_127 = arith.constant 512 : i32
        %dma_start3A_128 = tpu.memref_slice %arg9[%dma_start3A_127] : memref<640xi32, #tpu.memory_space<vmem>> -> memref<128xi32, #tpu.memory_space<vmem>>
        %dma_start3A_129 = arith.constant 0 : i32
        %dma_start3A_130 = arith.constant 0 : i32
        %dma_start3A_131 = tpu.memref_slice %arg2[%dma_start3A_129, %dma_start3A_130] : memref<320000x128xf32, #tpu.memory_space<hbm>> -> memref<320000x128xf32, #tpu.memory_space<hbm>>
        tpu.enqueue_indirect_dma source(%dma_start3A_131 : memref<320000x128xf32, #tpu.memory_space<hbm>>) target(%dma_start3A_126 : memref<128x128xf32, #tpu.memory_space<vmem>>) offsets(%dma_start3A_128 : memref<128xi32, #tpu.memory_space<vmem>>) semaphore(%arg15 : memref<!tpu.dma_semaphore, #tpu.memory_space<semaphore_mem>>)
        %dma_start3A_132 = arith.constant 512 : i32
        %dma_start3A_133 = tpu.memref_slice %arg12[%dma_start3A_132] : memref<640xf32, #tpu.memory_space<vmem>> -> memref<128xf32, #tpu.memory_space<vmem>>
        %dma_start3A_134 = arith.constant 512 : i32
        %dma_start3A_135 = tpu.memref_slice %arg10[%dma_start3A_134] : memref<640xi32, #tpu.memory_space<vmem>> -> memref<128xi32, #tpu.memory_space<vmem>>
        %dma_start3A_136 = arith.constant 0 : i32
        %dma_start3A_137 = tpu.memref_slice %arg3[%dma_start3A_136] : memref<320000xf32, #tpu.memory_space<hbm>> -> memref<320000xf32, #tpu.memory_space<hbm>>
        tpu.enqueue_indirect_dma source(%dma_start3A_137 : memref<320000xf32, #tpu.memory_space<hbm>>) target(%dma_start3A_133 : memref<128xf32, #tpu.memory_space<vmem>>) offsets(%dma_start3A_135 : memref<128xi32, #tpu.memory_space<vmem>>) semaphore(%arg15 : memref<!tpu.dma_semaphore, #tpu.memory_space<semaphore_mem>>)
        %dma_start3A_138 = arith.constant 512 : i32
        %dma_start3A_139 = tpu.memref_slice %arg13[%dma_start3A_138] : memref<640xf32, #tpu.memory_space<vmem>> -> memref<128xf32, #tpu.memory_space<vmem>>
        %dma_start3A_140 = arith.constant 512 : i32
        %dma_start3A_141 = tpu.memref_slice %arg10[%dma_start3A_140] : memref<640xi32, #tpu.memory_space<vmem>> -> memref<128xi32, #tpu.memory_space<vmem>>
        %dma_start3A_142 = arith.constant 0 : i32
        %dma_start3A_143 = tpu.memref_slice %arg4[%dma_start3A_142] : memref<320000xf32, #tpu.memory_space<hbm>> -> memref<320000xf32, #tpu.memory_space<hbm>>
        tpu.enqueue_indirect_dma source(%dma_start3A_143 : memref<320000xf32, #tpu.memory_space<hbm>>) target(%dma_start3A_139 : memref<128xf32, #tpu.memory_space<vmem>>) offsets(%dma_start3A_141 : memref<128xi32, #tpu.memory_space<vmem>>) semaphore(%arg15 : memref<!tpu.dma_semaphore, #tpu.memory_space<semaphore_mem>>)
        %dma_start3A_144 = arith.constant 512 : i32
        %dma_start3A_145 = tpu.memref_slice %arg14[%dma_start3A_144] : memref<640xf32, #tpu.memory_space<vmem>> -> memref<128xf32, #tpu.memory_space<vmem>>
        %dma_start3A_146 = arith.constant 512 : i32
        %dma_start3A_147 = tpu.memref_slice %arg10[%dma_start3A_146] : memref<640xi32, #tpu.memory_space<vmem>> -> memref<128xi32, #tpu.memory_space<vmem>>
        %dma_start3A_148 = arith.constant 0 : i32
        %dma_start3A_149 = tpu.memref_slice %arg5[%dma_start3A_148] : memref<320000xf32, #tpu.memory_space<hbm>> -> memref<320000xf32, #tpu.memory_space<hbm>>
        tpu.enqueue_indirect_dma source(%dma_start3A_149 : memref<320000xf32, #tpu.memory_space<hbm>>) target(%dma_start3A_145 : memref<128xf32, #tpu.memory_space<vmem>>) offsets(%dma_start3A_147 : memref<128xi32, #tpu.memory_space<vmem>>) semaphore(%arg15 : memref<!tpu.dma_semaphore, #tpu.memory_space<semaphore_mem>>)
        %dma_wait3A_150 = arith.constant 0 : i32
        %dma_wait3A_151 = arith.constant 0 : i32
        %dma_wait3A_152 = tpu.memref_slice %arg11[%dma_wait3A_150, %dma_wait3A_151] : memref<640x128xf32, #tpu.memory_space<vmem>> -> memref<128x128xf32, #tpu.memory_space<vmem>>
        %dma_wait3A_153 = arith.constant 0 : i32
        %dma_wait3A_154 = tpu.memref_slice %arg9[%dma_wait3A_153] : memref<640xi32, #tpu.memory_space<vmem>> -> memref<128xi32, #tpu.memory_space<vmem>>
        %dma_wait3A_155 = arith.constant 0 : i32
        %dma_wait3A_156 = arith.constant 0 : i32
        %dma_wait3A_157 = tpu.memref_slice %arg2[%dma_wait3A_155, %dma_wait3A_156] : memref<320000x128xf32, #tpu.memory_space<hbm>> -> memref<320000x128xf32, #tpu.memory_space<hbm>>
        tpu.wait_indirect_dma semaphore(%arg15 : memref<!tpu.dma_semaphore, #tpu.memory_space<semaphore_mem>>) src(%dma_wait3A_157 : memref<320000x128xf32, #tpu.memory_space<hbm>>) dst(%dma_wait3A_152 : memref<128x128xf32, #tpu.memory_space<vmem>>)
        %dma_wait3A_158 = arith.constant 0 : i32
        %dma_wait3A_159 = tpu.memref_slice %arg12[%dma_wait3A_158] : memref<640xf32, #tpu.memory_space<vmem>> -> memref<128xf32, #tpu.memory_space<vmem>>
        %dma_wait3A_160 = arith.constant 0 : i32
        %dma_wait3A_161 = tpu.memref_slice %arg10[%dma_wait3A_160] : memref<640xi32, #tpu.memory_space<vmem>> -> memref<128xi32, #tpu.memory_space<vmem>>
        %dma_wait3A_162 = arith.constant 0 : i32
        %dma_wait3A_163 = tpu.memref_slice %arg3[%dma_wait3A_162] : memref<320000xf32, #tpu.memory_space<hbm>> -> memref<320000xf32, #tpu.memory_space<hbm>>
        tpu.wait_indirect_dma semaphore(%arg15 : memref<!tpu.dma_semaphore, #tpu.memory_space<semaphore_mem>>) src(%dma_wait3A_163 : memref<320000xf32, #tpu.memory_space<hbm>>) dst(%dma_wait3A_159 : memref<128xf32, #tpu.memory_space<vmem>>)
        %dma_wait3A_164 = arith.constant 0 : i32
        %dma_wait3A_165 = tpu.memref_slice %arg13[%dma_wait3A_164] : memref<640xf32, #tpu.memory_space<vmem>> -> memref<128xf32, #tpu.memory_space<vmem>>
        %dma_wait3A_166 = arith.constant 0 : i32
        %dma_wait3A_167 = tpu.memref_slice %arg10[%dma_wait3A_166] : memref<640xi32, #tpu.memory_space<vmem>> -> memref<128xi32, #tpu.memory_space<vmem>>
        %dma_wait3A_168 = arith.constant 0 : i32
        %dma_wait3A_169 = tpu.memref_slice %arg4[%dma_wait3A_168] : memref<320000xf32, #tpu.memory_space<hbm>> -> memref<320000xf32, #tpu.memory_space<hbm>>
        tpu.wait_indirect_dma semaphore(%arg15 : memref<!tpu.dma_semaphore, #tpu.memory_space<semaphore_mem>>) src(%dma_wait3A_169 : memref<320000xf32, #tpu.memory_space<hbm>>) dst(%dma_wait3A_165 : memref<128xf32, #tpu.memory_space<vmem>>)
        %dma_wait3A_170 = arith.constant 0 : i32
        %dma_wait3A_171 = tpu.memref_slice %arg14[%dma_wait3A_170] : memref<640xf32, #tpu.memory_space<vmem>> -> memref<128xf32, #tpu.memory_space<vmem>>
        %dma_wait3A_172 = arith.constant 0 : i32
        %dma_wait3A_173 = tpu.memref_slice %arg10[%dma_wait3A_172] : memref<640xi32, #tpu.memory_space<vmem>> -> memref<128xi32, #tpu.memory_space<vmem>>
        %dma_wait3A_174 = arith.constant 0 : i32
        %dma_wait3A_175 = tpu.memref_slice %arg5[%dma_wait3A_174] : memref<320000xf32, #tpu.memory_space<hbm>> -> memref<320000xf32, #tpu.memory_space<hbm>>
        tpu.wait_indirect_dma semaphore(%arg15 : memref<!tpu.dma_semaphore, #tpu.memory_space<semaphore_mem>>) src(%dma_wait3A_175 : memref<320000xf32, #tpu.memory_space<hbm>>) dst(%dma_wait3A_171 : memref<128xf32, #tpu.memory_space<vmem>>)
        %dma_wait3A_176 = arith.constant 128 : i32
        %dma_wait3A_177 = arith.constant 0 : i32
        %dma_wait3A_178 = tpu.memref_slice %arg11[%dma_wait3A_176, %dma_wait3A_177] : memref<640x128xf32, #tpu.memory_space<vmem>> -> memref<128x128xf32, #tpu.memory_space<vmem>>
        %dma_wait3A_179 = arith.constant 128 : i32
        %dma_wait3A_180 = tpu.memref_slice %arg9[%dma_wait3A_179] : memref<640xi32, #tpu.memory_space<vmem>> -> memref<128xi32, #tpu.memory_space<vmem>>
        %dma_wait3A_181 = arith.constant 0 : i32
        %dma_wait3A_182 = arith.constant 0 : i32
        %dma_wait3A_183 = tpu.memref_slice %arg2[%dma_wait3A_181, %dma_wait3A_182] : memref<320000x128xf32, #tpu.memory_space<hbm>> -> memref<320000x128xf32, #tpu.memory_space<hbm>>
        tpu.wait_indirect_dma semaphore(%arg15 : memref<!tpu.dma_semaphore, #tpu.memory_space<semaphore_mem>>) src(%dma_wait3A_183 : memref<320000x128xf32, #tpu.memory_space<hbm>>) dst(%dma_wait3A_178 : memref<128x128xf32, #tpu.memory_space<vmem>>)
        %dma_wait3A_184 = arith.constant 128 : i32
        %dma_wait3A_185 = tpu.memref_slice %arg12[%dma_wait3A_184] : memref<640xf32, #tpu.memory_space<vmem>> -> memref<128xf32, #tpu.memory_space<vmem>>
        %dma_wait3A_186 = arith.constant 128 : i32
        %dma_wait3A_187 = tpu.memref_slice %arg10[%dma_wait3A_186] : memref<640xi32, #tpu.memory_space<vmem>> -> memref<128xi32, #tpu.memory_space<vmem>>
        %dma_wait3A_188 = arith.constant 0 : i32
        %dma_wait3A_189 = tpu.memref_slice %arg3[%dma_wait3A_188] : memref<320000xf32, #tpu.memory_space<hbm>> -> memref<320000xf32, #tpu.memory_space<hbm>>
        tpu.wait_indirect_dma semaphore(%arg15 : memref<!tpu.dma_semaphore, #tpu.memory_space<semaphore_mem>>) src(%dma_wait3A_189 : memref<320000xf32, #tpu.memory_space<hbm>>) dst(%dma_wait3A_185 : memref<128xf32, #tpu.memory_space<vmem>>)
        %dma_wait3A_190 = arith.constant 128 : i32
        %dma_wait3A_191 = tpu.memref_slice %arg13[%dma_wait3A_190] : memref<640xf32, #tpu.memory_space<vmem>> -> memref<128xf32, #tpu.memory_space<vmem>>
        %dma_wait3A_192 = arith.constant 128 : i32
        %dma_wait3A_193 = tpu.memref_slice %arg10[%dma_wait3A_192] : memref<640xi32, #tpu.memory_space<vmem>> -> memref<128xi32, #tpu.memory_space<vmem>>
        %dma_wait3A_194 = arith.constant 0 : i32
        %dma_wait3A_195 = tpu.memref_slice %arg4[%dma_wait3A_194] : memref<320000xf32, #tpu.memory_space<hbm>> -> memref<320000xf32, #tpu.memory_space<hbm>>
        tpu.wait_indirect_dma semaphore(%arg15 : memref<!tpu.dma_semaphore, #tpu.memory_space<semaphore_mem>>) src(%dma_wait3A_195 : memref<320000xf32, #tpu.memory_space<hbm>>) dst(%dma_wait3A_191 : memref<128xf32, #tpu.memory_space<vmem>>)
        %dma_wait3A_196 = arith.constant 128 : i32
        %dma_wait3A_197 = tpu.memref_slice %arg14[%dma_wait3A_196] : memref<640xf32, #tpu.memory_space<vmem>> -> memref<128xf32, #tpu.memory_space<vmem>>
        %dma_wait3A_198 = arith.constant 128 : i32
        %dma_wait3A_199 = tpu.memref_slice %arg10[%dma_wait3A_198] : memref<640xi32, #tpu.memory_space<vmem>> -> memref<128xi32, #tpu.memory_space<vmem>>
        %dma_wait3A_200 = arith.constant 0 : i32
        %dma_wait3A_201 = tpu.memref_slice %arg5[%dma_wait3A_200] : memref<320000xf32, #tpu.memory_space<hbm>> -> memref<320000xf32, #tpu.memory_space<hbm>>
        tpu.wait_indirect_dma semaphore(%arg15 : memref<!tpu.dma_semaphore, #tpu.memory_space<semaphore_mem>>) src(%dma_wait3A_201 : memref<320000xf32, #tpu.memory_space<hbm>>) dst(%dma_wait3A_197 : memref<128xf32, #tpu.memory_space<vmem>>)
        %dma_wait3A_202 = arith.constant 256 : i32
        %dma_wait3A_203 = arith.constant 0 : i32
        %dma_wait3A_204 = tpu.memref_slice %arg11[%dma_wait3A_202, %dma_wait3A_203] : memref<640x128xf32, #tpu.memory_space<vmem>> -> memref<128x128xf32, #tpu.memory_space<vmem>>
        %dma_wait3A_205 = arith.constant 256 : i32
        %dma_wait3A_206 = tpu.memref_slice %arg9[%dma_wait3A_205] : memref<640xi32, #tpu.memory_space<vmem>> -> memref<128xi32, #tpu.memory_space<vmem>>
        %dma_wait3A_207 = arith.constant 0 : i32
        %dma_wait3A_208 = arith.constant 0 : i32
        %dma_wait3A_209 = tpu.memref_slice %arg2[%dma_wait3A_207, %dma_wait3A_208] : memref<320000x128xf32, #tpu.memory_space<hbm>> -> memref<320000x128xf32, #tpu.memory_space<hbm>>
        tpu.wait_indirect_dma semaphore(%arg15 : memref<!tpu.dma_semaphore, #tpu.memory_space<semaphore_mem>>) src(%dma_wait3A_209 : memref<320000x128xf32, #tpu.memory_space<hbm>>) dst(%dma_wait3A_204 : memref<128x128xf32, #tpu.memory_space<vmem>>)
        %dma_wait3A_210 = arith.constant 256 : i32
        %dma_wait3A_211 = tpu.memref_slice %arg12[%dma_wait3A_210] : memref<640xf32, #tpu.memory_space<vmem>> -> memref<128xf32, #tpu.memory_space<vmem>>
        %dma_wait3A_212 = arith.constant 256 : i32
        %dma_wait3A_213 = tpu.memref_slice %arg10[%dma_wait3A_212] : memref<640xi32, #tpu.memory_space<vmem>> -> memref<128xi32, #tpu.memory_space<vmem>>
        %dma_wait3A_214 = arith.constant 0 : i32
        %dma_wait3A_215 = tpu.memref_slice %arg3[%dma_wait3A_214] : memref<320000xf32, #tpu.memory_space<hbm>> -> memref<320000xf32, #tpu.memory_space<hbm>>
        tpu.wait_indirect_dma semaphore(%arg15 : memref<!tpu.dma_semaphore, #tpu.memory_space<semaphore_mem>>) src(%dma_wait3A_215 : memref<320000xf32, #tpu.memory_space<hbm>>) dst(%dma_wait3A_211 : memref<128xf32, #tpu.memory_space<vmem>>)
        %dma_wait3A_216 = arith.constant 256 : i32
        %dma_wait3A_217 = tpu.memref_slice %arg13[%dma_wait3A_216] : memref<640xf32, #tpu.memory_space<vmem>> -> memref<128xf32, #tpu.memory_space<vmem>>
        %dma_wait3A_218 = arith.constant 256 : i32
        %dma_wait3A_219 = tpu.memref_slice %arg10[%dma_wait3A_218] : memref<640xi32, #tpu.memory_space<vmem>> -> memref<128xi32, #tpu.memory_space<vmem>>
        %dma_wait3A_220 = arith.constant 0 : i32
        %dma_wait3A_221 = tpu.memref_slice %arg4[%dma_wait3A_220] : memref<320000xf32, #tpu.memory_space<hbm>> -> memref<320000xf32, #tpu.memory_space<hbm>>
        tpu.wait_indirect_dma semaphore(%arg15 : memref<!tpu.dma_semaphore, #tpu.memory_space<semaphore_mem>>) src(%dma_wait3A_221 : memref<320000xf32, #tpu.memory_space<hbm>>) dst(%dma_wait3A_217 : memref<128xf32, #tpu.memory_space<vmem>>)
        %dma_wait3A_222 = arith.constant 256 : i32
        %dma_wait3A_223 = tpu.memref_slice %arg14[%dma_wait3A_222] : memref<640xf32, #tpu.memory_space<vmem>> -> memref<128xf32, #tpu.memory_space<vmem>>
        %dma_wait3A_224 = arith.constant 256 : i32
        %dma_wait3A_225 = tpu.memref_slice %arg10[%dma_wait3A_224] : memref<640xi32, #tpu.memory_space<vmem>> -> memref<128xi32, #tpu.memory_space<vmem>>
        %dma_wait3A_226 = arith.constant 0 : i32
        %dma_wait3A_227 = tpu.memref_slice %arg5[%dma_wait3A_226] : memref<320000xf32, #tpu.memory_space<hbm>> -> memref<320000xf32, #tpu.memory_space<hbm>>
        tpu.wait_indirect_dma semaphore(%arg15 : memref<!tpu.dma_semaphore, #tpu.memory_space<semaphore_mem>>) src(%dma_wait3A_227 : memref<320000xf32, #tpu.memory_space<hbm>>) dst(%dma_wait3A_223 : memref<128xf32, #tpu.memory_space<vmem>>)
        %dma_wait3A_228 = arith.constant 384 : i32
        %dma_wait3A_229 = arith.constant 0 : i32
        %dma_wait3A_230 = tpu.memref_slice %arg11[%dma_wait3A_228, %dma_wait3A_229] : memref<640x128xf32, #tpu.memory_space<vmem>> -> memref<128x128xf32, #tpu.memory_space<vmem>>
        %dma_wait3A_231 = arith.constant 384 : i32
        %dma_wait3A_232 = tpu.memref_slice %arg9[%dma_wait3A_231] : memref<640xi32, #tpu.memory_space<vmem>> -> memref<128xi32, #tpu.memory_space<vmem>>
        %dma_wait3A_233 = arith.constant 0 : i32
        %dma_wait3A_234 = arith.constant 0 : i32
        %dma_wait3A_235 = tpu.memref_slice %arg2[%dma_wait3A_233, %dma_wait3A_234] : memref<320000x128xf32, #tpu.memory_space<hbm>> -> memref<320000x128xf32, #tpu.memory_space<hbm>>
        tpu.wait_indirect_dma semaphore(%arg15 : memref<!tpu.dma_semaphore, #tpu.memory_space<semaphore_mem>>) src(%dma_wait3A_235 : memref<320000x128xf32, #tpu.memory_space<hbm>>) dst(%dma_wait3A_230 : memref<128x128xf32, #tpu.memory_space<vmem>>)
        %dma_wait3A_236 = arith.constant 384 : i32
        %dma_wait3A_237 = tpu.memref_slice %arg12[%dma_wait3A_236] : memref<640xf32, #tpu.memory_space<vmem>> -> memref<128xf32, #tpu.memory_space<vmem>>
        %dma_wait3A_238 = arith.constant 384 : i32
        %dma_wait3A_239 = tpu.memref_slice %arg10[%dma_wait3A_238] : memref<640xi32, #tpu.memory_space<vmem>> -> memref<128xi32, #tpu.memory_space<vmem>>
        %dma_wait3A_240 = arith.constant 0 : i32
        %dma_wait3A_241 = tpu.memref_slice %arg3[%dma_wait3A_240] : memref<320000xf32, #tpu.memory_space<hbm>> -> memref<320000xf32, #tpu.memory_space<hbm>>
        tpu.wait_indirect_dma semaphore(%arg15 : memref<!tpu.dma_semaphore, #tpu.memory_space<semaphore_mem>>) src(%dma_wait3A_241 : memref<320000xf32, #tpu.memory_space<hbm>>) dst(%dma_wait3A_237 : memref<128xf32, #tpu.memory_space<vmem>>)
        %dma_wait3A_242 = arith.constant 384 : i32
        %dma_wait3A_243 = tpu.memref_slice %arg13[%dma_wait3A_242] : memref<640xf32, #tpu.memory_space<vmem>> -> memref<128xf32, #tpu.memory_space<vmem>>
        %dma_wait3A_244 = arith.constant 384 : i32
        %dma_wait3A_245 = tpu.memref_slice %arg10[%dma_wait3A_244] : memref<640xi32, #tpu.memory_space<vmem>> -> memref<128xi32, #tpu.memory_space<vmem>>
        %dma_wait3A_246 = arith.constant 0 : i32
        %dma_wait3A_247 = tpu.memref_slice %arg4[%dma_wait3A_246] : memref<320000xf32, #tpu.memory_space<hbm>> -> memref<320000xf32, #tpu.memory_space<hbm>>
        tpu.wait_indirect_dma semaphore(%arg15 : memref<!tpu.dma_semaphore, #tpu.memory_space<semaphore_mem>>) src(%dma_wait3A_247 : memref<320000xf32, #tpu.memory_space<hbm>>) dst(%dma_wait3A_243 : memref<128xf32, #tpu.memory_space<vmem>>)
        %dma_wait3A_248 = arith.constant 384 : i32
        %dma_wait3A_249 = tpu.memref_slice %arg14[%dma_wait3A_248] : memref<640xf32, #tpu.memory_space<vmem>> -> memref<128xf32, #tpu.memory_space<vmem>>
        %dma_wait3A_250 = arith.constant 384 : i32
        %dma_wait3A_251 = tpu.memref_slice %arg10[%dma_wait3A_250] : memref<640xi32, #tpu.memory_space<vmem>> -> memref<128xi32, #tpu.memory_space<vmem>>
        %dma_wait3A_252 = arith.constant 0 : i32
        %dma_wait3A_253 = tpu.memref_slice %arg5[%dma_wait3A_252] : memref<320000xf32, #tpu.memory_space<hbm>> -> memref<320000xf32, #tpu.memory_space<hbm>>
        tpu.wait_indirect_dma semaphore(%arg15 : memref<!tpu.dma_semaphore, #tpu.memory_space<semaphore_mem>>) src(%dma_wait3A_253 : memref<320000xf32, #tpu.memory_space<hbm>>) dst(%dma_wait3A_249 : memref<128xf32, #tpu.memory_space<vmem>>)
        %dma_wait3A_254 = arith.constant 512 : i32
        %dma_wait3A_255 = arith.constant 0 : i32
        %dma_wait3A_256 = tpu.memref_slice %arg11[%dma_wait3A_254, %dma_wait3A_255] : memref<640x128xf32, #tpu.memory_space<vmem>> -> memref<128x128xf32, #tpu.memory_space<vmem>>
        %dma_wait3A_257 = arith.constant 512 : i32
        %dma_wait3A_258 = tpu.memref_slice %arg9[%dma_wait3A_257] : memref<640xi32, #tpu.memory_space<vmem>> -> memref<128xi32, #tpu.memory_space<vmem>>
        %dma_wait3A_259 = arith.constant 0 : i32
        %dma_wait3A_260 = arith.constant 0 : i32
        %dma_wait3A_261 = tpu.memref_slice %arg2[%dma_wait3A_259, %dma_wait3A_260] : memref<320000x128xf32, #tpu.memory_space<hbm>> -> memref<320000x128xf32, #tpu.memory_space<hbm>>
        tpu.wait_indirect_dma semaphore(%arg15 : memref<!tpu.dma_semaphore, #tpu.memory_space<semaphore_mem>>) src(%dma_wait3A_261 : memref<320000x128xf32, #tpu.memory_space<hbm>>) dst(%dma_wait3A_256 : memref<128x128xf32, #tpu.memory_space<vmem>>)
        %dma_wait3A_262 = arith.constant 512 : i32
        %dma_wait3A_263 = tpu.memref_slice %arg12[%dma_wait3A_262] : memref<640xf32, #tpu.memory_space<vmem>> -> memref<128xf32, #tpu.memory_space<vmem>>
        %dma_wait3A_264 = arith.constant 512 : i32
        %dma_wait3A_265 = tpu.memref_slice %arg10[%dma_wait3A_264] : memref<640xi32, #tpu.memory_space<vmem>> -> memref<128xi32, #tpu.memory_space<vmem>>
        %dma_wait3A_266 = arith.constant 0 : i32
        %dma_wait3A_267 = tpu.memref_slice %arg3[%dma_wait3A_266] : memref<320000xf32, #tpu.memory_space<hbm>> -> memref<320000xf32, #tpu.memory_space<hbm>>
        tpu.wait_indirect_dma semaphore(%arg15 : memref<!tpu.dma_semaphore, #tpu.memory_space<semaphore_mem>>) src(%dma_wait3A_267 : memref<320000xf32, #tpu.memory_space<hbm>>) dst(%dma_wait3A_263 : memref<128xf32, #tpu.memory_space<vmem>>)
        %dma_wait3A_268 = arith.constant 512 : i32
        %dma_wait3A_269 = tpu.memref_slice %arg13[%dma_wait3A_268] : memref<640xf32, #tpu.memory_space<vmem>> -> memref<128xf32, #tpu.memory_space<vmem>>
        %dma_wait3A_270 = arith.constant 512 : i32
        %dma_wait3A_271 = tpu.memref_slice %arg10[%dma_wait3A_270] : memref<640xi32, #tpu.memory_space<vmem>> -> memref<128xi32, #tpu.memory_space<vmem>>
        %dma_wait3A_272 = arith.constant 0 : i32
        %dma_wait3A_273 = tpu.memref_slice %arg4[%dma_wait3A_272] : memref<320000xf32, #tpu.memory_space<hbm>> -> memref<320000xf32, #tpu.memory_space<hbm>>
        tpu.wait_indirect_dma semaphore(%arg15 : memref<!tpu.dma_semaphore, #tpu.memory_space<semaphore_mem>>) src(%dma_wait3A_273 : memref<320000xf32, #tpu.memory_space<hbm>>) dst(%dma_wait3A_269 : memref<128xf32, #tpu.memory_space<vmem>>)
        %dma_wait3A_274 = arith.constant 512 : i32
        %dma_wait3A_275 = tpu.memref_slice %arg14[%dma_wait3A_274] : memref<640xf32, #tpu.memory_space<vmem>> -> memref<128xf32, #tpu.memory_space<vmem>>
        %dma_wait3A_276 = arith.constant 512 : i32
        %dma_wait3A_277 = tpu.memref_slice %arg10[%dma_wait3A_276] : memref<640xi32, #tpu.memory_space<vmem>> -> memref<128xi32, #tpu.memory_space<vmem>>
        %dma_wait3A_278 = arith.constant 0 : i32
        %dma_wait3A_279 = tpu.memref_slice %arg5[%dma_wait3A_278] : memref<320000xf32, #tpu.memory_space<hbm>> -> memref<320000xf32, #tpu.memory_space<hbm>>
        tpu.wait_indirect_dma semaphore(%arg15 : memref<!tpu.dma_semaphore, #tpu.memory_space<semaphore_mem>>) src(%dma_wait3A_279 : memref<320000xf32, #tpu.memory_space<hbm>>) dst(%dma_wait3A_275 : memref<128xf32, #tpu.memory_space<vmem>>)
        %scan3A_280 = arith.constant 0 : i32
        %scan3A_281 = arith.constant 0 : i32
        %scan3A_282 = arith.constant 40 : i32
        %scan3A_283 = arith.addi %scan3A_281, %scan3A_282 : i32
        %scan3A_284 = arith.constant 1 : i32
        scf.for %scan3A_286 = %scan3A_281 to %scan3A_283 step %scan3A_284  : i32 {
          %mul3A_287 = arith.constant 16 : i32
          %mul3A_288 = arith.muli %scan3A_286, %mul3A_287 : i32
          %iota3A = tpu.iota {dimensions = array<i32: 0>} : vector<16xi32>
          %mul3A_289 = arith.constant 16 : i32
          %mul3A_290 = arith.muli %scan3A_286, %mul3A_289 : i32
          %add3A_291 = vector.broadcast %mul3A_290 : i32 to vector<16xi32>
          %add3A_292 = arith.addi %iota3A, %add3A_291 : vector<16xi32>
          %broadcast_in_dim3A = arith.constant 112 : i32
          %broadcast_in_dim3A_293 = vector.broadcast %broadcast_in_dim3A : i32 to vector<16xi32>
          %gather3A = tpu.vector_load_idx %arg11[%add3A_292, %broadcast_in_dim3A_293] : memref<640x128xf32, #tpu.memory_space<vmem>>[vector<16xi32>, vector<16xi32>], vector<16xf32>,
          %get3A = arith.index_cast %mul3A_288 : i32 to index
          %get3A_294 = tpu.vector_load %arg12[%get3A] {strides = array<i32>} : memref<640xf32, #tpu.memory_space<vmem>>, vector<16xf32>,
          %mul3A_295 = arith.mulf %gather3A, %get3A_294 : vector<16xf32>
          %broadcast_in_dim3A_296 = arith.constant 113 : i32
          %broadcast_in_dim3A_297 = vector.broadcast %broadcast_in_dim3A_296 : i32 to vector<16xi32>
          %gather3A_298 = tpu.vector_load_idx %arg11[%add3A_292, %broadcast_in_dim3A_297] : memref<640x128xf32, #tpu.memory_space<vmem>>[vector<16xi32>, vector<16xi32>], vector<16xf32>,
          %get3A_299 = arith.index_cast %mul3A_288 : i32 to index
          %get3A_300 = tpu.vector_load %arg13[%get3A_299] {strides = array<i32>} : memref<640xf32, #tpu.memory_space<vmem>>, vector<16xf32>,
          %mul3A_301 = arith.mulf %gather3A_298, %get3A_300 : vector<16xf32>
          %add3A_302 = arith.addf %mul3A_295, %mul3A_301 : vector<16xf32>
          %broadcast_in_dim3A_303 = arith.constant 114 : i32
          %broadcast_in_dim3A_304 = vector.broadcast %broadcast_in_dim3A_303 : i32 to vector<16xi32>
          %gather3A_305 = tpu.vector_load_idx %arg11[%add3A_292, %broadcast_in_dim3A_304] : memref<640x128xf32, #tpu.memory_space<vmem>>[vector<16xi32>, vector<16xi32>], vector<16xf32>,
          %get3A_306 = arith.index_cast %mul3A_288 : i32 to index
          %get3A_307 = tpu.vector_load %arg14[%get3A_306] {strides = array<i32>} : memref<640xf32, #tpu.memory_space<vmem>>, vector<16xf32>,
          %mul3A_308 = arith.mulf %gather3A_305, %get3A_307 : vector<16xf32>
          %add3A_309 = arith.addf %add3A_302, %mul3A_308 : vector<16xf32>
          %max3A = arith.constant -1.000000e+00 : f32
          %max3A_310 = vector.broadcast %max3A : f32 to vector<16xf32>
          %max3A_311 = arith.maximumf %add3A_309, %max3A_310 : vector<16xf32>
          %min3A = arith.constant 1.000000e+00 : f32
          %min3A_312 = vector.broadcast %min3A : f32 to vector<16xf32>
          %min3A_313 = arith.minimumf %max3A_311, %min3A_312 : vector<16xf32>
          %broadcast_in_dim3A_314 = arith.constant 112 : i32
          %broadcast_in_dim3A_315 = vector.broadcast %broadcast_in_dim3A_314 : i32 to vector<16xi32>
          tpu.vector_store_idx %arg11[%add3A_292, %broadcast_in_dim3A_315], %min3A_313 : memref<640x128xf32, #tpu.memory_space<vmem>>[vector<16xi32>, vector<16xi32>], vector<16xf32>,
        }
        %scan3A_285 = arith.constant 40 : i32
        "tpu.region"() ({
          %run_scoped3A = tpu.sem_alloc : memref<!tpu.dma_semaphore, #tpu.memory_space<semaphore_mem>>
          %dma_start3A_286 = arith.constant 0 : i32
          %dma_start3A_287 = tpu.memref_slice %arg8[%multiple_of3A, %dma_start3A_286] : memref<320000x128xf32, #tpu.memory_space<hbm>> -> memref<640x128xf32, #tpu.memory_space<hbm>>
          %dma_start3A_288 = arith.constant 0 : i32
          %dma_start3A_289 = tpu.memref_slice %arg8[%multiple_of3A, %dma_start3A_288] : memref<320000x128xf32, #tpu.memory_space<hbm>> -> memref<640x128xf32, #tpu.memory_space<hbm>>
          tpu.enqueue_dma source(%arg11 : memref<640x128xf32, #tpu.memory_space<vmem>>) target(%dma_start3A_289 : memref<640x128xf32, #tpu.memory_space<hbm>>) target_semaphore(%run_scoped3A : memref<!tpu.dma_semaphore, #tpu.memory_space<semaphore_mem>>)
          %dma_wait3A_290 = arith.constant 0 : i32
          %dma_wait3A_291 = tpu.memref_slice %arg8[%multiple_of3A, %dma_wait3A_290] : memref<320000x128xf32, #tpu.memory_space<hbm>> -> memref<640x128xf32, #tpu.memory_space<hbm>>
          %dma_wait3A_292 = arith.constant 0 : i32
          %dma_wait3A_293 = tpu.memref_slice %arg8[%multiple_of3A, %dma_wait3A_292] : memref<320000x128xf32, #tpu.memory_space<hbm>> -> memref<640x128xf32, #tpu.memory_space<hbm>>
          tpu.wait_dma2 semaphore(%run_scoped3A : memref<!tpu.dma_semaphore, #tpu.memory_space<semaphore_mem>>) src(%arg11 : memref<640x128xf32, #tpu.memory_space<vmem>>) dst(%dma_wait3A_293 : memref<640x128xf32, #tpu.memory_space<hbm>>)
          tpu.yield
        }) : () -> ()
      } else {
      }
    }
    %scan3A_5 = arith.constant 16 : i32
    return
  }
}

#map = affine_map<(d0, d1) -> (0, 0)>
#map1 = affine_map<(d0, d1) -> (0)>
module attributes {stable_mosaic.version = 14 : i64} {
  func.func @k(%arg0: i32, %arg1: i32, %arg2: memref<10000x128xf32, #tpu.memory_space<hbm>>, %arg3: memref<320000xi32, #tpu.memory_space<hbm>>, %arg4: memref<320000x128xf32, #tpu.memory_space<hbm>>, %arg5: memref<512xi32, #tpu.memory_space<vmem>>, %arg6: memref<512x128xf32, #tpu.memory_space<vmem>>, %arg7: memref<!tpu.dma_semaphore, #tpu.memory_space<semaphore_mem>>) attributes {dimension_semantics = [#tpu.dimension_semantics<core_parallel>, #tpu.dimension_semantics<subcore_parallel>], iteration_bounds = array<i64: 2, 16>, scalar_prefetch = 0 : i64, scratch_operands = 3 : i64, tpu.core_type = #tpu.core_type<sc_vector_subcore>, window_params = [{transform_indices = #map}, {transform_indices = #map1}, {transform_indices = #map}]} {
    %mul3A = arith.constant 2 : i32
    %mul3A_0 = arith.muli %arg1, %mul3A : i32
    %add3A = arith.addi %mul3A_0, %arg0 : i32
    %scan3A = arith.constant 0 : i32
    %scan3A_1 = arith.constant 0 : i32
    %scan3A_2 = arith.constant 20 : i32
    %scan3A_3 = arith.addi %scan3A_1, %scan3A_2 : i32
    %scan3A_4 = arith.constant 1 : i32
    scf.for %scan3A_6 = %scan3A_1 to %scan3A_3 step %scan3A_4  : i32 {
      %mul3A_7 = arith.constant 32 : i32
      %mul3A_8 = arith.muli %scan3A_6, %mul3A_7 : i32
      %add3A_9 = arith.addi %mul3A_8, %add3A : i32
      %lt3A = arith.constant 625 : i32
      %lt3A_10 = arith.cmpi slt, %add3A_9, %lt3A : i32
      %convert_element_type3A = arith.extui %lt3A_10 : i1 to i32
      %cond3A = arith.constant 0 : i32
      %cond3A_11 = arith.cmpi ne, %convert_element_type3A, %cond3A : i32
      scf.if %cond3A_11 {
        %mul3A_12 = arith.constant 512 : i32
        %mul3A_13 = arith.muli %add3A_9, %mul3A_12 : i32
        %multiple_of3A = tpu.assume_multiple %mul3A_13, 8 : i32
        "tpu.region"() ({
          %run_scoped3A = tpu.sem_alloc : memref<!tpu.dma_semaphore, #tpu.memory_space<semaphore_mem>>
          %dma_start3A_76 = tpu.memref_slice %arg3[%multiple_of3A] : memref<320000xi32, #tpu.memory_space<hbm>> -> memref<512xi32, #tpu.memory_space<hbm>>
          %dma_start3A_77 = tpu.memref_slice %arg3[%multiple_of3A] : memref<320000xi32, #tpu.memory_space<hbm>> -> memref<512xi32, #tpu.memory_space<hbm>>
          tpu.enqueue_dma source(%dma_start3A_77 : memref<512xi32, #tpu.memory_space<hbm>>) target(%arg5 : memref<512xi32, #tpu.memory_space<vmem>>) target_semaphore(%run_scoped3A : memref<!tpu.dma_semaphore, #tpu.memory_space<semaphore_mem>>)
          %dma_wait3A_78 = tpu.memref_slice %arg3[%multiple_of3A] : memref<320000xi32, #tpu.memory_space<hbm>> -> memref<512xi32, #tpu.memory_space<hbm>>
          %dma_wait3A_79 = tpu.memref_slice %arg3[%multiple_of3A] : memref<320000xi32, #tpu.memory_space<hbm>> -> memref<512xi32, #tpu.memory_space<hbm>>
          tpu.wait_dma2 semaphore(%run_scoped3A : memref<!tpu.dma_semaphore, #tpu.memory_space<semaphore_mem>>) src(%dma_wait3A_79 : memref<512xi32, #tpu.memory_space<hbm>>) dst(%arg5 : memref<512xi32, #tpu.memory_space<vmem>>)
          tpu.yield
        }) : () -> ()
        %dma_start3A = arith.constant 0 : i32
        %dma_start3A_14 = arith.constant 0 : i32
        %dma_start3A_15 = tpu.memref_slice %arg6[%dma_start3A, %dma_start3A_14] : memref<512x128xf32, #tpu.memory_space<vmem>> -> memref<128x128xf32, #tpu.memory_space<vmem>>
        %dma_start3A_16 = arith.constant 0 : i32
        %dma_start3A_17 = tpu.memref_slice %arg5[%dma_start3A_16] : memref<512xi32, #tpu.memory_space<vmem>> -> memref<128xi32, #tpu.memory_space<vmem>>
        %dma_start3A_18 = arith.constant 0 : i32
        %dma_start3A_19 = arith.constant 0 : i32
        %dma_start3A_20 = tpu.memref_slice %arg2[%dma_start3A_18, %dma_start3A_19] : memref<10000x128xf32, #tpu.memory_space<hbm>> -> memref<10000x128xf32, #tpu.memory_space<hbm>>
        tpu.enqueue_indirect_dma source(%dma_start3A_20 : memref<10000x128xf32, #tpu.memory_space<hbm>>) target(%dma_start3A_15 : memref<128x128xf32, #tpu.memory_space<vmem>>) offsets(%dma_start3A_17 : memref<128xi32, #tpu.memory_space<vmem>>) semaphore(%arg7 : memref<!tpu.dma_semaphore, #tpu.memory_space<semaphore_mem>>)
        %dma_start3A_21 = arith.constant 128 : i32
        %dma_start3A_22 = arith.constant 0 : i32
        %dma_start3A_23 = tpu.memref_slice %arg6[%dma_start3A_21, %dma_start3A_22] : memref<512x128xf32, #tpu.memory_space<vmem>> -> memref<128x128xf32, #tpu.memory_space<vmem>>
        %dma_start3A_24 = arith.constant 128 : i32
        %dma_start3A_25 = tpu.memref_slice %arg5[%dma_start3A_24] : memref<512xi32, #tpu.memory_space<vmem>> -> memref<128xi32, #tpu.memory_space<vmem>>
        %dma_start3A_26 = arith.constant 0 : i32
        %dma_start3A_27 = arith.constant 0 : i32
        %dma_start3A_28 = tpu.memref_slice %arg2[%dma_start3A_26, %dma_start3A_27] : memref<10000x128xf32, #tpu.memory_space<hbm>> -> memref<10000x128xf32, #tpu.memory_space<hbm>>
        tpu.enqueue_indirect_dma source(%dma_start3A_28 : memref<10000x128xf32, #tpu.memory_space<hbm>>) target(%dma_start3A_23 : memref<128x128xf32, #tpu.memory_space<vmem>>) offsets(%dma_start3A_25 : memref<128xi32, #tpu.memory_space<vmem>>) semaphore(%arg7 : memref<!tpu.dma_semaphore, #tpu.memory_space<semaphore_mem>>)
        %dma_start3A_29 = arith.constant 256 : i32
        %dma_start3A_30 = arith.constant 0 : i32
        %dma_start3A_31 = tpu.memref_slice %arg6[%dma_start3A_29, %dma_start3A_30] : memref<512x128xf32, #tpu.memory_space<vmem>> -> memref<128x128xf32, #tpu.memory_space<vmem>>
        %dma_start3A_32 = arith.constant 256 : i32
        %dma_start3A_33 = tpu.memref_slice %arg5[%dma_start3A_32] : memref<512xi32, #tpu.memory_space<vmem>> -> memref<128xi32, #tpu.memory_space<vmem>>
        %dma_start3A_34 = arith.constant 0 : i32
        %dma_start3A_35 = arith.constant 0 : i32
        %dma_start3A_36 = tpu.memref_slice %arg2[%dma_start3A_34, %dma_start3A_35] : memref<10000x128xf32, #tpu.memory_space<hbm>> -> memref<10000x128xf32, #tpu.memory_space<hbm>>
        tpu.enqueue_indirect_dma source(%dma_start3A_36 : memref<10000x128xf32, #tpu.memory_space<hbm>>) target(%dma_start3A_31 : memref<128x128xf32, #tpu.memory_space<vmem>>) offsets(%dma_start3A_33 : memref<128xi32, #tpu.memory_space<vmem>>) semaphore(%arg7 : memref<!tpu.dma_semaphore, #tpu.memory_space<semaphore_mem>>)
        %dma_start3A_37 = arith.constant 384 : i32
        %dma_start3A_38 = arith.constant 0 : i32
        %dma_start3A_39 = tpu.memref_slice %arg6[%dma_start3A_37, %dma_start3A_38] : memref<512x128xf32, #tpu.memory_space<vmem>> -> memref<128x128xf32, #tpu.memory_space<vmem>>
        %dma_start3A_40 = arith.constant 384 : i32
        %dma_start3A_41 = tpu.memref_slice %arg5[%dma_start3A_40] : memref<512xi32, #tpu.memory_space<vmem>> -> memref<128xi32, #tpu.memory_space<vmem>>
        %dma_start3A_42 = arith.constant 0 : i32
        %dma_start3A_43 = arith.constant 0 : i32
        %dma_start3A_44 = tpu.memref_slice %arg2[%dma_start3A_42, %dma_start3A_43] : memref<10000x128xf32, #tpu.memory_space<hbm>> -> memref<10000x128xf32, #tpu.memory_space<hbm>>
        tpu.enqueue_indirect_dma source(%dma_start3A_44 : memref<10000x128xf32, #tpu.memory_space<hbm>>) target(%dma_start3A_39 : memref<128x128xf32, #tpu.memory_space<vmem>>) offsets(%dma_start3A_41 : memref<128xi32, #tpu.memory_space<vmem>>) semaphore(%arg7 : memref<!tpu.dma_semaphore, #tpu.memory_space<semaphore_mem>>)
        %dma_wait3A = arith.constant 0 : i32
        %dma_wait3A_45 = arith.constant 0 : i32
        %dma_wait3A_46 = tpu.memref_slice %arg6[%dma_wait3A, %dma_wait3A_45] : memref<512x128xf32, #tpu.memory_space<vmem>> -> memref<128x128xf32, #tpu.memory_space<vmem>>
        %dma_wait3A_47 = arith.constant 0 : i32
        %dma_wait3A_48 = tpu.memref_slice %arg5[%dma_wait3A_47] : memref<512xi32, #tpu.memory_space<vmem>> -> memref<128xi32, #tpu.memory_space<vmem>>
        %dma_wait3A_49 = arith.constant 0 : i32
        %dma_wait3A_50 = arith.constant 0 : i32
        %dma_wait3A_51 = tpu.memref_slice %arg2[%dma_wait3A_49, %dma_wait3A_50] : memref<10000x128xf32, #tpu.memory_space<hbm>> -> memref<10000x128xf32, #tpu.memory_space<hbm>>
        tpu.wait_indirect_dma semaphore(%arg7 : memref<!tpu.dma_semaphore, #tpu.memory_space<semaphore_mem>>) src(%dma_wait3A_51 : memref<10000x128xf32, #tpu.memory_space<hbm>>) dst(%dma_wait3A_46 : memref<128x128xf32, #tpu.memory_space<vmem>>)
        %dma_wait3A_52 = arith.constant 128 : i32
        %dma_wait3A_53 = arith.constant 0 : i32
        %dma_wait3A_54 = tpu.memref_slice %arg6[%dma_wait3A_52, %dma_wait3A_53] : memref<512x128xf32, #tpu.memory_space<vmem>> -> memref<128x128xf32, #tpu.memory_space<vmem>>
        %dma_wait3A_55 = arith.constant 128 : i32
        %dma_wait3A_56 = tpu.memref_slice %arg5[%dma_wait3A_55] : memref<512xi32, #tpu.memory_space<vmem>> -> memref<128xi32, #tpu.memory_space<vmem>>
        %dma_wait3A_57 = arith.constant 0 : i32
        %dma_wait3A_58 = arith.constant 0 : i32
        %dma_wait3A_59 = tpu.memref_slice %arg2[%dma_wait3A_57, %dma_wait3A_58] : memref<10000x128xf32, #tpu.memory_space<hbm>> -> memref<10000x128xf32, #tpu.memory_space<hbm>>
        tpu.wait_indirect_dma semaphore(%arg7 : memref<!tpu.dma_semaphore, #tpu.memory_space<semaphore_mem>>) src(%dma_wait3A_59 : memref<10000x128xf32, #tpu.memory_space<hbm>>) dst(%dma_wait3A_54 : memref<128x128xf32, #tpu.memory_space<vmem>>)
        %dma_wait3A_60 = arith.constant 256 : i32
        %dma_wait3A_61 = arith.constant 0 : i32
        %dma_wait3A_62 = tpu.memref_slice %arg6[%dma_wait3A_60, %dma_wait3A_61] : memref<512x128xf32, #tpu.memory_space<vmem>> -> memref<128x128xf32, #tpu.memory_space<vmem>>
        %dma_wait3A_63 = arith.constant 256 : i32
        %dma_wait3A_64 = tpu.memref_slice %arg5[%dma_wait3A_63] : memref<512xi32, #tpu.memory_space<vmem>> -> memref<128xi32, #tpu.memory_space<vmem>>
        %dma_wait3A_65 = arith.constant 0 : i32
        %dma_wait3A_66 = arith.constant 0 : i32
        %dma_wait3A_67 = tpu.memref_slice %arg2[%dma_wait3A_65, %dma_wait3A_66] : memref<10000x128xf32, #tpu.memory_space<hbm>> -> memref<10000x128xf32, #tpu.memory_space<hbm>>
        tpu.wait_indirect_dma semaphore(%arg7 : memref<!tpu.dma_semaphore, #tpu.memory_space<semaphore_mem>>) src(%dma_wait3A_67 : memref<10000x128xf32, #tpu.memory_space<hbm>>) dst(%dma_wait3A_62 : memref<128x128xf32, #tpu.memory_space<vmem>>)
        %dma_wait3A_68 = arith.constant 384 : i32
        %dma_wait3A_69 = arith.constant 0 : i32
        %dma_wait3A_70 = tpu.memref_slice %arg6[%dma_wait3A_68, %dma_wait3A_69] : memref<512x128xf32, #tpu.memory_space<vmem>> -> memref<128x128xf32, #tpu.memory_space<vmem>>
        %dma_wait3A_71 = arith.constant 384 : i32
        %dma_wait3A_72 = tpu.memref_slice %arg5[%dma_wait3A_71] : memref<512xi32, #tpu.memory_space<vmem>> -> memref<128xi32, #tpu.memory_space<vmem>>
        %dma_wait3A_73 = arith.constant 0 : i32
        %dma_wait3A_74 = arith.constant 0 : i32
        %dma_wait3A_75 = tpu.memref_slice %arg2[%dma_wait3A_73, %dma_wait3A_74] : memref<10000x128xf32, #tpu.memory_space<hbm>> -> memref<10000x128xf32, #tpu.memory_space<hbm>>
        tpu.wait_indirect_dma semaphore(%arg7 : memref<!tpu.dma_semaphore, #tpu.memory_space<semaphore_mem>>) src(%dma_wait3A_75 : memref<10000x128xf32, #tpu.memory_space<hbm>>) dst(%dma_wait3A_70 : memref<128x128xf32, #tpu.memory_space<vmem>>)
        "tpu.region"() ({
          %run_scoped3A = tpu.sem_alloc : memref<!tpu.dma_semaphore, #tpu.memory_space<semaphore_mem>>
          %dma_start3A_76 = arith.constant 0 : i32
          %dma_start3A_77 = tpu.memref_slice %arg4[%multiple_of3A, %dma_start3A_76] : memref<320000x128xf32, #tpu.memory_space<hbm>> -> memref<512x128xf32, #tpu.memory_space<hbm>>
          %dma_start3A_78 = arith.constant 0 : i32
          %dma_start3A_79 = tpu.memref_slice %arg4[%multiple_of3A, %dma_start3A_78] : memref<320000x128xf32, #tpu.memory_space<hbm>> -> memref<512x128xf32, #tpu.memory_space<hbm>>
          tpu.enqueue_dma source(%arg6 : memref<512x128xf32, #tpu.memory_space<vmem>>) target(%dma_start3A_79 : memref<512x128xf32, #tpu.memory_space<hbm>>) target_semaphore(%run_scoped3A : memref<!tpu.dma_semaphore, #tpu.memory_space<semaphore_mem>>)
          %dma_wait3A_80 = arith.constant 0 : i32
          %dma_wait3A_81 = tpu.memref_slice %arg4[%multiple_of3A, %dma_wait3A_80] : memref<320000x128xf32, #tpu.memory_space<hbm>> -> memref<512x128xf32, #tpu.memory_space<hbm>>
          %dma_wait3A_82 = arith.constant 0 : i32
          %dma_wait3A_83 = tpu.memref_slice %arg4[%multiple_of3A, %dma_wait3A_82] : memref<320000x128xf32, #tpu.memory_space<hbm>> -> memref<512x128xf32, #tpu.memory_space<hbm>>
          tpu.wait_dma2 semaphore(%run_scoped3A : memref<!tpu.dma_semaphore, #tpu.memory_space<semaphore_mem>>) src(%arg6 : memref<512x128xf32, #tpu.memory_space<vmem>>) dst(%dma_wait3A_83 : memref<512x128xf32, #tpu.memory_space<hbm>>)
          tpu.yield
        }) : () -> ()
      } else {
      }
    }
    %scan3A_5 = arith.constant 20 : i32
    return
  }
}

#map = affine_map<(d0, d1) -> (0, 0)>
#map1 = affine_map<(d0, d1) -> (0)>
module attributes {stable_mosaic.version = 14 : i64} {
  func.func @k(%arg0: i32, %arg1: i32, %arg2: memref<320000x128xf32, #tpu.memory_space<hbm>>, %arg3: memref<320000xf32, #tpu.memory_space<hbm>>, %arg4: memref<320000xf32, #tpu.memory_space<hbm>>, %arg5: memref<320000xf32, #tpu.memory_space<hbm>>, %arg6: memref<320000xi32, #tpu.memory_space<hbm>>, %arg7: memref<320000xi32, #tpu.memory_space<hbm>>, %arg8: memref<320000x128xf32, #tpu.memory_space<hbm>>, %arg9: memref<640xi32, #tpu.memory_space<vmem>>, %arg10: memref<640xi32, #tpu.memory_space<vmem>>, %arg11: memref<640x128xf32, #tpu.memory_space<vmem>>, %arg12: memref<640xf32, #tpu.memory_space<vmem>>, %arg13: memref<640xf32, #tpu.memory_space<vmem>>, %arg14: memref<640xf32, #tpu.memory_space<vmem>>, %arg15: memref<!tpu.dma_semaphore, #tpu.memory_space<semaphore_mem>>) attributes {dimension_semantics = [#tpu.dimension_semantics<core_parallel>, #tpu.dimension_semantics<subcore_parallel>], iteration_bounds = array<i64: 2, 16>, scalar_prefetch = 0 : i64, scratch_operands = 7 : i64, tpu.core_type = #tpu.core_type<sc_vector_subcore>, window_params = [{transform_indices = #map}, {transform_indices = #map1}, {transform_indices = #map1}, {transform_indices = #map1}, {transform_indices = #map1}, {transform_indices = #map1}, {transform_indices = #map}]} {
    %mul3A = arith.constant 2 : i32
    %mul3A_0 = arith.muli %arg1, %mul3A : i32
    %add3A = arith.addi %mul3A_0, %arg0 : i32
    %scan3A = arith.constant 0 : i32
    %scan3A_1 = arith.constant 0 : i32
    %scan3A_2 = arith.constant 16 : i32
    %scan3A_3 = arith.addi %scan3A_1, %scan3A_2 : i32
    %scan3A_4 = arith.constant 1 : i32
    scf.for %scan3A_6 = %scan3A_1 to %scan3A_3 step %scan3A_4  : i32 {
      %mul3A_7 = arith.constant 32 : i32
      %mul3A_8 = arith.muli %scan3A_6, %mul3A_7 : i32
      %add3A_9 = arith.addi %mul3A_8, %add3A : i32
      %lt3A = arith.constant 500 : i32
      %lt3A_10 = arith.cmpi slt, %add3A_9, %lt3A : i32
      %convert_element_type3A = arith.extui %lt3A_10 : i1 to i32
      %cond3A = arith.constant 0 : i32
      %cond3A_11 = arith.cmpi ne, %convert_element_type3A, %cond3A : i32
      scf.if %cond3A_11 {
        %mul3A_12 = arith.constant 640 : i32
        %mul3A_13 = arith.muli %add3A_9, %mul3A_12 : i32
        %multiple_of3A = tpu.assume_multiple %mul3A_13, 8 : i32
        %dma_start3A = tpu.memref_slice %arg6[%multiple_of3A] : memref<320000xi32, #tpu.memory_space<hbm>> -> memref<640xi32, #tpu.memory_space<hbm>>
        %dma_start3A_14 = tpu.memref_slice %arg6[%multiple_of3A] : memref<320000xi32, #tpu.memory_space<hbm>> -> memref<640xi32, #tpu.memory_space<hbm>>
        tpu.enqueue_dma source(%dma_start3A_14 : memref<640xi32, #tpu.memory_space<hbm>>) target(%arg9 : memref<640xi32, #tpu.memory_space<vmem>>) target_semaphore(%arg15 : memref<!tpu.dma_semaphore, #tpu.memory_space<semaphore_mem>>)
        %dma_start3A_15 = tpu.memref_slice %arg7[%multiple_of3A] : memref<320000xi32, #tpu.memory_space<hbm>> -> memref<640xi32, #tpu.memory_space<hbm>>
        %dma_start3A_16 = tpu.memref_slice %arg7[%multiple_of3A] : memref<320000xi32, #tpu.memory_space<hbm>> -> memref<640xi32, #tpu.memory_space<hbm>>
        tpu.enqueue_dma source(%dma_start3A_16 : memref<640xi32, #tpu.memory_space<hbm>>) target(%arg10 : memref<640xi32, #tpu.memory_space<vmem>>) target_semaphore(%arg15 : memref<!tpu.dma_semaphore, #tpu.memory_space<semaphore_mem>>)
        %dma_wait3A = tpu.memref_slice %arg6[%multiple_of3A] : memref<320000xi32, #tpu.memory_space<hbm>> -> memref<640xi32, #tpu.memory_space<hbm>>
        %dma_wait3A_17 = tpu.memref_slice %arg6[%multiple_of3A] : memref<320000xi32, #tpu.memory_space<hbm>> -> memref<640xi32, #tpu.memory_space<hbm>>
        tpu.wait_dma2 semaphore(%arg15 : memref<!tpu.dma_semaphore, #tpu.memory_space<semaphore_mem>>) src(%dma_wait3A_17 : memref<640xi32, #tpu.memory_space<hbm>>) dst(%arg9 : memref<640xi32, #tpu.memory_space<vmem>>)
        %dma_wait3A_18 = tpu.memref_slice %arg7[%multiple_of3A] : memref<320000xi32, #tpu.memory_space<hbm>> -> memref<640xi32, #tpu.memory_space<hbm>>
        %dma_wait3A_19 = tpu.memref_slice %arg7[%multiple_of3A] : memref<320000xi32, #tpu.memory_space<hbm>> -> memref<640xi32, #tpu.memory_space<hbm>>
        tpu.wait_dma2 semaphore(%arg15 : memref<!tpu.dma_semaphore, #tpu.memory_space<semaphore_mem>>) src(%dma_wait3A_19 : memref<640xi32, #tpu.memory_space<hbm>>) dst(%arg10 : memref<640xi32, #tpu.memory_space<vmem>>)
        %dma_start3A_20 = arith.constant 0 : i32
        %dma_start3A_21 = arith.constant 0 : i32
        %dma_start3A_22 = tpu.memref_slice %arg11[%dma_start3A_20, %dma_start3A_21] : memref<640x128xf32, #tpu.memory_space<vmem>> -> memref<128x128xf32, #tpu.memory_space<vmem>>
        %dma_start3A_23 = arith.constant 0 : i32
        %dma_start3A_24 = tpu.memref_slice %arg9[%dma_start3A_23] : memref<640xi32, #tpu.memory_space<vmem>> -> memref<128xi32, #tpu.memory_space<vmem>>
        %dma_start3A_25 = arith.constant 0 : i32
        %dma_start3A_26 = arith.constant 0 : i32
        %dma_start3A_27 = tpu.memref_slice %arg2[%dma_start3A_25, %dma_start3A_26] : memref<320000x128xf32, #tpu.memory_space<hbm>> -> memref<320000x128xf32, #tpu.memory_space<hbm>>
        tpu.enqueue_indirect_dma source(%dma_start3A_27 : memref<320000x128xf32, #tpu.memory_space<hbm>>) target(%dma_start3A_22 : memref<128x128xf32, #tpu.memory_space<vmem>>) offsets(%dma_start3A_24 : memref<128xi32, #tpu.memory_space<vmem>>) semaphore(%arg15 : memref<!tpu.dma_semaphore, #tpu.memory_space<semaphore_mem>>)
        %dma_start3A_28 = arith.constant 0 : i32
        %dma_start3A_29 = tpu.memref_slice %arg12[%dma_start3A_28] : memref<640xf32, #tpu.memory_space<vmem>> -> memref<128xf32, #tpu.memory_space<vmem>>
        %dma_start3A_30 = arith.constant 0 : i32
        %dma_start3A_31 = tpu.memref_slice %arg10[%dma_start3A_30] : memref<640xi32, #tpu.memory_space<vmem>> -> memref<128xi32, #tpu.memory_space<vmem>>
        %dma_start3A_32 = arith.constant 0 : i32
        %dma_start3A_33 = tpu.memref_slice %arg3[%dma_start3A_32] : memref<320000xf32, #tpu.memory_space<hbm>> -> memref<320000xf32, #tpu.memory_space<hbm>>
        tpu.enqueue_indirect_dma source(%dma_start3A_33 : memref<320000xf32, #tpu.memory_space<hbm>>) target(%dma_start3A_29 : memref<128xf32, #tpu.memory_space<vmem>>) offsets(%dma_start3A_31 : memref<128xi32, #tpu.memory_space<vmem>>) semaphore(%arg15 : memref<!tpu.dma_semaphore, #tpu.memory_space<semaphore_mem>>)
        %dma_start3A_34 = arith.constant 0 : i32
        %dma_start3A_35 = tpu.memref_slice %arg13[%dma_start3A_34] : memref<640xf32, #tpu.memory_space<vmem>> -> memref<128xf32, #tpu.memory_space<vmem>>
        %dma_start3A_36 = arith.constant 0 : i32
        %dma_start3A_37 = tpu.memref_slice %arg10[%dma_start3A_36] : memref<640xi32, #tpu.memory_space<vmem>> -> memref<128xi32, #tpu.memory_space<vmem>>
        %dma_start3A_38 = arith.constant 0 : i32
        %dma_start3A_39 = tpu.memref_slice %arg4[%dma_start3A_38] : memref<320000xf32, #tpu.memory_space<hbm>> -> memref<320000xf32, #tpu.memory_space<hbm>>
        tpu.enqueue_indirect_dma source(%dma_start3A_39 : memref<320000xf32, #tpu.memory_space<hbm>>) target(%dma_start3A_35 : memref<128xf32, #tpu.memory_space<vmem>>) offsets(%dma_start3A_37 : memref<128xi32, #tpu.memory_space<vmem>>) semaphore(%arg15 : memref<!tpu.dma_semaphore, #tpu.memory_space<semaphore_mem>>)
        %dma_start3A_40 = arith.constant 0 : i32
        %dma_start3A_41 = tpu.memref_slice %arg14[%dma_start3A_40] : memref<640xf32, #tpu.memory_space<vmem>> -> memref<128xf32, #tpu.memory_space<vmem>>
        %dma_start3A_42 = arith.constant 0 : i32
        %dma_start3A_43 = tpu.memref_slice %arg10[%dma_start3A_42] : memref<640xi32, #tpu.memory_space<vmem>> -> memref<128xi32, #tpu.memory_space<vmem>>
        %dma_start3A_44 = arith.constant 0 : i32
        %dma_start3A_45 = tpu.memref_slice %arg5[%dma_start3A_44] : memref<320000xf32, #tpu.memory_space<hbm>> -> memref<320000xf32, #tpu.memory_space<hbm>>
        tpu.enqueue_indirect_dma source(%dma_start3A_45 : memref<320000xf32, #tpu.memory_space<hbm>>) target(%dma_start3A_41 : memref<128xf32, #tpu.memory_space<vmem>>) offsets(%dma_start3A_43 : memref<128xi32, #tpu.memory_space<vmem>>) semaphore(%arg15 : memref<!tpu.dma_semaphore, #tpu.memory_space<semaphore_mem>>)
        %dma_start3A_46 = arith.constant 128 : i32
        %dma_start3A_47 = arith.constant 0 : i32
        %dma_start3A_48 = tpu.memref_slice %arg11[%dma_start3A_46, %dma_start3A_47] : memref<640x128xf32, #tpu.memory_space<vmem>> -> memref<128x128xf32, #tpu.memory_space<vmem>>
        %dma_start3A_49 = arith.constant 128 : i32
        %dma_start3A_50 = tpu.memref_slice %arg9[%dma_start3A_49] : memref<640xi32, #tpu.memory_space<vmem>> -> memref<128xi32, #tpu.memory_space<vmem>>
        %dma_start3A_51 = arith.constant 0 : i32
        %dma_start3A_52 = arith.constant 0 : i32
        %dma_start3A_53 = tpu.memref_slice %arg2[%dma_start3A_51, %dma_start3A_52] : memref<320000x128xf32, #tpu.memory_space<hbm>> -> memref<320000x128xf32, #tpu.memory_space<hbm>>
        tpu.enqueue_indirect_dma source(%dma_start3A_53 : memref<320000x128xf32, #tpu.memory_space<hbm>>) target(%dma_start3A_48 : memref<128x128xf32, #tpu.memory_space<vmem>>) offsets(%dma_start3A_50 : memref<128xi32, #tpu.memory_space<vmem>>) semaphore(%arg15 : memref<!tpu.dma_semaphore, #tpu.memory_space<semaphore_mem>>)
        %dma_start3A_54 = arith.constant 128 : i32
        %dma_start3A_55 = tpu.memref_slice %arg12[%dma_start3A_54] : memref<640xf32, #tpu.memory_space<vmem>> -> memref<128xf32, #tpu.memory_space<vmem>>
        %dma_start3A_56 = arith.constant 128 : i32
        %dma_start3A_57 = tpu.memref_slice %arg10[%dma_start3A_56] : memref<640xi32, #tpu.memory_space<vmem>> -> memref<128xi32, #tpu.memory_space<vmem>>
        %dma_start3A_58 = arith.constant 0 : i32
        %dma_start3A_59 = tpu.memref_slice %arg3[%dma_start3A_58] : memref<320000xf32, #tpu.memory_space<hbm>> -> memref<320000xf32, #tpu.memory_space<hbm>>
        tpu.enqueue_indirect_dma source(%dma_start3A_59 : memref<320000xf32, #tpu.memory_space<hbm>>) target(%dma_start3A_55 : memref<128xf32, #tpu.memory_space<vmem>>) offsets(%dma_start3A_57 : memref<128xi32, #tpu.memory_space<vmem>>) semaphore(%arg15 : memref<!tpu.dma_semaphore, #tpu.memory_space<semaphore_mem>>)
        %dma_start3A_60 = arith.constant 128 : i32
        %dma_start3A_61 = tpu.memref_slice %arg13[%dma_start3A_60] : memref<640xf32, #tpu.memory_space<vmem>> -> memref<128xf32, #tpu.memory_space<vmem>>
        %dma_start3A_62 = arith.constant 128 : i32
        %dma_start3A_63 = tpu.memref_slice %arg10[%dma_start3A_62] : memref<640xi32, #tpu.memory_space<vmem>> -> memref<128xi32, #tpu.memory_space<vmem>>
        %dma_start3A_64 = arith.constant 0 : i32
        %dma_start3A_65 = tpu.memref_slice %arg4[%dma_start3A_64] : memref<320000xf32, #tpu.memory_space<hbm>> -> memref<320000xf32, #tpu.memory_space<hbm>>
        tpu.enqueue_indirect_dma source(%dma_start3A_65 : memref<320000xf32, #tpu.memory_space<hbm>>) target(%dma_start3A_61 : memref<128xf32, #tpu.memory_space<vmem>>) offsets(%dma_start3A_63 : memref<128xi32, #tpu.memory_space<vmem>>) semaphore(%arg15 : memref<!tpu.dma_semaphore, #tpu.memory_space<semaphore_mem>>)
        %dma_start3A_66 = arith.constant 128 : i32
        %dma_start3A_67 = tpu.memref_slice %arg14[%dma_start3A_66] : memref<640xf32, #tpu.memory_space<vmem>> -> memref<128xf32, #tpu.memory_space<vmem>>
        %dma_start3A_68 = arith.constant 128 : i32
        %dma_start3A_69 = tpu.memref_slice %arg10[%dma_start3A_68] : memref<640xi32, #tpu.memory_space<vmem>> -> memref<128xi32, #tpu.memory_space<vmem>>
        %dma_start3A_70 = arith.constant 0 : i32
        %dma_start3A_71 = tpu.memref_slice %arg5[%dma_start3A_70] : memref<320000xf32, #tpu.memory_space<hbm>> -> memref<320000xf32, #tpu.memory_space<hbm>>
        tpu.enqueue_indirect_dma source(%dma_start3A_71 : memref<320000xf32, #tpu.memory_space<hbm>>) target(%dma_start3A_67 : memref<128xf32, #tpu.memory_space<vmem>>) offsets(%dma_start3A_69 : memref<128xi32, #tpu.memory_space<vmem>>) semaphore(%arg15 : memref<!tpu.dma_semaphore, #tpu.memory_space<semaphore_mem>>)
        %dma_start3A_72 = arith.constant 256 : i32
        %dma_start3A_73 = arith.constant 0 : i32
        %dma_start3A_74 = tpu.memref_slice %arg11[%dma_start3A_72, %dma_start3A_73] : memref<640x128xf32, #tpu.memory_space<vmem>> -> memref<128x128xf32, #tpu.memory_space<vmem>>
        %dma_start3A_75 = arith.constant 256 : i32
        %dma_start3A_76 = tpu.memref_slice %arg9[%dma_start3A_75] : memref<640xi32, #tpu.memory_space<vmem>> -> memref<128xi32, #tpu.memory_space<vmem>>
        %dma_start3A_77 = arith.constant 0 : i32
        %dma_start3A_78 = arith.constant 0 : i32
        %dma_start3A_79 = tpu.memref_slice %arg2[%dma_start3A_77, %dma_start3A_78] : memref<320000x128xf32, #tpu.memory_space<hbm>> -> memref<320000x128xf32, #tpu.memory_space<hbm>>
        tpu.enqueue_indirect_dma source(%dma_start3A_79 : memref<320000x128xf32, #tpu.memory_space<hbm>>) target(%dma_start3A_74 : memref<128x128xf32, #tpu.memory_space<vmem>>) offsets(%dma_start3A_76 : memref<128xi32, #tpu.memory_space<vmem>>) semaphore(%arg15 : memref<!tpu.dma_semaphore, #tpu.memory_space<semaphore_mem>>)
        %dma_start3A_80 = arith.constant 256 : i32
        %dma_start3A_81 = tpu.memref_slice %arg12[%dma_start3A_80] : memref<640xf32, #tpu.memory_space<vmem>> -> memref<128xf32, #tpu.memory_space<vmem>>
        %dma_start3A_82 = arith.constant 256 : i32
        %dma_start3A_83 = tpu.memref_slice %arg10[%dma_start3A_82] : memref<640xi32, #tpu.memory_space<vmem>> -> memref<128xi32, #tpu.memory_space<vmem>>
        %dma_start3A_84 = arith.constant 0 : i32
        %dma_start3A_85 = tpu.memref_slice %arg3[%dma_start3A_84] : memref<320000xf32, #tpu.memory_space<hbm>> -> memref<320000xf32, #tpu.memory_space<hbm>>
        tpu.enqueue_indirect_dma source(%dma_start3A_85 : memref<320000xf32, #tpu.memory_space<hbm>>) target(%dma_start3A_81 : memref<128xf32, #tpu.memory_space<vmem>>) offsets(%dma_start3A_83 : memref<128xi32, #tpu.memory_space<vmem>>) semaphore(%arg15 : memref<!tpu.dma_semaphore, #tpu.memory_space<semaphore_mem>>)
        %dma_start3A_86 = arith.constant 256 : i32
        %dma_start3A_87 = tpu.memref_slice %arg13[%dma_start3A_86] : memref<640xf32, #tpu.memory_space<vmem>> -> memref<128xf32, #tpu.memory_space<vmem>>
        %dma_start3A_88 = arith.constant 256 : i32
        %dma_start3A_89 = tpu.memref_slice %arg10[%dma_start3A_88] : memref<640xi32, #tpu.memory_space<vmem>> -> memref<128xi32, #tpu.memory_space<vmem>>
        %dma_start3A_90 = arith.constant 0 : i32
        %dma_start3A_91 = tpu.memref_slice %arg4[%dma_start3A_90] : memref<320000xf32, #tpu.memory_space<hbm>> -> memref<320000xf32, #tpu.memory_space<hbm>>
        tpu.enqueue_indirect_dma source(%dma_start3A_91 : memref<320000xf32, #tpu.memory_space<hbm>>) target(%dma_start3A_87 : memref<128xf32, #tpu.memory_space<vmem>>) offsets(%dma_start3A_89 : memref<128xi32, #tpu.memory_space<vmem>>) semaphore(%arg15 : memref<!tpu.dma_semaphore, #tpu.memory_space<semaphore_mem>>)
        %dma_start3A_92 = arith.constant 256 : i32
        %dma_start3A_93 = tpu.memref_slice %arg14[%dma_start3A_92] : memref<640xf32, #tpu.memory_space<vmem>> -> memref<128xf32, #tpu.memory_space<vmem>>
        %dma_start3A_94 = arith.constant 256 : i32
        %dma_start3A_95 = tpu.memref_slice %arg10[%dma_start3A_94] : memref<640xi32, #tpu.memory_space<vmem>> -> memref<128xi32, #tpu.memory_space<vmem>>
        %dma_start3A_96 = arith.constant 0 : i32
        %dma_start3A_97 = tpu.memref_slice %arg5[%dma_start3A_96] : memref<320000xf32, #tpu.memory_space<hbm>> -> memref<320000xf32, #tpu.memory_space<hbm>>
        tpu.enqueue_indirect_dma source(%dma_start3A_97 : memref<320000xf32, #tpu.memory_space<hbm>>) target(%dma_start3A_93 : memref<128xf32, #tpu.memory_space<vmem>>) offsets(%dma_start3A_95 : memref<128xi32, #tpu.memory_space<vmem>>) semaphore(%arg15 : memref<!tpu.dma_semaphore, #tpu.memory_space<semaphore_mem>>)
        %dma_start3A_98 = arith.constant 384 : i32
        %dma_start3A_99 = arith.constant 0 : i32
        %dma_start3A_100 = tpu.memref_slice %arg11[%dma_start3A_98, %dma_start3A_99] : memref<640x128xf32, #tpu.memory_space<vmem>> -> memref<128x128xf32, #tpu.memory_space<vmem>>
        %dma_start3A_101 = arith.constant 384 : i32
        %dma_start3A_102 = tpu.memref_slice %arg9[%dma_start3A_101] : memref<640xi32, #tpu.memory_space<vmem>> -> memref<128xi32, #tpu.memory_space<vmem>>
        %dma_start3A_103 = arith.constant 0 : i32
        %dma_start3A_104 = arith.constant 0 : i32
        %dma_start3A_105 = tpu.memref_slice %arg2[%dma_start3A_103, %dma_start3A_104] : memref<320000x128xf32, #tpu.memory_space<hbm>> -> memref<320000x128xf32, #tpu.memory_space<hbm>>
        tpu.enqueue_indirect_dma source(%dma_start3A_105 : memref<320000x128xf32, #tpu.memory_space<hbm>>) target(%dma_start3A_100 : memref<128x128xf32, #tpu.memory_space<vmem>>) offsets(%dma_start3A_102 : memref<128xi32, #tpu.memory_space<vmem>>) semaphore(%arg15 : memref<!tpu.dma_semaphore, #tpu.memory_space<semaphore_mem>>)
        %dma_start3A_106 = arith.constant 384 : i32
        %dma_start3A_107 = tpu.memref_slice %arg12[%dma_start3A_106] : memref<640xf32, #tpu.memory_space<vmem>> -> memref<128xf32, #tpu.memory_space<vmem>>
        %dma_start3A_108 = arith.constant 384 : i32
        %dma_start3A_109 = tpu.memref_slice %arg10[%dma_start3A_108] : memref<640xi32, #tpu.memory_space<vmem>> -> memref<128xi32, #tpu.memory_space<vmem>>
        %dma_start3A_110 = arith.constant 0 : i32
        %dma_start3A_111 = tpu.memref_slice %arg3[%dma_start3A_110] : memref<320000xf32, #tpu.memory_space<hbm>> -> memref<320000xf32, #tpu.memory_space<hbm>>
        tpu.enqueue_indirect_dma source(%dma_start3A_111 : memref<320000xf32, #tpu.memory_space<hbm>>) target(%dma_start3A_107 : memref<128xf32, #tpu.memory_space<vmem>>) offsets(%dma_start3A_109 : memref<128xi32, #tpu.memory_space<vmem>>) semaphore(%arg15 : memref<!tpu.dma_semaphore, #tpu.memory_space<semaphore_mem>>)
        %dma_start3A_112 = arith.constant 384 : i32
        %dma_start3A_113 = tpu.memref_slice %arg13[%dma_start3A_112] : memref<640xf32, #tpu.memory_space<vmem>> -> memref<128xf32, #tpu.memory_space<vmem>>
        %dma_start3A_114 = arith.constant 384 : i32
        %dma_start3A_115 = tpu.memref_slice %arg10[%dma_start3A_114] : memref<640xi32, #tpu.memory_space<vmem>> -> memref<128xi32, #tpu.memory_space<vmem>>
        %dma_start3A_116 = arith.constant 0 : i32
        %dma_start3A_117 = tpu.memref_slice %arg4[%dma_start3A_116] : memref<320000xf32, #tpu.memory_space<hbm>> -> memref<320000xf32, #tpu.memory_space<hbm>>
        tpu.enqueue_indirect_dma source(%dma_start3A_117 : memref<320000xf32, #tpu.memory_space<hbm>>) target(%dma_start3A_113 : memref<128xf32, #tpu.memory_space<vmem>>) offsets(%dma_start3A_115 : memref<128xi32, #tpu.memory_space<vmem>>) semaphore(%arg15 : memref<!tpu.dma_semaphore, #tpu.memory_space<semaphore_mem>>)
        %dma_start3A_118 = arith.constant 384 : i32
        %dma_start3A_119 = tpu.memref_slice %arg14[%dma_start3A_118] : memref<640xf32, #tpu.memory_space<vmem>> -> memref<128xf32, #tpu.memory_space<vmem>>
        %dma_start3A_120 = arith.constant 384 : i32
        %dma_start3A_121 = tpu.memref_slice %arg10[%dma_start3A_120] : memref<640xi32, #tpu.memory_space<vmem>> -> memref<128xi32, #tpu.memory_space<vmem>>
        %dma_start3A_122 = arith.constant 0 : i32
        %dma_start3A_123 = tpu.memref_slice %arg5[%dma_start3A_122] : memref<320000xf32, #tpu.memory_space<hbm>> -> memref<320000xf32, #tpu.memory_space<hbm>>
        tpu.enqueue_indirect_dma source(%dma_start3A_123 : memref<320000xf32, #tpu.memory_space<hbm>>) target(%dma_start3A_119 : memref<128xf32, #tpu.memory_space<vmem>>) offsets(%dma_start3A_121 : memref<128xi32, #tpu.memory_space<vmem>>) semaphore(%arg15 : memref<!tpu.dma_semaphore, #tpu.memory_space<semaphore_mem>>)
        %dma_start3A_124 = arith.constant 512 : i32
        %dma_start3A_125 = arith.constant 0 : i32
        %dma_start3A_126 = tpu.memref_slice %arg11[%dma_start3A_124, %dma_start3A_125] : memref<640x128xf32, #tpu.memory_space<vmem>> -> memref<128x128xf32, #tpu.memory_space<vmem>>
        %dma_start3A_127 = arith.constant 512 : i32
        %dma_start3A_128 = tpu.memref_slice %arg9[%dma_start3A_127] : memref<640xi32, #tpu.memory_space<vmem>> -> memref<128xi32, #tpu.memory_space<vmem>>
        %dma_start3A_129 = arith.constant 0 : i32
        %dma_start3A_130 = arith.constant 0 : i32
        %dma_start3A_131 = tpu.memref_slice %arg2[%dma_start3A_129, %dma_start3A_130] : memref<320000x128xf32, #tpu.memory_space<hbm>> -> memref<320000x128xf32, #tpu.memory_space<hbm>>
        tpu.enqueue_indirect_dma source(%dma_start3A_131 : memref<320000x128xf32, #tpu.memory_space<hbm>>) target(%dma_start3A_126 : memref<128x128xf32, #tpu.memory_space<vmem>>) offsets(%dma_start3A_128 : memref<128xi32, #tpu.memory_space<vmem>>) semaphore(%arg15 : memref<!tpu.dma_semaphore, #tpu.memory_space<semaphore_mem>>)
        %dma_start3A_132 = arith.constant 512 : i32
        %dma_start3A_133 = tpu.memref_slice %arg12[%dma_start3A_132] : memref<640xf32, #tpu.memory_space<vmem>> -> memref<128xf32, #tpu.memory_space<vmem>>
        %dma_start3A_134 = arith.constant 512 : i32
        %dma_start3A_135 = tpu.memref_slice %arg10[%dma_start3A_134] : memref<640xi32, #tpu.memory_space<vmem>> -> memref<128xi32, #tpu.memory_space<vmem>>
        %dma_start3A_136 = arith.constant 0 : i32
        %dma_start3A_137 = tpu.memref_slice %arg3[%dma_start3A_136] : memref<320000xf32, #tpu.memory_space<hbm>> -> memref<320000xf32, #tpu.memory_space<hbm>>
        tpu.enqueue_indirect_dma source(%dma_start3A_137 : memref<320000xf32, #tpu.memory_space<hbm>>) target(%dma_start3A_133 : memref<128xf32, #tpu.memory_space<vmem>>) offsets(%dma_start3A_135 : memref<128xi32, #tpu.memory_space<vmem>>) semaphore(%arg15 : memref<!tpu.dma_semaphore, #tpu.memory_space<semaphore_mem>>)
        %dma_start3A_138 = arith.constant 512 : i32
        %dma_start3A_139 = tpu.memref_slice %arg13[%dma_start3A_138] : memref<640xf32, #tpu.memory_space<vmem>> -> memref<128xf32, #tpu.memory_space<vmem>>
        %dma_start3A_140 = arith.constant 512 : i32
        %dma_start3A_141 = tpu.memref_slice %arg10[%dma_start3A_140] : memref<640xi32, #tpu.memory_space<vmem>> -> memref<128xi32, #tpu.memory_space<vmem>>
        %dma_start3A_142 = arith.constant 0 : i32
        %dma_start3A_143 = tpu.memref_slice %arg4[%dma_start3A_142] : memref<320000xf32, #tpu.memory_space<hbm>> -> memref<320000xf32, #tpu.memory_space<hbm>>
        tpu.enqueue_indirect_dma source(%dma_start3A_143 : memref<320000xf32, #tpu.memory_space<hbm>>) target(%dma_start3A_139 : memref<128xf32, #tpu.memory_space<vmem>>) offsets(%dma_start3A_141 : memref<128xi32, #tpu.memory_space<vmem>>) semaphore(%arg15 : memref<!tpu.dma_semaphore, #tpu.memory_space<semaphore_mem>>)
        %dma_start3A_144 = arith.constant 512 : i32
        %dma_start3A_145 = tpu.memref_slice %arg14[%dma_start3A_144] : memref<640xf32, #tpu.memory_space<vmem>> -> memref<128xf32, #tpu.memory_space<vmem>>
        %dma_start3A_146 = arith.constant 512 : i32
        %dma_start3A_147 = tpu.memref_slice %arg10[%dma_start3A_146] : memref<640xi32, #tpu.memory_space<vmem>> -> memref<128xi32, #tpu.memory_space<vmem>>
        %dma_start3A_148 = arith.constant 0 : i32
        %dma_start3A_149 = tpu.memref_slice %arg5[%dma_start3A_148] : memref<320000xf32, #tpu.memory_space<hbm>> -> memref<320000xf32, #tpu.memory_space<hbm>>
        tpu.enqueue_indirect_dma source(%dma_start3A_149 : memref<320000xf32, #tpu.memory_space<hbm>>) target(%dma_start3A_145 : memref<128xf32, #tpu.memory_space<vmem>>) offsets(%dma_start3A_147 : memref<128xi32, #tpu.memory_space<vmem>>) semaphore(%arg15 : memref<!tpu.dma_semaphore, #tpu.memory_space<semaphore_mem>>)
        %dma_wait3A_150 = arith.constant 0 : i32
        %dma_wait3A_151 = arith.constant 0 : i32
        %dma_wait3A_152 = tpu.memref_slice %arg11[%dma_wait3A_150, %dma_wait3A_151] : memref<640x128xf32, #tpu.memory_space<vmem>> -> memref<128x128xf32, #tpu.memory_space<vmem>>
        %dma_wait3A_153 = arith.constant 0 : i32
        %dma_wait3A_154 = tpu.memref_slice %arg9[%dma_wait3A_153] : memref<640xi32, #tpu.memory_space<vmem>> -> memref<128xi32, #tpu.memory_space<vmem>>
        %dma_wait3A_155 = arith.constant 0 : i32
        %dma_wait3A_156 = arith.constant 0 : i32
        %dma_wait3A_157 = tpu.memref_slice %arg2[%dma_wait3A_155, %dma_wait3A_156] : memref<320000x128xf32, #tpu.memory_space<hbm>> -> memref<320000x128xf32, #tpu.memory_space<hbm>>
        tpu.wait_indirect_dma semaphore(%arg15 : memref<!tpu.dma_semaphore, #tpu.memory_space<semaphore_mem>>) src(%dma_wait3A_157 : memref<320000x128xf32, #tpu.memory_space<hbm>>) dst(%dma_wait3A_152 : memref<128x128xf32, #tpu.memory_space<vmem>>)
        %dma_wait3A_158 = arith.constant 0 : i32
        %dma_wait3A_159 = tpu.memref_slice %arg12[%dma_wait3A_158] : memref<640xf32, #tpu.memory_space<vmem>> -> memref<128xf32, #tpu.memory_space<vmem>>
        %dma_wait3A_160 = arith.constant 0 : i32
        %dma_wait3A_161 = tpu.memref_slice %arg10[%dma_wait3A_160] : memref<640xi32, #tpu.memory_space<vmem>> -> memref<128xi32, #tpu.memory_space<vmem>>
        %dma_wait3A_162 = arith.constant 0 : i32
        %dma_wait3A_163 = tpu.memref_slice %arg3[%dma_wait3A_162] : memref<320000xf32, #tpu.memory_space<hbm>> -> memref<320000xf32, #tpu.memory_space<hbm>>
        tpu.wait_indirect_dma semaphore(%arg15 : memref<!tpu.dma_semaphore, #tpu.memory_space<semaphore_mem>>) src(%dma_wait3A_163 : memref<320000xf32, #tpu.memory_space<hbm>>) dst(%dma_wait3A_159 : memref<128xf32, #tpu.memory_space<vmem>>)
        %dma_wait3A_164 = arith.constant 0 : i32
        %dma_wait3A_165 = tpu.memref_slice %arg13[%dma_wait3A_164] : memref<640xf32, #tpu.memory_space<vmem>> -> memref<128xf32, #tpu.memory_space<vmem>>
        %dma_wait3A_166 = arith.constant 0 : i32
        %dma_wait3A_167 = tpu.memref_slice %arg10[%dma_wait3A_166] : memref<640xi32, #tpu.memory_space<vmem>> -> memref<128xi32, #tpu.memory_space<vmem>>
        %dma_wait3A_168 = arith.constant 0 : i32
        %dma_wait3A_169 = tpu.memref_slice %arg4[%dma_wait3A_168] : memref<320000xf32, #tpu.memory_space<hbm>> -> memref<320000xf32, #tpu.memory_space<hbm>>
        tpu.wait_indirect_dma semaphore(%arg15 : memref<!tpu.dma_semaphore, #tpu.memory_space<semaphore_mem>>) src(%dma_wait3A_169 : memref<320000xf32, #tpu.memory_space<hbm>>) dst(%dma_wait3A_165 : memref<128xf32, #tpu.memory_space<vmem>>)
        %dma_wait3A_170 = arith.constant 0 : i32
        %dma_wait3A_171 = tpu.memref_slice %arg14[%dma_wait3A_170] : memref<640xf32, #tpu.memory_space<vmem>> -> memref<128xf32, #tpu.memory_space<vmem>>
        %dma_wait3A_172 = arith.constant 0 : i32
        %dma_wait3A_173 = tpu.memref_slice %arg10[%dma_wait3A_172] : memref<640xi32, #tpu.memory_space<vmem>> -> memref<128xi32, #tpu.memory_space<vmem>>
        %dma_wait3A_174 = arith.constant 0 : i32
        %dma_wait3A_175 = tpu.memref_slice %arg5[%dma_wait3A_174] : memref<320000xf32, #tpu.memory_space<hbm>> -> memref<320000xf32, #tpu.memory_space<hbm>>
        tpu.wait_indirect_dma semaphore(%arg15 : memref<!tpu.dma_semaphore, #tpu.memory_space<semaphore_mem>>) src(%dma_wait3A_175 : memref<320000xf32, #tpu.memory_space<hbm>>) dst(%dma_wait3A_171 : memref<128xf32, #tpu.memory_space<vmem>>)
        %dma_wait3A_176 = arith.constant 128 : i32
        %dma_wait3A_177 = arith.constant 0 : i32
        %dma_wait3A_178 = tpu.memref_slice %arg11[%dma_wait3A_176, %dma_wait3A_177] : memref<640x128xf32, #tpu.memory_space<vmem>> -> memref<128x128xf32, #tpu.memory_space<vmem>>
        %dma_wait3A_179 = arith.constant 128 : i32
        %dma_wait3A_180 = tpu.memref_slice %arg9[%dma_wait3A_179] : memref<640xi32, #tpu.memory_space<vmem>> -> memref<128xi32, #tpu.memory_space<vmem>>
        %dma_wait3A_181 = arith.constant 0 : i32
        %dma_wait3A_182 = arith.constant 0 : i32
        %dma_wait3A_183 = tpu.memref_slice %arg2[%dma_wait3A_181, %dma_wait3A_182] : memref<320000x128xf32, #tpu.memory_space<hbm>> -> memref<320000x128xf32, #tpu.memory_space<hbm>>
        tpu.wait_indirect_dma semaphore(%arg15 : memref<!tpu.dma_semaphore, #tpu.memory_space<semaphore_mem>>) src(%dma_wait3A_183 : memref<320000x128xf32, #tpu.memory_space<hbm>>) dst(%dma_wait3A_178 : memref<128x128xf32, #tpu.memory_space<vmem>>)
        %dma_wait3A_184 = arith.constant 128 : i32
        %dma_wait3A_185 = tpu.memref_slice %arg12[%dma_wait3A_184] : memref<640xf32, #tpu.memory_space<vmem>> -> memref<128xf32, #tpu.memory_space<vmem>>
        %dma_wait3A_186 = arith.constant 128 : i32
        %dma_wait3A_187 = tpu.memref_slice %arg10[%dma_wait3A_186] : memref<640xi32, #tpu.memory_space<vmem>> -> memref<128xi32, #tpu.memory_space<vmem>>
        %dma_wait3A_188 = arith.constant 0 : i32
        %dma_wait3A_189 = tpu.memref_slice %arg3[%dma_wait3A_188] : memref<320000xf32, #tpu.memory_space<hbm>> -> memref<320000xf32, #tpu.memory_space<hbm>>
        tpu.wait_indirect_dma semaphore(%arg15 : memref<!tpu.dma_semaphore, #tpu.memory_space<semaphore_mem>>) src(%dma_wait3A_189 : memref<320000xf32, #tpu.memory_space<hbm>>) dst(%dma_wait3A_185 : memref<128xf32, #tpu.memory_space<vmem>>)
        %dma_wait3A_190 = arith.constant 128 : i32
        %dma_wait3A_191 = tpu.memref_slice %arg13[%dma_wait3A_190] : memref<640xf32, #tpu.memory_space<vmem>> -> memref<128xf32, #tpu.memory_space<vmem>>
        %dma_wait3A_192 = arith.constant 128 : i32
        %dma_wait3A_193 = tpu.memref_slice %arg10[%dma_wait3A_192] : memref<640xi32, #tpu.memory_space<vmem>> -> memref<128xi32, #tpu.memory_space<vmem>>
        %dma_wait3A_194 = arith.constant 0 : i32
        %dma_wait3A_195 = tpu.memref_slice %arg4[%dma_wait3A_194] : memref<320000xf32, #tpu.memory_space<hbm>> -> memref<320000xf32, #tpu.memory_space<hbm>>
        tpu.wait_indirect_dma semaphore(%arg15 : memref<!tpu.dma_semaphore, #tpu.memory_space<semaphore_mem>>) src(%dma_wait3A_195 : memref<320000xf32, #tpu.memory_space<hbm>>) dst(%dma_wait3A_191 : memref<128xf32, #tpu.memory_space<vmem>>)
        %dma_wait3A_196 = arith.constant 128 : i32
        %dma_wait3A_197 = tpu.memref_slice %arg14[%dma_wait3A_196] : memref<640xf32, #tpu.memory_space<vmem>> -> memref<128xf32, #tpu.memory_space<vmem>>
        %dma_wait3A_198 = arith.constant 128 : i32
        %dma_wait3A_199 = tpu.memref_slice %arg10[%dma_wait3A_198] : memref<640xi32, #tpu.memory_space<vmem>> -> memref<128xi32, #tpu.memory_space<vmem>>
        %dma_wait3A_200 = arith.constant 0 : i32
        %dma_wait3A_201 = tpu.memref_slice %arg5[%dma_wait3A_200] : memref<320000xf32, #tpu.memory_space<hbm>> -> memref<320000xf32, #tpu.memory_space<hbm>>
        tpu.wait_indirect_dma semaphore(%arg15 : memref<!tpu.dma_semaphore, #tpu.memory_space<semaphore_mem>>) src(%dma_wait3A_201 : memref<320000xf32, #tpu.memory_space<hbm>>) dst(%dma_wait3A_197 : memref<128xf32, #tpu.memory_space<vmem>>)
        %dma_wait3A_202 = arith.constant 256 : i32
        %dma_wait3A_203 = arith.constant 0 : i32
        %dma_wait3A_204 = tpu.memref_slice %arg11[%dma_wait3A_202, %dma_wait3A_203] : memref<640x128xf32, #tpu.memory_space<vmem>> -> memref<128x128xf32, #tpu.memory_space<vmem>>
        %dma_wait3A_205 = arith.constant 256 : i32
        %dma_wait3A_206 = tpu.memref_slice %arg9[%dma_wait3A_205] : memref<640xi32, #tpu.memory_space<vmem>> -> memref<128xi32, #tpu.memory_space<vmem>>
        %dma_wait3A_207 = arith.constant 0 : i32
        %dma_wait3A_208 = arith.constant 0 : i32
        %dma_wait3A_209 = tpu.memref_slice %arg2[%dma_wait3A_207, %dma_wait3A_208] : memref<320000x128xf32, #tpu.memory_space<hbm>> -> memref<320000x128xf32, #tpu.memory_space<hbm>>
        tpu.wait_indirect_dma semaphore(%arg15 : memref<!tpu.dma_semaphore, #tpu.memory_space<semaphore_mem>>) src(%dma_wait3A_209 : memref<320000x128xf32, #tpu.memory_space<hbm>>) dst(%dma_wait3A_204 : memref<128x128xf32, #tpu.memory_space<vmem>>)
        %dma_wait3A_210 = arith.constant 256 : i32
        %dma_wait3A_211 = tpu.memref_slice %arg12[%dma_wait3A_210] : memref<640xf32, #tpu.memory_space<vmem>> -> memref<128xf32, #tpu.memory_space<vmem>>
        %dma_wait3A_212 = arith.constant 256 : i32
        %dma_wait3A_213 = tpu.memref_slice %arg10[%dma_wait3A_212] : memref<640xi32, #tpu.memory_space<vmem>> -> memref<128xi32, #tpu.memory_space<vmem>>
        %dma_wait3A_214 = arith.constant 0 : i32
        %dma_wait3A_215 = tpu.memref_slice %arg3[%dma_wait3A_214] : memref<320000xf32, #tpu.memory_space<hbm>> -> memref<320000xf32, #tpu.memory_space<hbm>>
        tpu.wait_indirect_dma semaphore(%arg15 : memref<!tpu.dma_semaphore, #tpu.memory_space<semaphore_mem>>) src(%dma_wait3A_215 : memref<320000xf32, #tpu.memory_space<hbm>>) dst(%dma_wait3A_211 : memref<128xf32, #tpu.memory_space<vmem>>)
        %dma_wait3A_216 = arith.constant 256 : i32
        %dma_wait3A_217 = tpu.memref_slice %arg13[%dma_wait3A_216] : memref<640xf32, #tpu.memory_space<vmem>> -> memref<128xf32, #tpu.memory_space<vmem>>
        %dma_wait3A_218 = arith.constant 256 : i32
        %dma_wait3A_219 = tpu.memref_slice %arg10[%dma_wait3A_218] : memref<640xi32, #tpu.memory_space<vmem>> -> memref<128xi32, #tpu.memory_space<vmem>>
        %dma_wait3A_220 = arith.constant 0 : i32
        %dma_wait3A_221 = tpu.memref_slice %arg4[%dma_wait3A_220] : memref<320000xf32, #tpu.memory_space<hbm>> -> memref<320000xf32, #tpu.memory_space<hbm>>
        tpu.wait_indirect_dma semaphore(%arg15 : memref<!tpu.dma_semaphore, #tpu.memory_space<semaphore_mem>>) src(%dma_wait3A_221 : memref<320000xf32, #tpu.memory_space<hbm>>) dst(%dma_wait3A_217 : memref<128xf32, #tpu.memory_space<vmem>>)
        %dma_wait3A_222 = arith.constant 256 : i32
        %dma_wait3A_223 = tpu.memref_slice %arg14[%dma_wait3A_222] : memref<640xf32, #tpu.memory_space<vmem>> -> memref<128xf32, #tpu.memory_space<vmem>>
        %dma_wait3A_224 = arith.constant 256 : i32
        %dma_wait3A_225 = tpu.memref_slice %arg10[%dma_wait3A_224] : memref<640xi32, #tpu.memory_space<vmem>> -> memref<128xi32, #tpu.memory_space<vmem>>
        %dma_wait3A_226 = arith.constant 0 : i32
        %dma_wait3A_227 = tpu.memref_slice %arg5[%dma_wait3A_226] : memref<320000xf32, #tpu.memory_space<hbm>> -> memref<320000xf32, #tpu.memory_space<hbm>>
        tpu.wait_indirect_dma semaphore(%arg15 : memref<!tpu.dma_semaphore, #tpu.memory_space<semaphore_mem>>) src(%dma_wait3A_227 : memref<320000xf32, #tpu.memory_space<hbm>>) dst(%dma_wait3A_223 : memref<128xf32, #tpu.memory_space<vmem>>)
        %dma_wait3A_228 = arith.constant 384 : i32
        %dma_wait3A_229 = arith.constant 0 : i32
        %dma_wait3A_230 = tpu.memref_slice %arg11[%dma_wait3A_228, %dma_wait3A_229] : memref<640x128xf32, #tpu.memory_space<vmem>> -> memref<128x128xf32, #tpu.memory_space<vmem>>
        %dma_wait3A_231 = arith.constant 384 : i32
        %dma_wait3A_232 = tpu.memref_slice %arg9[%dma_wait3A_231] : memref<640xi32, #tpu.memory_space<vmem>> -> memref<128xi32, #tpu.memory_space<vmem>>
        %dma_wait3A_233 = arith.constant 0 : i32
        %dma_wait3A_234 = arith.constant 0 : i32
        %dma_wait3A_235 = tpu.memref_slice %arg2[%dma_wait3A_233, %dma_wait3A_234] : memref<320000x128xf32, #tpu.memory_space<hbm>> -> memref<320000x128xf32, #tpu.memory_space<hbm>>
        tpu.wait_indirect_dma semaphore(%arg15 : memref<!tpu.dma_semaphore, #tpu.memory_space<semaphore_mem>>) src(%dma_wait3A_235 : memref<320000x128xf32, #tpu.memory_space<hbm>>) dst(%dma_wait3A_230 : memref<128x128xf32, #tpu.memory_space<vmem>>)
        %dma_wait3A_236 = arith.constant 384 : i32
        %dma_wait3A_237 = tpu.memref_slice %arg12[%dma_wait3A_236] : memref<640xf32, #tpu.memory_space<vmem>> -> memref<128xf32, #tpu.memory_space<vmem>>
        %dma_wait3A_238 = arith.constant 384 : i32
        %dma_wait3A_239 = tpu.memref_slice %arg10[%dma_wait3A_238] : memref<640xi32, #tpu.memory_space<vmem>> -> memref<128xi32, #tpu.memory_space<vmem>>
        %dma_wait3A_240 = arith.constant 0 : i32
        %dma_wait3A_241 = tpu.memref_slice %arg3[%dma_wait3A_240] : memref<320000xf32, #tpu.memory_space<hbm>> -> memref<320000xf32, #tpu.memory_space<hbm>>
        tpu.wait_indirect_dma semaphore(%arg15 : memref<!tpu.dma_semaphore, #tpu.memory_space<semaphore_mem>>) src(%dma_wait3A_241 : memref<320000xf32, #tpu.memory_space<hbm>>) dst(%dma_wait3A_237 : memref<128xf32, #tpu.memory_space<vmem>>)
        %dma_wait3A_242 = arith.constant 384 : i32
        %dma_wait3A_243 = tpu.memref_slice %arg13[%dma_wait3A_242] : memref<640xf32, #tpu.memory_space<vmem>> -> memref<128xf32, #tpu.memory_space<vmem>>
        %dma_wait3A_244 = arith.constant 384 : i32
        %dma_wait3A_245 = tpu.memref_slice %arg10[%dma_wait3A_244] : memref<640xi32, #tpu.memory_space<vmem>> -> memref<128xi32, #tpu.memory_space<vmem>>
        %dma_wait3A_246 = arith.constant 0 : i32
        %dma_wait3A_247 = tpu.memref_slice %arg4[%dma_wait3A_246] : memref<320000xf32, #tpu.memory_space<hbm>> -> memref<320000xf32, #tpu.memory_space<hbm>>
        tpu.wait_indirect_dma semaphore(%arg15 : memref<!tpu.dma_semaphore, #tpu.memory_space<semaphore_mem>>) src(%dma_wait3A_247 : memref<320000xf32, #tpu.memory_space<hbm>>) dst(%dma_wait3A_243 : memref<128xf32, #tpu.memory_space<vmem>>)
        %dma_wait3A_248 = arith.constant 384 : i32
        %dma_wait3A_249 = tpu.memref_slice %arg14[%dma_wait3A_248] : memref<640xf32, #tpu.memory_space<vmem>> -> memref<128xf32, #tpu.memory_space<vmem>>
        %dma_wait3A_250 = arith.constant 384 : i32
        %dma_wait3A_251 = tpu.memref_slice %arg10[%dma_wait3A_250] : memref<640xi32, #tpu.memory_space<vmem>> -> memref<128xi32, #tpu.memory_space<vmem>>
        %dma_wait3A_252 = arith.constant 0 : i32
        %dma_wait3A_253 = tpu.memref_slice %arg5[%dma_wait3A_252] : memref<320000xf32, #tpu.memory_space<hbm>> -> memref<320000xf32, #tpu.memory_space<hbm>>
        tpu.wait_indirect_dma semaphore(%arg15 : memref<!tpu.dma_semaphore, #tpu.memory_space<semaphore_mem>>) src(%dma_wait3A_253 : memref<320000xf32, #tpu.memory_space<hbm>>) dst(%dma_wait3A_249 : memref<128xf32, #tpu.memory_space<vmem>>)
        %dma_wait3A_254 = arith.constant 512 : i32
        %dma_wait3A_255 = arith.constant 0 : i32
        %dma_wait3A_256 = tpu.memref_slice %arg11[%dma_wait3A_254, %dma_wait3A_255] : memref<640x128xf32, #tpu.memory_space<vmem>> -> memref<128x128xf32, #tpu.memory_space<vmem>>
        %dma_wait3A_257 = arith.constant 512 : i32
        %dma_wait3A_258 = tpu.memref_slice %arg9[%dma_wait3A_257] : memref<640xi32, #tpu.memory_space<vmem>> -> memref<128xi32, #tpu.memory_space<vmem>>
        %dma_wait3A_259 = arith.constant 0 : i32
        %dma_wait3A_260 = arith.constant 0 : i32
        %dma_wait3A_261 = tpu.memref_slice %arg2[%dma_wait3A_259, %dma_wait3A_260] : memref<320000x128xf32, #tpu.memory_space<hbm>> -> memref<320000x128xf32, #tpu.memory_space<hbm>>
        tpu.wait_indirect_dma semaphore(%arg15 : memref<!tpu.dma_semaphore, #tpu.memory_space<semaphore_mem>>) src(%dma_wait3A_261 : memref<320000x128xf32, #tpu.memory_space<hbm>>) dst(%dma_wait3A_256 : memref<128x128xf32, #tpu.memory_space<vmem>>)
        %dma_wait3A_262 = arith.constant 512 : i32
        %dma_wait3A_263 = tpu.memref_slice %arg12[%dma_wait3A_262] : memref<640xf32, #tpu.memory_space<vmem>> -> memref<128xf32, #tpu.memory_space<vmem>>
        %dma_wait3A_264 = arith.constant 512 : i32
        %dma_wait3A_265 = tpu.memref_slice %arg10[%dma_wait3A_264] : memref<640xi32, #tpu.memory_space<vmem>> -> memref<128xi32, #tpu.memory_space<vmem>>
        %dma_wait3A_266 = arith.constant 0 : i32
        %dma_wait3A_267 = tpu.memref_slice %arg3[%dma_wait3A_266] : memref<320000xf32, #tpu.memory_space<hbm>> -> memref<320000xf32, #tpu.memory_space<hbm>>
        tpu.wait_indirect_dma semaphore(%arg15 : memref<!tpu.dma_semaphore, #tpu.memory_space<semaphore_mem>>) src(%dma_wait3A_267 : memref<320000xf32, #tpu.memory_space<hbm>>) dst(%dma_wait3A_263 : memref<128xf32, #tpu.memory_space<vmem>>)
        %dma_wait3A_268 = arith.constant 512 : i32
        %dma_wait3A_269 = tpu.memref_slice %arg13[%dma_wait3A_268] : memref<640xf32, #tpu.memory_space<vmem>> -> memref<128xf32, #tpu.memory_space<vmem>>
        %dma_wait3A_270 = arith.constant 512 : i32
        %dma_wait3A_271 = tpu.memref_slice %arg10[%dma_wait3A_270] : memref<640xi32, #tpu.memory_space<vmem>> -> memref<128xi32, #tpu.memory_space<vmem>>
        %dma_wait3A_272 = arith.constant 0 : i32
        %dma_wait3A_273 = tpu.memref_slice %arg4[%dma_wait3A_272] : memref<320000xf32, #tpu.memory_space<hbm>> -> memref<320000xf32, #tpu.memory_space<hbm>>
        tpu.wait_indirect_dma semaphore(%arg15 : memref<!tpu.dma_semaphore, #tpu.memory_space<semaphore_mem>>) src(%dma_wait3A_273 : memref<320000xf32, #tpu.memory_space<hbm>>) dst(%dma_wait3A_269 : memref<128xf32, #tpu.memory_space<vmem>>)
        %dma_wait3A_274 = arith.constant 512 : i32
        %dma_wait3A_275 = tpu.memref_slice %arg14[%dma_wait3A_274] : memref<640xf32, #tpu.memory_space<vmem>> -> memref<128xf32, #tpu.memory_space<vmem>>
        %dma_wait3A_276 = arith.constant 512 : i32
        %dma_wait3A_277 = tpu.memref_slice %arg10[%dma_wait3A_276] : memref<640xi32, #tpu.memory_space<vmem>> -> memref<128xi32, #tpu.memory_space<vmem>>
        %dma_wait3A_278 = arith.constant 0 : i32
        %dma_wait3A_279 = tpu.memref_slice %arg5[%dma_wait3A_278] : memref<320000xf32, #tpu.memory_space<hbm>> -> memref<320000xf32, #tpu.memory_space<hbm>>
        tpu.wait_indirect_dma semaphore(%arg15 : memref<!tpu.dma_semaphore, #tpu.memory_space<semaphore_mem>>) src(%dma_wait3A_279 : memref<320000xf32, #tpu.memory_space<hbm>>) dst(%dma_wait3A_275 : memref<128xf32, #tpu.memory_space<vmem>>)
        %scan3A_280 = arith.constant 0 : i32
        %scan3A_281 = arith.constant 0 : i32
        %scan3A_282 = arith.constant 40 : i32
        %scan3A_283 = arith.addi %scan3A_281, %scan3A_282 : i32
        %scan3A_284 = arith.constant 1 : i32
        scf.for %scan3A_286 = %scan3A_281 to %scan3A_283 step %scan3A_284  : i32 {
          %mul3A_287 = arith.constant 16 : i32
          %mul3A_288 = arith.muli %scan3A_286, %mul3A_287 : i32
          %iota3A = tpu.iota {dimensions = array<i32: 0>} : vector<16xi32>
          %mul3A_289 = arith.constant 16 : i32
          %mul3A_290 = arith.muli %scan3A_286, %mul3A_289 : i32
          %add3A_291 = vector.broadcast %mul3A_290 : i32 to vector<16xi32>
          %add3A_292 = arith.addi %iota3A, %add3A_291 : vector<16xi32>
          %broadcast_in_dim3A = arith.constant 112 : i32
          %broadcast_in_dim3A_293 = vector.broadcast %broadcast_in_dim3A : i32 to vector<16xi32>
          %gather3A = tpu.vector_load_idx %arg11[%add3A_292, %broadcast_in_dim3A_293] : memref<640x128xf32, #tpu.memory_space<vmem>>[vector<16xi32>, vector<16xi32>], vector<16xf32>,
          %get3A = arith.index_cast %mul3A_288 : i32 to index
          %get3A_294 = tpu.vector_load %arg12[%get3A] {strides = array<i32>} : memref<640xf32, #tpu.memory_space<vmem>>, vector<16xf32>,
          %mul3A_295 = arith.mulf %gather3A, %get3A_294 : vector<16xf32>
          %broadcast_in_dim3A_296 = arith.constant 113 : i32
          %broadcast_in_dim3A_297 = vector.broadcast %broadcast_in_dim3A_296 : i32 to vector<16xi32>
          %gather3A_298 = tpu.vector_load_idx %arg11[%add3A_292, %broadcast_in_dim3A_297] : memref<640x128xf32, #tpu.memory_space<vmem>>[vector<16xi32>, vector<16xi32>], vector<16xf32>,
          %get3A_299 = arith.index_cast %mul3A_288 : i32 to index
          %get3A_300 = tpu.vector_load %arg13[%get3A_299] {strides = array<i32>} : memref<640xf32, #tpu.memory_space<vmem>>, vector<16xf32>,
          %mul3A_301 = arith.mulf %gather3A_298, %get3A_300 : vector<16xf32>
          %add3A_302 = arith.addf %mul3A_295, %mul3A_301 : vector<16xf32>
          %broadcast_in_dim3A_303 = arith.constant 114 : i32
          %broadcast_in_dim3A_304 = vector.broadcast %broadcast_in_dim3A_303 : i32 to vector<16xi32>
          %gather3A_305 = tpu.vector_load_idx %arg11[%add3A_292, %broadcast_in_dim3A_304] : memref<640x128xf32, #tpu.memory_space<vmem>>[vector<16xi32>, vector<16xi32>], vector<16xf32>,
          %get3A_306 = arith.index_cast %mul3A_288 : i32 to index
          %get3A_307 = tpu.vector_load %arg14[%get3A_306] {strides = array<i32>} : memref<640xf32, #tpu.memory_space<vmem>>, vector<16xf32>,
          %mul3A_308 = arith.mulf %gather3A_305, %get3A_307 : vector<16xf32>
          %add3A_309 = arith.addf %add3A_302, %mul3A_308 : vector<16xf32>
          %max3A = arith.constant -1.000000e+00 : f32
          %max3A_310 = vector.broadcast %max3A : f32 to vector<16xf32>
          %max3A_311 = arith.maximumf %add3A_309, %max3A_310 : vector<16xf32>
          %min3A = arith.constant 1.000000e+00 : f32
          %min3A_312 = vector.broadcast %min3A : f32 to vector<16xf32>
          %min3A_313 = arith.minimumf %max3A_311, %min3A_312 : vector<16xf32>
          %broadcast_in_dim3A_314 = arith.constant 112 : i32
          %broadcast_in_dim3A_315 = vector.broadcast %broadcast_in_dim3A_314 : i32 to vector<16xi32>
          tpu.vector_store_idx %arg11[%add3A_292, %broadcast_in_dim3A_315], %min3A_313 : memref<640x128xf32, #tpu.memory_space<vmem>>[vector<16xi32>, vector<16xi32>], vector<16xf32>,
        }
        %scan3A_285 = arith.constant 40 : i32
        "tpu.region"() ({
          %run_scoped3A = tpu.sem_alloc : memref<!tpu.dma_semaphore, #tpu.memory_space<semaphore_mem>>
          %dma_start3A_286 = arith.constant 0 : i32
          %dma_start3A_287 = tpu.memref_slice %arg8[%multiple_of3A, %dma_start3A_286] : memref<320000x128xf32, #tpu.memory_space<hbm>> -> memref<640x128xf32, #tpu.memory_space<hbm>>
          %dma_start3A_288 = arith.constant 0 : i32
          %dma_start3A_289 = tpu.memref_slice %arg8[%multiple_of3A, %dma_start3A_288] : memref<320000x128xf32, #tpu.memory_space<hbm>> -> memref<640x128xf32, #tpu.memory_space<hbm>>
          tpu.enqueue_dma source(%arg11 : memref<640x128xf32, #tpu.memory_space<vmem>>) target(%dma_start3A_289 : memref<640x128xf32, #tpu.memory_space<hbm>>) target_semaphore(%run_scoped3A : memref<!tpu.dma_semaphore, #tpu.memory_space<semaphore_mem>>)
          %dma_wait3A_290 = arith.constant 0 : i32
          %dma_wait3A_291 = tpu.memref_slice %arg8[%multiple_of3A, %dma_wait3A_290] : memref<320000x128xf32, #tpu.memory_space<hbm>> -> memref<640x128xf32, #tpu.memory_space<hbm>>
          %dma_wait3A_292 = arith.constant 0 : i32
          %dma_wait3A_293 = tpu.memref_slice %arg8[%multiple_of3A, %dma_wait3A_292] : memref<320000x128xf32, #tpu.memory_space<hbm>> -> memref<640x128xf32, #tpu.memory_space<hbm>>
          tpu.wait_dma2 semaphore(%run_scoped3A : memref<!tpu.dma_semaphore, #tpu.memory_space<semaphore_mem>>) src(%arg11 : memref<640x128xf32, #tpu.memory_space<vmem>>) dst(%dma_wait3A_293 : memref<640x128xf32, #tpu.memory_space<hbm>>)
          tpu.yield
        }) : () -> ()
      } else {
      }
    }
    %scan3A_5 = arith.constant 16 : i32
    return
  }
}

#map = affine_map<(d0, d1) -> (0, 0)>
#map1 = affine_map<(d0, d1) -> (0)>
module attributes {stable_mosaic.version = 14 : i64} {
  func.func @k(%arg0: i32, %arg1: i32, %arg2: memref<10000x128xf32, #tpu.memory_space<hbm>>, %arg3: memref<320000xi32, #tpu.memory_space<hbm>>, %arg4: memref<320000x128xf32, #tpu.memory_space<hbm>>, %arg5: memref<512xi32, #tpu.memory_space<vmem>>, %arg6: memref<512x128xf32, #tpu.memory_space<vmem>>, %arg7: memref<!tpu.dma_semaphore, #tpu.memory_space<semaphore_mem>>) attributes {dimension_semantics = [#tpu.dimension_semantics<core_parallel>, #tpu.dimension_semantics<subcore_parallel>], iteration_bounds = array<i64: 2, 16>, scalar_prefetch = 0 : i64, scratch_operands = 3 : i64, tpu.core_type = #tpu.core_type<sc_vector_subcore>, window_params = [{transform_indices = #map}, {transform_indices = #map1}, {transform_indices = #map}]} {
    %mul3A = arith.constant 2 : i32
    %mul3A_0 = arith.muli %arg1, %mul3A : i32
    %add3A = arith.addi %mul3A_0, %arg0 : i32
    %scan3A = arith.constant 0 : i32
    %scan3A_1 = arith.constant 0 : i32
    %scan3A_2 = arith.constant 20 : i32
    %scan3A_3 = arith.addi %scan3A_1, %scan3A_2 : i32
    %scan3A_4 = arith.constant 1 : i32
    scf.for %scan3A_6 = %scan3A_1 to %scan3A_3 step %scan3A_4  : i32 {
      %mul3A_7 = arith.constant 32 : i32
      %mul3A_8 = arith.muli %scan3A_6, %mul3A_7 : i32
      %add3A_9 = arith.addi %mul3A_8, %add3A : i32
      %lt3A = arith.constant 625 : i32
      %lt3A_10 = arith.cmpi slt, %add3A_9, %lt3A : i32
      %convert_element_type3A = arith.extui %lt3A_10 : i1 to i32
      %cond3A = arith.constant 0 : i32
      %cond3A_11 = arith.cmpi ne, %convert_element_type3A, %cond3A : i32
      scf.if %cond3A_11 {
        %mul3A_12 = arith.constant 512 : i32
        %mul3A_13 = arith.muli %add3A_9, %mul3A_12 : i32
        %multiple_of3A = tpu.assume_multiple %mul3A_13, 8 : i32
        "tpu.region"() ({
          %run_scoped3A = tpu.sem_alloc : memref<!tpu.dma_semaphore, #tpu.memory_space<semaphore_mem>>
          %dma_start3A_76 = tpu.memref_slice %arg3[%multiple_of3A] : memref<320000xi32, #tpu.memory_space<hbm>> -> memref<512xi32, #tpu.memory_space<hbm>>
          %dma_start3A_77 = tpu.memref_slice %arg3[%multiple_of3A] : memref<320000xi32, #tpu.memory_space<hbm>> -> memref<512xi32, #tpu.memory_space<hbm>>
          tpu.enqueue_dma source(%dma_start3A_77 : memref<512xi32, #tpu.memory_space<hbm>>) target(%arg5 : memref<512xi32, #tpu.memory_space<vmem>>) target_semaphore(%run_scoped3A : memref<!tpu.dma_semaphore, #tpu.memory_space<semaphore_mem>>)
          %dma_wait3A_78 = tpu.memref_slice %arg3[%multiple_of3A] : memref<320000xi32, #tpu.memory_space<hbm>> -> memref<512xi32, #tpu.memory_space<hbm>>
          %dma_wait3A_79 = tpu.memref_slice %arg3[%multiple_of3A] : memref<320000xi32, #tpu.memory_space<hbm>> -> memref<512xi32, #tpu.memory_space<hbm>>
          tpu.wait_dma2 semaphore(%run_scoped3A : memref<!tpu.dma_semaphore, #tpu.memory_space<semaphore_mem>>) src(%dma_wait3A_79 : memref<512xi32, #tpu.memory_space<hbm>>) dst(%arg5 : memref<512xi32, #tpu.memory_space<vmem>>)
          tpu.yield
        }) : () -> ()
        %dma_start3A = arith.constant 0 : i32
        %dma_start3A_14 = arith.constant 0 : i32
        %dma_start3A_15 = tpu.memref_slice %arg6[%dma_start3A, %dma_start3A_14] : memref<512x128xf32, #tpu.memory_space<vmem>> -> memref<128x128xf32, #tpu.memory_space<vmem>>
        %dma_start3A_16 = arith.constant 0 : i32
        %dma_start3A_17 = tpu.memref_slice %arg5[%dma_start3A_16] : memref<512xi32, #tpu.memory_space<vmem>> -> memref<128xi32, #tpu.memory_space<vmem>>
        %dma_start3A_18 = arith.constant 0 : i32
        %dma_start3A_19 = arith.constant 0 : i32
        %dma_start3A_20 = tpu.memref_slice %arg2[%dma_start3A_18, %dma_start3A_19] : memref<10000x128xf32, #tpu.memory_space<hbm>> -> memref<10000x128xf32, #tpu.memory_space<hbm>>
        tpu.enqueue_indirect_dma source(%dma_start3A_20 : memref<10000x128xf32, #tpu.memory_space<hbm>>) target(%dma_start3A_15 : memref<128x128xf32, #tpu.memory_space<vmem>>) offsets(%dma_start3A_17 : memref<128xi32, #tpu.memory_space<vmem>>) semaphore(%arg7 : memref<!tpu.dma_semaphore, #tpu.memory_space<semaphore_mem>>)
        %dma_start3A_21 = arith.constant 128 : i32
        %dma_start3A_22 = arith.constant 0 : i32
        %dma_start3A_23 = tpu.memref_slice %arg6[%dma_start3A_21, %dma_start3A_22] : memref<512x128xf32, #tpu.memory_space<vmem>> -> memref<128x128xf32, #tpu.memory_space<vmem>>
        %dma_start3A_24 = arith.constant 128 : i32
        %dma_start3A_25 = tpu.memref_slice %arg5[%dma_start3A_24] : memref<512xi32, #tpu.memory_space<vmem>> -> memref<128xi32, #tpu.memory_space<vmem>>
        %dma_start3A_26 = arith.constant 0 : i32
        %dma_start3A_27 = arith.constant 0 : i32
        %dma_start3A_28 = tpu.memref_slice %arg2[%dma_start3A_26, %dma_start3A_27] : memref<10000x128xf32, #tpu.memory_space<hbm>> -> memref<10000x128xf32, #tpu.memory_space<hbm>>
        tpu.enqueue_indirect_dma source(%dma_start3A_28 : memref<10000x128xf32, #tpu.memory_space<hbm>>) target(%dma_start3A_23 : memref<128x128xf32, #tpu.memory_space<vmem>>) offsets(%dma_start3A_25 : memref<128xi32, #tpu.memory_space<vmem>>) semaphore(%arg7 : memref<!tpu.dma_semaphore, #tpu.memory_space<semaphore_mem>>)
        %dma_start3A_29 = arith.constant 256 : i32
        %dma_start3A_30 = arith.constant 0 : i32
        %dma_start3A_31 = tpu.memref_slice %arg6[%dma_start3A_29, %dma_start3A_30] : memref<512x128xf32, #tpu.memory_space<vmem>> -> memref<128x128xf32, #tpu.memory_space<vmem>>
        %dma_start3A_32 = arith.constant 256 : i32
        %dma_start3A_33 = tpu.memref_slice %arg5[%dma_start3A_32] : memref<512xi32, #tpu.memory_space<vmem>> -> memref<128xi32, #tpu.memory_space<vmem>>
        %dma_start3A_34 = arith.constant 0 : i32
        %dma_start3A_35 = arith.constant 0 : i32
        %dma_start3A_36 = tpu.memref_slice %arg2[%dma_start3A_34, %dma_start3A_35] : memref<10000x128xf32, #tpu.memory_space<hbm>> -> memref<10000x128xf32, #tpu.memory_space<hbm>>
        tpu.enqueue_indirect_dma source(%dma_start3A_36 : memref<10000x128xf32, #tpu.memory_space<hbm>>) target(%dma_start3A_31 : memref<128x128xf32, #tpu.memory_space<vmem>>) offsets(%dma_start3A_33 : memref<128xi32, #tpu.memory_space<vmem>>) semaphore(%arg7 : memref<!tpu.dma_semaphore, #tpu.memory_space<semaphore_mem>>)
        %dma_start3A_37 = arith.constant 384 : i32
        %dma_start3A_38 = arith.constant 0 : i32
        %dma_start3A_39 = tpu.memref_slice %arg6[%dma_start3A_37, %dma_start3A_38] : memref<512x128xf32, #tpu.memory_space<vmem>> -> memref<128x128xf32, #tpu.memory_space<vmem>>
        %dma_start3A_40 = arith.constant 384 : i32
        %dma_start3A_41 = tpu.memref_slice %arg5[%dma_start3A_40] : memref<512xi32, #tpu.memory_space<vmem>> -> memref<128xi32, #tpu.memory_space<vmem>>
        %dma_start3A_42 = arith.constant 0 : i32
        %dma_start3A_43 = arith.constant 0 : i32
        %dma_start3A_44 = tpu.memref_slice %arg2[%dma_start3A_42, %dma_start3A_43] : memref<10000x128xf32, #tpu.memory_space<hbm>> -> memref<10000x128xf32, #tpu.memory_space<hbm>>
        tpu.enqueue_indirect_dma source(%dma_start3A_44 : memref<10000x128xf32, #tpu.memory_space<hbm>>) target(%dma_start3A_39 : memref<128x128xf32, #tpu.memory_space<vmem>>) offsets(%dma_start3A_41 : memref<128xi32, #tpu.memory_space<vmem>>) semaphore(%arg7 : memref<!tpu.dma_semaphore, #tpu.memory_space<semaphore_mem>>)
        %dma_wait3A = arith.constant 0 : i32
        %dma_wait3A_45 = arith.constant 0 : i32
        %dma_wait3A_46 = tpu.memref_slice %arg6[%dma_wait3A, %dma_wait3A_45] : memref<512x128xf32, #tpu.memory_space<vmem>> -> memref<128x128xf32, #tpu.memory_space<vmem>>
        %dma_wait3A_47 = arith.constant 0 : i32
        %dma_wait3A_48 = tpu.memref_slice %arg5[%dma_wait3A_47] : memref<512xi32, #tpu.memory_space<vmem>> -> memref<128xi32, #tpu.memory_space<vmem>>
        %dma_wait3A_49 = arith.constant 0 : i32
        %dma_wait3A_50 = arith.constant 0 : i32
        %dma_wait3A_51 = tpu.memref_slice %arg2[%dma_wait3A_49, %dma_wait3A_50] : memref<10000x128xf32, #tpu.memory_space<hbm>> -> memref<10000x128xf32, #tpu.memory_space<hbm>>
        tpu.wait_indirect_dma semaphore(%arg7 : memref<!tpu.dma_semaphore, #tpu.memory_space<semaphore_mem>>) src(%dma_wait3A_51 : memref<10000x128xf32, #tpu.memory_space<hbm>>) dst(%dma_wait3A_46 : memref<128x128xf32, #tpu.memory_space<vmem>>)
        %dma_wait3A_52 = arith.constant 128 : i32
        %dma_wait3A_53 = arith.constant 0 : i32
        %dma_wait3A_54 = tpu.memref_slice %arg6[%dma_wait3A_52, %dma_wait3A_53] : memref<512x128xf32, #tpu.memory_space<vmem>> -> memref<128x128xf32, #tpu.memory_space<vmem>>
        %dma_wait3A_55 = arith.constant 128 : i32
        %dma_wait3A_56 = tpu.memref_slice %arg5[%dma_wait3A_55] : memref<512xi32, #tpu.memory_space<vmem>> -> memref<128xi32, #tpu.memory_space<vmem>>
        %dma_wait3A_57 = arith.constant 0 : i32
        %dma_wait3A_58 = arith.constant 0 : i32
        %dma_wait3A_59 = tpu.memref_slice %arg2[%dma_wait3A_57, %dma_wait3A_58] : memref<10000x128xf32, #tpu.memory_space<hbm>> -> memref<10000x128xf32, #tpu.memory_space<hbm>>
        tpu.wait_indirect_dma semaphore(%arg7 : memref<!tpu.dma_semaphore, #tpu.memory_space<semaphore_mem>>) src(%dma_wait3A_59 : memref<10000x128xf32, #tpu.memory_space<hbm>>) dst(%dma_wait3A_54 : memref<128x128xf32, #tpu.memory_space<vmem>>)
        %dma_wait3A_60 = arith.constant 256 : i32
        %dma_wait3A_61 = arith.constant 0 : i32
        %dma_wait3A_62 = tpu.memref_slice %arg6[%dma_wait3A_60, %dma_wait3A_61] : memref<512x128xf32, #tpu.memory_space<vmem>> -> memref<128x128xf32, #tpu.memory_space<vmem>>
        %dma_wait3A_63 = arith.constant 256 : i32
        %dma_wait3A_64 = tpu.memref_slice %arg5[%dma_wait3A_63] : memref<512xi32, #tpu.memory_space<vmem>> -> memref<128xi32, #tpu.memory_space<vmem>>
        %dma_wait3A_65 = arith.constant 0 : i32
        %dma_wait3A_66 = arith.constant 0 : i32
        %dma_wait3A_67 = tpu.memref_slice %arg2[%dma_wait3A_65, %dma_wait3A_66] : memref<10000x128xf32, #tpu.memory_space<hbm>> -> memref<10000x128xf32, #tpu.memory_space<hbm>>
        tpu.wait_indirect_dma semaphore(%arg7 : memref<!tpu.dma_semaphore, #tpu.memory_space<semaphore_mem>>) src(%dma_wait3A_67 : memref<10000x128xf32, #tpu.memory_space<hbm>>) dst(%dma_wait3A_62 : memref<128x128xf32, #tpu.memory_space<vmem>>)
        %dma_wait3A_68 = arith.constant 384 : i32
        %dma_wait3A_69 = arith.constant 0 : i32
        %dma_wait3A_70 = tpu.memref_slice %arg6[%dma_wait3A_68, %dma_wait3A_69] : memref<512x128xf32, #tpu.memory_space<vmem>> -> memref<128x128xf32, #tpu.memory_space<vmem>>
        %dma_wait3A_71 = arith.constant 384 : i32
        %dma_wait3A_72 = tpu.memref_slice %arg5[%dma_wait3A_71] : memref<512xi32, #tpu.memory_space<vmem>> -> memref<128xi32, #tpu.memory_space<vmem>>
        %dma_wait3A_73 = arith.constant 0 : i32
        %dma_wait3A_74 = arith.constant 0 : i32
        %dma_wait3A_75 = tpu.memref_slice %arg2[%dma_wait3A_73, %dma_wait3A_74] : memref<10000x128xf32, #tpu.memory_space<hbm>> -> memref<10000x128xf32, #tpu.memory_space<hbm>>
        tpu.wait_indirect_dma semaphore(%arg7 : memref<!tpu.dma_semaphore, #tpu.memory_space<semaphore_mem>>) src(%dma_wait3A_75 : memref<10000x128xf32, #tpu.memory_space<hbm>>) dst(%dma_wait3A_70 : memref<128x128xf32, #tpu.memory_space<vmem>>)
        "tpu.region"() ({
          %run_scoped3A = tpu.sem_alloc : memref<!tpu.dma_semaphore, #tpu.memory_space<semaphore_mem>>
          %dma_start3A_76 = arith.constant 0 : i32
          %dma_start3A_77 = tpu.memref_slice %arg4[%multiple_of3A, %dma_start3A_76] : memref<320000x128xf32, #tpu.memory_space<hbm>> -> memref<512x128xf32, #tpu.memory_space<hbm>>
          %dma_start3A_78 = arith.constant 0 : i32
          %dma_start3A_79 = tpu.memref_slice %arg4[%multiple_of3A, %dma_start3A_78] : memref<320000x128xf32, #tpu.memory_space<hbm>> -> memref<512x128xf32, #tpu.memory_space<hbm>>
          tpu.enqueue_dma source(%arg6 : memref<512x128xf32, #tpu.memory_space<vmem>>) target(%dma_start3A_79 : memref<512x128xf32, #tpu.memory_space<hbm>>) target_semaphore(%run_scoped3A : memref<!tpu.dma_semaphore, #tpu.memory_space<semaphore_mem>>)
          %dma_wait3A_80 = arith.constant 0 : i32
          %dma_wait3A_81 = tpu.memref_slice %arg4[%multiple_of3A, %dma_wait3A_80] : memref<320000x128xf32, #tpu.memory_space<hbm>> -> memref<512x128xf32, #tpu.memory_space<hbm>>
          %dma_wait3A_82 = arith.constant 0 : i32
          %dma_wait3A_83 = tpu.memref_slice %arg4[%multiple_of3A, %dma_wait3A_82] : memref<320000x128xf32, #tpu.memory_space<hbm>> -> memref<512x128xf32, #tpu.memory_space<hbm>>
          tpu.wait_dma2 semaphore(%run_scoped3A : memref<!tpu.dma_semaphore, #tpu.memory_space<semaphore_mem>>) src(%arg6 : memref<512x128xf32, #tpu.memory_space<vmem>>) dst(%dma_wait3A_83 : memref<512x128xf32, #tpu.memory_space<hbm>>)
          tpu.yield
        }) : () -> ()
      } else {
      }
    }
    %scan3A_5 = arith.constant 20 : i32
    return
  }
}

module attributes {stable_mosaic.version = 14 : i64} {
  func.func @_edge_dense_body(%arg0: i32, %arg1: memref<1x10x128xf32, #tpu.memory_space<vmem>>, %arg2: memref<1280x3xf32, #tpu.memory_space<vmem>>, %arg3: memref<128x48xf32, #tpu.memory_space<vmem>>, %arg4: memref<128x112xf32, #tpu.memory_space<vmem>>, %arg5: memref<1280x128xf32, #tpu.memory_space<vmem>>, %arg6: memref<48x1280xf32, #tpu.memory_space<vmem>>, %arg7: memref<1280x128xf32, #tpu.memory_space<vmem>>, %arg8: memref<3x1280xf32, #tpu.memory_space<vmem>>) attributes {dimension_semantics = [#tpu.dimension_semantics<arbitrary>], iteration_bounds = array<i64: 250>, scalar_prefetch = 0 : i64, scratch_operands = 0 : i64, tpu.core_type = #tpu.core_type<tc>, window_params = [{transform_indices = @transform_0, window_bounds = array<i64: 1, 10, 128>}, {transform_indices = @transform_1, window_bounds = array<i64: 1280, 3>}, {pipeline_mode = #tpu.pipeline_mode<synchronous>, transform_indices = @transform_2, window_bounds = array<i64: 128, 48>}, {pipeline_mode = #tpu.pipeline_mode<synchronous>, transform_indices = @transform_3, window_bounds = array<i64: 128, 112>}, {transform_indices = @transform_4, window_bounds = array<i64: 1280, 128>}, {transform_indices = @transform_5, window_bounds = array<i64: 48, 1280>}, {transform_indices = @transform_6, window_bounds = array<i64: 1280, 128>}, {transform_indices = @transform_7, window_bounds = array<i64: 3, 1280>}]} {
    %get3A = arith.constant 0 : index
    %get3A_0 = arith.constant 0 : index
    %get3A_1 = arith.constant 0 : index
    %get3A_2 = vector.load %arg1[%get3A, %get3A_0, %get3A_1] : memref<1x10x128xf32, #tpu.memory_space<vmem>>, vector<1x10x128xf32>
    %get3A_3 = vector.shape_cast %get3A_2 : vector<1x10x128xf32> to vector<10x128xf32>
    %mul3A = arith.mulf %get3A_3, %get3A_3 : vector<10x128xf32>
    %mul3A_4 = arith.mulf %mul3A, %mul3A : vector<10x128xf32>
    %mul3A_5 = arith.mulf %mul3A_4, %get3A_3 : vector<10x128xf32>
    %mul3A_6 = arith.constant -2.100000e+01 : f32
    %mul3A_7 = vector.broadcast %mul3A_6 : f32 to vector<10x128xf32>
    %mul3A_8 = arith.mulf %mul3A_7, %mul3A_5 : vector<10x128xf32>
    %add3A = arith.constant 1.000000e+00 : f32
    %add3A_9 = vector.broadcast %add3A : f32 to vector<10x128xf32>
    %add3A_10 = arith.addf %add3A_9, %mul3A_8 : vector<10x128xf32>
    %mul3A_11 = arith.constant 3.500000e+01 : f32
    %mul3A_12 = vector.broadcast %mul3A_11 : f32 to vector<10x128xf32>
    %mul3A_13 = arith.mulf %mul3A_12, %mul3A_5 : vector<10x128xf32>
    %mul3A_14 = arith.mulf %mul3A_13, %get3A_3 : vector<10x128xf32>
    %add3A_15 = arith.addf %add3A_10, %mul3A_14 : vector<10x128xf32>
    %mul3A_16 = arith.constant -1.500000e+01 : f32
    %mul3A_17 = vector.broadcast %mul3A_16 : f32 to vector<10x128xf32>
    %mul3A_18 = arith.mulf %mul3A_17, %mul3A_5 : vector<10x128xf32>
    %mul3A_19 = arith.mulf %mul3A_18, %mul3A : vector<10x128xf32>
    %add3A_20 = arith.addf %add3A_15, %mul3A_19 : vector<10x128xf32>
    %lt3A = arith.constant 1.000000e+00 : f32
    %lt3A_21 = vector.broadcast %lt3A : f32 to vector<10x128xf32>
    %lt3A_22 = arith.cmpf olt, %get3A_3, %lt3A_21 : vector<10x128xf32>
    %jit3A = arith.constant 0.000000e+00 : f32
    %broadcast_in_dim3A = vector.broadcast %jit3A : f32 to vector<10x128xf32>
    %select_n3A = arith.select %lt3A_22, %add3A_20, %broadcast_in_dim3A : vector<10x128xi1>, vector<10x128xf32>
    %iota3A = tpu.iota {dimensions = array<i32: 2>} : vector<1x1x128xi32>
    %convert_element_type3A = arith.sitofp %iota3A : vector<1x1x128xi32> to vector<1x1x128xf32>
    %mul3A_23 = arith.constant 0.00787401571 : f32
    %mul3A_24 = vector.broadcast %mul3A_23 : f32 to vector<1x1x128xf32>
    %mul3A_25 = arith.mulf %convert_element_type3A, %mul3A_24 : vector<1x1x128xf32>
    %broadcast_in_dim3A_26 = vector.shape_cast %get3A_3 : vector<10x128xf32> to vector<10x128x1xf32>
    %sub3A = vector.broadcast %broadcast_in_dim3A_26 : vector<10x128x1xf32> to vector<10x128x128xf32>
    %sub3A_27 = vector.broadcast %mul3A_25 : vector<1x1x128xf32> to vector<10x128x128xf32>
    %sub3A_28 = arith.subf %sub3A, %sub3A_27 : vector<10x128x128xf32>
    %broadcast_in_dim3A_29 = vector.shape_cast %select_n3A : vector<10x128xf32> to vector<10x128x1xf32>
    %mul3A_30 = arith.constant -8.064500e+03 : f32
    %mul3A_31 = vector.broadcast %mul3A_30 : f32 to vector<10x128x128xf32>
    %mul3A_32 = arith.mulf %mul3A_31, %sub3A_28 : vector<10x128x128xf32>
    %mul3A_33 = arith.mulf %mul3A_32, %sub3A_28 : vector<10x128x128xf32>
    %exp3A = math.exp %mul3A_33 : vector<10x128x128xf32>
    %mul3A_34 = vector.broadcast %broadcast_in_dim3A_29 : vector<10x128x1xf32> to vector<10x128x128xf32>
    %mul3A_35 = arith.mulf %mul3A_34, %exp3A : vector<10x128x128xf32>
    %reshape3A = vector.shape_cast %mul3A_35 : vector<10x128x128xf32> to vector<1280x128xf32>
    %swap3A = arith.constant 0 : index
    %swap3A_36 = arith.constant 0 : index
    %swap3A_37 = vector.load %arg5[%swap3A, %swap3A_36] : memref<1280x128xf32, #tpu.memory_space<vmem>>, vector<1280x128xf32>
    tpu.vector_store %arg5[%swap3A, %swap3A_36], %reshape3A {strides = array<i32>} : memref<1280x128xf32, #tpu.memory_space<vmem>>, vector<1280x128xf32>,
    %get3A_38 = arith.constant 0 : index
    %get3A_39 = arith.constant 0 : index
    %get3A_40 = vector.load %arg3[%get3A_38, %get3A_39] : memref<128x48xf32, #tpu.memory_space<vmem>>, vector<128x48xf32>
    %dot_general3A = arith.constant dense<0.000000e+00> : vector<1280x48xf32>
    %dot_general3A_41 = tpu.matmul %reshape3A, %get3A_40, %dot_general3A {dimension_numbers = #tpu.dot_dimension_numbers<[1], [0], [0], [1], [0, 0, 1, 1], [], []>, transpose_lhs_hint = false} : vector<1280x128xf32>, vector<128x48xf32>, vector<1280x48xf32> -> vector<1280x48xf32>
    %transpose3A = tpu.transpose %dot_general3A_41, [1, 0] : vector<1280x48xf32> -> vector<48x1280xf32>
    %swap3A_42 = arith.constant 0 : index
    %swap3A_43 = arith.constant 0 : index
    %swap3A_44 = vector.load %arg6[%swap3A_42, %swap3A_43] : memref<48x1280xf32, #tpu.memory_space<vmem>>, vector<48x1280xf32>
    tpu.vector_store %arg6[%swap3A_42, %swap3A_43], %transpose3A {strides = array<i32>} : memref<48x1280xf32, #tpu.memory_space<vmem>>, vector<48x1280xf32>,
    %get3A_45 = arith.constant 0 : index
    %get3A_46 = arith.constant 0 : index
    %get3A_47 = vector.load %arg4[%get3A_45, %get3A_46] : memref<128x112xf32, #tpu.memory_space<vmem>>, vector<128x112xf32>
    %dot_general3A_48 = arith.constant dense<0.000000e+00> : vector<1280x112xf32>
    %dot_general3A_49 = tpu.matmul %reshape3A, %get3A_47, %dot_general3A_48 {dimension_numbers = #tpu.dot_dimension_numbers<[1], [0], [0], [1], [0, 0, 1, 1], [], []>, transpose_lhs_hint = false} : vector<1280x128xf32>, vector<128x112xf32>, vector<1280x112xf32> -> vector<1280x112xf32>
    %get3A_50 = arith.constant 0 : index
    %get3A_51 = arith.constant 0 : index
    %get3A_52 = vector.load %arg2[%get3A_50, %get3A_51] : memref<1280x3xf32, #tpu.memory_space<vmem>>, vector<1280x3xf32>
    %mul3A_53 = arith.mulf %get3A_52, %get3A_52 : vector<1280x3xf32>
    %reduce_sum3A = arith.constant dense<0.000000e+00> : vector<1280xf32>
    %reduce_sum3A_54 = vector.multi_reduction <add>, %mul3A_53, %reduce_sum3A [1] : vector<1280x3xf32> to vector<1280xf32>
    %broadcast_in_dim3A_55 = vector.shape_cast %reduce_sum3A_54 : vector<1280xf32> to vector<1280x1xf32>
    %sqrt3A = math.sqrt %broadcast_in_dim3A_55 : vector<1280x1xf32>
    %add3A_56 = arith.constant 9.99999996E-13 : f32
    %add3A_57 = vector.broadcast %add3A_56 : f32 to vector<1280x1xf32>
    %add3A_58 = arith.addf %sqrt3A, %add3A_57 : vector<1280x1xf32>
    %div3A = vector.broadcast %add3A_58 : vector<1280x1xf32> to vector<1280x3xf32>
    %div3A_59 = arith.divf %get3A_52, %div3A : vector<1280x3xf32>
    %transpose3A_60 = tpu.transpose %div3A_59, [1, 0] : vector<1280x3xf32> -> vector<3x1280xf32>
    %swap3A_61 = arith.constant 0 : index
    %swap3A_62 = arith.constant 0 : index
    %swap3A_63 = vector.load %arg8[%swap3A_61, %swap3A_62] : memref<3x1280xf32, #tpu.memory_space<vmem>>, vector<3x1280xf32>
    tpu.vector_store %arg8[%swap3A_61, %swap3A_62], %transpose3A_60 {strides = array<i32>} : memref<3x1280xf32, #tpu.memory_space<vmem>>, vector<3x1280xf32>,
    %broadcast_in_dim3A_64 = arith.constant 0.000000e+00 : f32
    %broadcast_in_dim3A_65 = vector.broadcast %broadcast_in_dim3A_64 : f32 to vector<1280x13xf32>
    %concatenate3A = tpu.concatenate %dot_general3A_49, %div3A_59, %broadcast_in_dim3A_65 in 1 : vector<1280x112xf32>, vector<1280x3xf32>, vector<1280x13xf32> -> vector<1280x128xf32>
    %swap3A_66 = arith.constant 0 : index
    %swap3A_67 = arith.constant 0 : index
    %swap3A_68 = vector.load %arg7[%swap3A_66, %swap3A_67] : memref<1280x128xf32, #tpu.memory_space<vmem>>, vector<1280x128xf32>
    tpu.vector_store %arg7[%swap3A_66, %swap3A_67], %concatenate3A {strides = array<i32>} : memref<1280x128xf32, #tpu.memory_space<vmem>>, vector<1280x128xf32>,
    return
  }
  func.func @transform_0(%arg0: i32) -> (i32, i32, i32) {
    %c0_i32 = arith.constant 0 : i32
    %c0_i32_0 = arith.constant 0 : i32
    %c0_i32_1 = arith.constant 0 : i32
    return %arg0, %c0_i32, %c0_i32_0 : i32, i32, i32
  }
  func.func @transform_1(%arg0: i32) -> (i32, i32) {
    %c0_i32 = arith.constant 0 : i32
    %c0_i32_0 = arith.constant 0 : i32
    return %arg0, %c0_i32 : i32, i32
  }
  func.func @transform_2(%arg0: i32) -> (i32, i32) {
    %c0_i32 = arith.constant 0 : i32
    %c0_i32_0 = arith.constant 0 : i32
    %c0_i32_1 = arith.constant 0 : i32
    return %c0_i32, %c0_i32_0 : i32, i32
  }
  func.func @transform_3(%arg0: i32) -> (i32, i32) {
    %c0_i32 = arith.constant 0 : i32
    %c0_i32_0 = arith.constant 0 : i32
    %c0_i32_1 = arith.constant 0 : i32
    return %c0_i32, %c0_i32_0 : i32, i32
  }
  func.func @transform_4(%arg0: i32) -> (i32, i32) {
    %c0_i32 = arith.constant 0 : i32
    %c0_i32_0 = arith.constant 0 : i32
    return %arg0, %c0_i32 : i32, i32
  }
  func.func @transform_5(%arg0: i32) -> (i32, i32) {
    %c0_i32 = arith.constant 0 : i32
    %c0_i32_0 = arith.constant 0 : i32
    return %c0_i32, %arg0 : i32, i32
  }
  func.func @transform_6(%arg0: i32) -> (i32, i32) {
    %c0_i32 = arith.constant 0 : i32
    %c0_i32_0 = arith.constant 0 : i32
    return %arg0, %c0_i32 : i32, i32
  }
  func.func @transform_7(%arg0: i32) -> (i32, i32) {
    %c0_i32 = arith.constant 0 : i32
    %c0_i32_0 = arith.constant 0 : i32
    return %c0_i32, %arg0 : i32, i32
  }
}

module attributes {stable_mosaic.version = 14 : i64} {
  func.func @_trip_combine_body(%arg0: i32, %arg1: memref<1280x128xf32, #tpu.memory_space<vmem>>, %arg2: memref<16x1280xf32, #tpu.memory_space<vmem>>) attributes {dimension_semantics = [#tpu.dimension_semantics<arbitrary>], iteration_bounds = array<i64: 250>, scalar_prefetch = 0 : i64, scratch_operands = 0 : i64, tpu.core_type = #tpu.core_type<tc>, window_params = [{transform_indices = @transform_0, window_bounds = array<i64: 1280, 128>}, {transform_indices = @transform_1, window_bounds = array<i64: 16, 1280>}]} {
    %get3A = arith.constant 0 : index
    %get3A_0 = arith.constant 0 : index
    %get3A_1 = vector.load %arg1[%get3A, %get3A_0] : memref<1280x128xf32, #tpu.memory_space<vmem>>, vector<1280x128xf32>
    %slice3A = vector.extract_strided_slice %get3A_1 {offsets = [0, 112], sizes = [1280, 1], strides = [1, 1]} : vector<1280x128xf32> to vector<1280x1xf32>
    %slice3A_2 = vector.extract_strided_slice %get3A_1 {offsets = [0, 0], sizes = [1280, 16], strides = [1, 1]} : vector<1280x128xf32> to vector<1280x16xf32>
    %broadcast_in_dim3A = arith.constant 1.000000e+00 : f32
    %broadcast_in_dim3A_3 = vector.broadcast %broadcast_in_dim3A : f32 to vector<1280x1xf32>
    %slice3A_4 = vector.extract_strided_slice %get3A_1 {offsets = [0, 16], sizes = [1280, 16], strides = [1, 1]} : vector<1280x128xf32> to vector<1280x16xf32>
    %mul3A = vector.broadcast %slice3A : vector<1280x1xf32> to vector<1280x16xf32>
    %mul3A_5 = arith.mulf %mul3A, %slice3A_4 : vector<1280x16xf32>
    %add3A = arith.addf %slice3A_2, %mul3A_5 : vector<1280x16xf32>
    %mul3A_6 = arith.constant 2.000000e+00 : f32
    %mul3A_7 = vector.broadcast %mul3A_6 : f32 to vector<1280x1xf32>
    %mul3A_8 = arith.mulf %mul3A_7, %slice3A : vector<1280x1xf32>
    %mul3A_9 = arith.mulf %mul3A_8, %slice3A : vector<1280x1xf32>
    %sub3A = arith.subf %mul3A_9, %broadcast_in_dim3A_3 : vector<1280x1xf32>
    %slice3A_10 = vector.extract_strided_slice %get3A_1 {offsets = [0, 32], sizes = [1280, 16], strides = [1, 1]} : vector<1280x128xf32> to vector<1280x16xf32>
    %mul3A_11 = vector.broadcast %sub3A : vector<1280x1xf32> to vector<1280x16xf32>
    %mul3A_12 = arith.mulf %mul3A_11, %slice3A_10 : vector<1280x16xf32>
    %add3A_13 = arith.addf %add3A, %mul3A_12 : vector<1280x16xf32>
    %mul3A_14 = arith.constant 2.000000e+00 : f32
    %mul3A_15 = vector.broadcast %mul3A_14 : f32 to vector<1280x1xf32>
    %mul3A_16 = arith.mulf %mul3A_15, %slice3A : vector<1280x1xf32>
    %mul3A_17 = arith.mulf %mul3A_16, %sub3A : vector<1280x1xf32>
    %sub3A_18 = arith.subf %mul3A_17, %slice3A : vector<1280x1xf32>
    %slice3A_19 = vector.extract_strided_slice %get3A_1 {offsets = [0, 48], sizes = [1280, 16], strides = [1, 1]} : vector<1280x128xf32> to vector<1280x16xf32>
    %mul3A_20 = vector.broadcast %sub3A_18 : vector<1280x1xf32> to vector<1280x16xf32>
    %mul3A_21 = arith.mulf %mul3A_20, %slice3A_19 : vector<1280x16xf32>
    %add3A_22 = arith.addf %add3A_13, %mul3A_21 : vector<1280x16xf32>
    %mul3A_23 = arith.constant 2.000000e+00 : f32
    %mul3A_24 = vector.broadcast %mul3A_23 : f32 to vector<1280x1xf32>
    %mul3A_25 = arith.mulf %mul3A_24, %slice3A : vector<1280x1xf32>
    %mul3A_26 = arith.mulf %mul3A_25, %sub3A_18 : vector<1280x1xf32>
    %sub3A_27 = arith.subf %mul3A_26, %sub3A : vector<1280x1xf32>
    %slice3A_28 = vector.extract_strided_slice %get3A_1 {offsets = [0, 64], sizes = [1280, 16], strides = [1, 1]} : vector<1280x128xf32> to vector<1280x16xf32>
    %mul3A_29 = vector.broadcast %sub3A_27 : vector<1280x1xf32> to vector<1280x16xf32>
    %mul3A_30 = arith.mulf %mul3A_29, %slice3A_28 : vector<1280x16xf32>
    %add3A_31 = arith.addf %add3A_22, %mul3A_30 : vector<1280x16xf32>
    %mul3A_32 = arith.constant 2.000000e+00 : f32
    %mul3A_33 = vector.broadcast %mul3A_32 : f32 to vector<1280x1xf32>
    %mul3A_34 = arith.mulf %mul3A_33, %slice3A : vector<1280x1xf32>
    %mul3A_35 = arith.mulf %mul3A_34, %sub3A_27 : vector<1280x1xf32>
    %sub3A_36 = arith.subf %mul3A_35, %sub3A_18 : vector<1280x1xf32>
    %slice3A_37 = vector.extract_strided_slice %get3A_1 {offsets = [0, 80], sizes = [1280, 16], strides = [1, 1]} : vector<1280x128xf32> to vector<1280x16xf32>
    %mul3A_38 = vector.broadcast %sub3A_36 : vector<1280x1xf32> to vector<1280x16xf32>
    %mul3A_39 = arith.mulf %mul3A_38, %slice3A_37 : vector<1280x16xf32>
    %add3A_40 = arith.addf %add3A_31, %mul3A_39 : vector<1280x16xf32>
    %mul3A_41 = arith.constant 2.000000e+00 : f32
    %mul3A_42 = vector.broadcast %mul3A_41 : f32 to vector<1280x1xf32>
    %mul3A_43 = arith.mulf %mul3A_42, %slice3A : vector<1280x1xf32>
    %mul3A_44 = arith.mulf %mul3A_43, %sub3A_36 : vector<1280x1xf32>
    %sub3A_45 = arith.subf %mul3A_44, %sub3A_27 : vector<1280x1xf32>
    %slice3A_46 = vector.extract_strided_slice %get3A_1 {offsets = [0, 96], sizes = [1280, 16], strides = [1, 1]} : vector<1280x128xf32> to vector<1280x16xf32>
    %mul3A_47 = vector.broadcast %sub3A_45 : vector<1280x1xf32> to vector<1280x16xf32>
    %mul3A_48 = arith.mulf %mul3A_47, %slice3A_46 : vector<1280x16xf32>
    %add3A_49 = arith.addf %add3A_40, %mul3A_48 : vector<1280x16xf32>
    %transpose3A = tpu.transpose %add3A_49, [1, 0] : vector<1280x16xf32> -> vector<16x1280xf32>
    %swap3A = arith.constant 0 : index
    %swap3A_50 = arith.constant 0 : index
    %swap3A_51 = vector.load %arg2[%swap3A, %swap3A_50] : memref<16x1280xf32, #tpu.memory_space<vmem>>, vector<16x1280xf32>
    tpu.vector_store %arg2[%swap3A, %swap3A_50], %transpose3A {strides = array<i32>} : memref<16x1280xf32, #tpu.memory_space<vmem>>, vector<16x1280xf32>,
    return
  }
  func.func @transform_0(%arg0: i32) -> (i32, i32) {
    %c0_i32 = arith.constant 0 : i32
    %c0_i32_0 = arith.constant 0 : i32
    return %arg0, %c0_i32 : i32, i32
  }
  func.func @transform_1(%arg0: i32) -> (i32, i32) {
    %c0_i32 = arith.constant 0 : i32
    %c0_i32_0 = arith.constant 0 : i32
    return %c0_i32, %arg0 : i32, i32
  }
}

module attributes {stable_mosaic.version = 14 : i64} {
  func.func @_edge_embed_body(%arg0: i32, %arg1: memref<800x128xf32, #tpu.memory_space<vmem>>, %arg2: memref<800x128xf32, #tpu.memory_space<vmem>>, %arg3: memref<800x128xf32, #tpu.memory_space<vmem>>, %arg4: memref<384x256xf32, #tpu.memory_space<vmem>>, %arg5: memref<800x256xf32, #tpu.memory_space<vmem>>) attributes {dimension_semantics = [#tpu.dimension_semantics<arbitrary>], iteration_bounds = array<i64: 400>, scalar_prefetch = 0 : i64, scratch_operands = 0 : i64, tpu.core_type = #tpu.core_type<tc>, window_params = [{transform_indices = @transform_0, window_bounds = array<i64: 800, 128>}, {transform_indices = @transform_1, window_bounds = array<i64: 800, 128>}, {transform_indices = @transform_2, window_bounds = array<i64: 800, 128>}, {pipeline_mode = #tpu.pipeline_mode<synchronous>, transform_indices = @transform_3, window_bounds = array<i64: 384, 256>}, {transform_indices = @transform_4, window_bounds = array<i64: 800, 256>}]} {
    %get3A = arith.constant 0 : index
    %get3A_0 = arith.constant 0 : index
    %get3A_1 = vector.load %arg4[%get3A, %get3A_0] : memref<384x256xf32, #tpu.memory_space<vmem>>, vector<384x256xf32>
    %convert_element_type3A = arith.truncf %get3A_1 : vector<384x256xf32> to vector<384x256xbf16>
    %get3A_2 = arith.constant 0 : index
    %get3A_3 = arith.constant 0 : index
    %get3A_4 = vector.load %arg1[%get3A_2, %get3A_3] : memref<800x128xf32, #tpu.memory_space<vmem>>, vector<800x128xf32>
    %convert_element_type3A_5 = arith.truncf %get3A_4 : vector<800x128xf32> to vector<800x128xbf16>
    %slice3A = vector.extract_strided_slice %convert_element_type3A {offsets = [0, 0], sizes = [128, 256], strides = [1, 1]} : vector<384x256xbf16> to vector<128x256xbf16>
    %dot_general3A = arith.constant dense<0.000000e+00> : vector<800x256xf32>
    %dot_general3A_6 = tpu.matmul %convert_element_type3A_5, %slice3A, %dot_general3A {dimension_numbers = #tpu.dot_dimension_numbers<[1], [0], [0], [1], [0, 0, 1, 1], [], []>, transpose_lhs_hint = false} : vector<800x128xbf16>, vector<128x256xbf16>, vector<800x256xf32> -> vector<800x256xf32>
    %get3A_7 = arith.constant 0 : index
    %get3A_8 = arith.constant 0 : index
    %get3A_9 = vector.load %arg2[%get3A_7, %get3A_8] : memref<800x128xf32, #tpu.memory_space<vmem>>, vector<800x128xf32>
    %convert_element_type3A_10 = arith.truncf %get3A_9 : vector<800x128xf32> to vector<800x128xbf16>
    %slice3A_11 = vector.extract_strided_slice %convert_element_type3A {offsets = [128, 0], sizes = [128, 256], strides = [1, 1]} : vector<384x256xbf16> to vector<128x256xbf16>
    %dot_general3A_12 = arith.constant dense<0.000000e+00> : vector<800x256xf32>
    %dot_general3A_13 = tpu.matmul %convert_element_type3A_10, %slice3A_11, %dot_general3A_12 {dimension_numbers = #tpu.dot_dimension_numbers<[1], [0], [0], [1], [0, 0, 1, 1], [], []>, transpose_lhs_hint = false} : vector<800x128xbf16>, vector<128x256xbf16>, vector<800x256xf32> -> vector<800x256xf32>
    %add3A = arith.addf %dot_general3A_6, %dot_general3A_13 : vector<800x256xf32>
    %get3A_14 = arith.constant 0 : index
    %get3A_15 = arith.constant 0 : index
    %get3A_16 = vector.load %arg3[%get3A_14, %get3A_15] : memref<800x128xf32, #tpu.memory_space<vmem>>, vector<800x128xf32>
    %convert_element_type3A_17 = arith.truncf %get3A_16 : vector<800x128xf32> to vector<800x128xbf16>
    %slice3A_18 = vector.extract_strided_slice %convert_element_type3A {offsets = [256, 0], sizes = [128, 256], strides = [1, 1]} : vector<384x256xbf16> to vector<128x256xbf16>
    %dot_general3A_19 = arith.constant dense<0.000000e+00> : vector<800x256xf32>
    %dot_general3A_20 = tpu.matmul %convert_element_type3A_17, %slice3A_18, %dot_general3A_19 {dimension_numbers = #tpu.dot_dimension_numbers<[1], [0], [0], [1], [0, 0, 1, 1], [], []>, transpose_lhs_hint = false} : vector<800x128xbf16>, vector<128x256xbf16>, vector<800x256xf32> -> vector<800x256xf32>
    %add3A_21 = arith.addf %add3A, %dot_general3A_20 : vector<800x256xf32>
    %logistic3A = arith.negf %add3A_21 : vector<800x256xf32>
    %logistic3A_22 = math.exp %logistic3A : vector<800x256xf32>
    %logistic3A_23 = arith.constant 1.000000e+00 : f32
    %logistic3A_24 = vector.broadcast %logistic3A_23 : f32 to vector<800x256xf32>
    %logistic3A_25 = arith.addf %logistic3A_24, %logistic3A_22 : vector<800x256xf32>
    %logistic3A_26 = arith.divf %logistic3A_24, %logistic3A_25 : vector<800x256xf32>
    %mul3A = arith.mulf %add3A_21, %logistic3A_26 : vector<800x256xf32>
    %swap3A = arith.constant 0 : index
    %swap3A_27 = arith.constant 0 : index
    %swap3A_28 = vector.load %arg5[%swap3A, %swap3A_27] : memref<800x256xf32, #tpu.memory_space<vmem>>, vector<800x256xf32>
    tpu.vector_store %arg5[%swap3A, %swap3A_27], %mul3A {strides = array<i32>} : memref<800x256xf32, #tpu.memory_space<vmem>>, vector<800x256xf32>,
    return
  }
  func.func @transform_0(%arg0: i32) -> (i32, i32) {
    %c0_i32 = arith.constant 0 : i32
    %c0_i32_0 = arith.constant 0 : i32
    return %arg0, %c0_i32 : i32, i32
  }
  func.func @transform_1(%arg0: i32) -> (i32, i32) {
    %c0_i32 = arith.constant 0 : i32
    %c0_i32_0 = arith.constant 0 : i32
    return %arg0, %c0_i32 : i32, i32
  }
  func.func @transform_2(%arg0: i32) -> (i32, i32) {
    %c0_i32 = arith.constant 0 : i32
    %c0_i32_0 = arith.constant 0 : i32
    return %arg0, %c0_i32 : i32, i32
  }
  func.func @transform_3(%arg0: i32) -> (i32, i32) {
    %c0_i32 = arith.constant 0 : i32
    %c0_i32_0 = arith.constant 0 : i32
    %c0_i32_1 = arith.constant 0 : i32
    return %c0_i32, %c0_i32_0 : i32, i32
  }
  func.func @transform_4(%arg0: i32) -> (i32, i32) {
    %c0_i32 = arith.constant 0 : i32
    %c0_i32_0 = arith.constant 0 : i32
    return %arg0, %c0_i32 : i32, i32
  }
}

</mosaic_0001>

<sc_bundles>
// kernel: kernel.10.cloned.1.call-start
scs
__scs_entry_jumppad:
0x0: {  	(pc) =	sbr.rel $0x88, $3  }
0x1: {  	(tag) =	ssettag $0x0;
	lr =	simm.s32 $0x1  }
0x2: {  	[smem:$0x3F96] =	sst lr;
	_ =	strace $0xD0000000  }
0x3: {  	_ = 	snop  }
0x4: {  	_ = 	snop  }
0x5: {  	_ = 	snop  }
0x6: {  	_ = 	snop  }
0x7: {  	_ = 	snop  }
__scs_overlays_trampoline_lowered:
0x8: {  	[smem:$0x3FA5] =	sst s0  }
0x9: {  	[smem:$0x3FA6] =	sst s1  }
0xa: {  	[smem:$0x3FA7] =	sst s2  }
0xb: {  	[smem:$0x3FA8] =	sst s3  }
0xc: {  	[smem:$0x3FA9] =	sst s4  }
0xd: {  	[smem:$0x3FAA] =	sst s5  }
0xe: {  	[smem:$0x3FAB] =	sst s6  }
0xf: {  	[smem:$0x3FAC] =	sst s7  }
0x10: {  	[smem:$0x3FAD] =	sst s8  }
0x11: {  	[smem:$0x3FAE] =	sst s9;
	s0 =	simm.s32 @!p0 $0x0  }
0x12: {  	s1 =	sld [smem:$0x3F94];
	s0 =	simm.s32 @p0 $0x1  }
0x13: {  	[smem:$0x3FAF] =	sst s0;
	s0 =	simm.s32 @!p1 $0x0  }
0x14: {  	s2 =	sld [smem:$0x3F93];
	s0 =	simm.s32 @p1 $0x1  }
0x15: {  	[smem:$0x3FB0] =	sst s0;
	s0 =	simm.s32 @!p2 $0x0  }
0x16: {  	s3 =	sld [smem:$0x3FDB];
	s0 =	simm.s32 @p2 $0x1  }
0x17: {  	s4 =	simm.s32 $0x1BF5;
	[smem:$0x3FB2] =	sst s0  }
0x18: {  	s0 =	sld [smem:$0x3F95];
	_ =	swait.ge [sflag:s4], $0x0  }
0x19: {  	s7 =	sld [smem:$0x3F96]  }
0x1a: {  	s8 =	sadd.s32 $0xFFFFE003, lr  }
0x1b: {  	s9 =	sadd.s32 $0xFFFFFEF7, lr;
	s5 =	simm.s32 $0xFFFFFFFF;
	p2 =	slt.u32 s8, $0xFFFFF086  }
0x1c: {  	p1 =	slt.u32 s9, $0xF7A;
	s5 =	simm.s32 @!p2 $0x0  }
0x1d: {  	s5 =	simm.s32 @p1 $0x1;
	p0 =	seq.s32 s7, s2  }
0x1e: {  	s7 =	smul.u32 @!p0 $0xF7A, s2;
	p2 =	seq.s32 @!p0 s5, $0x0  }
0x1f: {  	s9 =	smul.u32 $0xF7A, s1;
	s8 =	simm.s32 @!p0 $0x1BF5;
	p2 =	por !p2, p0  }
0x20: {  	[sflag:s8] =	ssyncset.s32 @!p0 $0xFFFFF086;
	s6 =	sadd.s32 @!p0 s3, s7;
	s7 =	simm.s32 @!p0 $0x108  }
0x21: {  	s3 =	sadd.s32 s3, s9;
	s6 =	sadd.s32 @!p0 $0x88, s6;
	s7 =	simm.s32 @p2 $0x1082  }
0x22: {  	[simem:s7], [sflag:s8] =	dma.local @!p0 [hbm:s6], $0xF7A  }
0x23: {  	s9 =	sor.u32 $0xD0000000, s2;
	s6 =	simm.s32 $0x108;
	_ =	swait.ge @!p0 [sflag:s8], $0x0  }
0x24: {  	s3 =	sadd.s32 $0x88, s3;
	s6 =	simm.s32 @!p1 $0x1082;
	[sflag:s4] =	ssyncset.s32 $0xFFFFF086  }
0x25: {  	[simem:s6], [sflag:s4] =	dma.local [hbm:s3], $0xF7A  }
0x26: {  	[smem:$0x3F96] =	sst s1;
	(tag) =	ssettag s2;
	_ =	strace s9  }
0x27: {  	s1 =	sld [smem:$0x3FA6]  }
0x28: {  	s2 =	sld [smem:$0x3FA7]  }
0x29: {  	s4 =	sld [smem:$0x3FA9]  }
0x2a: {  	p0 =	seq.s32 s5, $0x0;
	s5 =	sld [smem:$0x3FAA]  }
0x2b: {  	s6 =	sld [smem:$0x3FAB]  }
0x2c: {  	s7 =	sld [smem:$0x3FAC]  }
0x2d: {  	s3 =	simm.s32 $0x108;
	s8 =	sld [smem:$0x3FAD]  }
0x2e: {  	s3 =	simm.s32 @!p0 $0x1082;
	s9 =	sld [smem:$0x3FAE]  }
0x2f: {  	lr =	sadd.s32 s0, s3;
	s0 =	sld [smem:$0x3FA5]  }
0x30: {  	s3 =	sld [smem:$0x3FA8]  }
0x31: {  	[smem:$0x3FB1] =	sst s10  }
0x32: {  	s10 =	sld [smem:$0x3FAF];
	_ =	sdelay $0x3  }
0x33: {  	p0 =	seq.s32 s10, $0x1;
	s10 =	sld [smem:$0x3FB1];
	_ =	sdelay $0x3  }
0x34: {  	[smem:$0x3FB1] =	sst s10  }
0x35: {  	s10 =	sld [smem:$0x3FB0];
	_ =	sdelay $0x3  }
0x36: {  	p1 =	seq.s32 s10, $0x1;
	s10 =	sld [smem:$0x3FB1];
	_ =	sdelay $0x3  }
0x37: {  	[smem:$0x3FB1] =	sst s10  }
0x38: {  	s10 =	sld [smem:$0x3FB2]  }
0x39: {  	_ = 	snop;
	(pc) =	sbr.ind lr, $3  }
0x3a: {  	_ = 	snop  }
0x3b: {  	_ = 	snop  }
0x3c: {  	p2 =	seq.s32 s10, $0x1;
	s10 =	sld [smem:$0x3FB1]  }
0x3d: {  	_ =	shalt  }
0x3e: {  	_ =	shalt  }
0x3f: {  	_ =	shalt  }
0x40: {  	_ =	shalt  }
0x41: {  	_ =	shalt  }
0x42: {  	_ =	shalt  }
0x43: {  	_ =	shalt  }
0x44: {  	_ =	shalt  }
0x45: {  	_ =	shalt  }
0x46: {  	_ =	shalt  }
0x47: {  	_ =	shalt  }
0x48: {  	_ =	shalt  }
0x49: {  	_ =	shalt  }
0x4a: {  	_ =	shalt  }
0x4b: {  	_ =	shalt  }
0x4c: {  	_ =	shalt  }
0x4d: {  	_ =	shalt  }
0x4e: {  	_ =	shalt  }
0x4f: {  	_ =	shalt  }
0x50: {  	_ =	shalt  }
0x51: {  	_ =	shalt  }
0x52: {  	_ =	shalt  }
0x53: {  	_ =	shalt  }
0x54: {  	_ =	shalt  }
0x55: {  	_ =	shalt  }
0x56: {  	_ =	shalt  }
0x57: {  	_ =	shalt  }
0x58: {  	_ =	shalt  }
0x59: {  	_ =	shalt  }
0x5a: {  	_ =	shalt  }
0x5b: {  	_ =	shalt  }
0x5c: {  	_ =	shalt  }
0x5d: {  	_ =	shalt  }
0x5e: {  	_ =	shalt  }
0x5f: {  	_ =	shalt  }
0x60: {  	_ =	shalt  }
0x61: {  	_ =	shalt  }
0x62: {  	_ =	shalt  }
0x63: {  	_ =	shalt  }
0x64: {  	_ =	shalt  }
0x65: {  	_ =	shalt  }
0x66: {  	_ =	shalt  }
0x67: {  	_ =	shalt  }
0x68: {  	_ =	shalt  }
0x69: {  	_ =	shalt  }
0x6a: {  	_ =	shalt  }
0x6b: {  	_ =	shalt  }
0x6c: {  	_ =	shalt  }
0x6d: {  	_ =	shalt  }
0x6e: {  	_ =	shalt  }
0x6f: {  	_ =	shalt  }
0x70: {  	_ =	shalt  }
0x71: {  	_ =	shalt  }
0x72: {  	_ =	shalt  }
0x73: {  	_ =	shalt  }
0x74: {  	_ =	shalt  }
0x75: {  	_ =	shalt  }
0x76: {  	_ =	shalt  }
0x77: {  	_ =	shalt  }
0x78: {  	_ =	shalt  }
0x79: {  	_ =	shalt  }
0x7a: {  	_ =	shalt  }
0x7b: {  	_ =	shalt  }
0x7c: {  	_ =	shalt  }
0x7d: {  	_ =	shalt  }
0x7e: {  	_ =	shalt  }
0x7f: {  	_ =	shalt  }
0x80: {  	_ =	shalt  }
0x81: {  	_ =	shalt  }
0x82: {  	_ =	shalt  }
0x83: {  	_ =	shalt  }
0x84: {  	_ =	shalt  }
0x85: {  	_ =	shalt  }
0x86: {  	_ =	shalt  }
0x87: {  	_ =	shalt  }
.Lfunc_end0:
.L_simem_size_0:
called_computation_lowered:
.L_overlay_start_0:
0x88: {  	s2 =	sld [smem:$0x3FD9]  }
0x89: {  	s3 =	sld [smem:$0x3FFE];
	_ =	sdelay $0x1  }
0x8a: {  	s1 =	srdreg.scid  }
0x8b: {  	s0 =	sand.u32 $0x1, s1  }
0x8c: {  	s14 =	sshll.u32 s0, $0xA;
	s2 =	sadd.s32 s3, s2  }
0x8d: {  	s2 =	sadd.s32 s2, s14  }
0x8e: {  	[smem:$0x3FBD] =	sst s2  }
0x8f: {  	_ = 	snop  }
0x90: {  	s2 =	sld [smem:$0x3FD0];
	_ =	sdelay $0x2  }
0x91: {  	s15 =	simm.s32 $0xD;
	s4 =	simm.s32 $0x10  }
0x92: {  	[smem:s4], [sflag:s15] =	dma.local [hbm:s2], $0x1  }
0x93: {  	_ =	swait.eq [sflag:s15], $0x1  }
0x94: {  	[sflag:s15] =	ssyncset.done $0x0  }
0x95: {  	[sflag:s15] =	ssyncadd.s32 $0xFFFFFFFF  }
0x96: {  	s16 =	sld [smem:$0x14];
	(tm) =	ssettm $0x1  }
0x97: {  	s17 =	sld [smem:$0x3FFB];
	_ =	sdelay $0x3  }
0x98: {  	_ =	strace s17  }
0x99: {  	s3 =	sld [smem:$0x3FFC];
	_ =	sdelay $0x3  }
0x9a: {  	_ =	strace s3  }
0x9b: {  	s3 =	sld [smem:$0x3FFD];
	_ =	sdelay $0x3  }
0x9c: {  	_ =	strace s3  }
0x9d: {  	_ =	strace $0x8FFFFFFF  }
0x9e: {  	s18 =	sld [smem:$0x3FDB];
	_ =	sdelay $0x1  }
0x9f: {  	s19 =	simm.s32 $_scs_section_size  }
0xa0: {  	s5 =	simm.s32 $_size__tile_overlayer_lowered;
	s6 =	simm.s32 $_tile_overlayer_lowered  }
0xa1: {  	s22 =	simm.s32 $0x1BFF;
	s21 =	sshll.u32 s6, $0x1;
	s3 =	sadd.s32 s19, s18  }
0xa2: {  	s7 =	simm.s32 $0x0;
	s20 =	sshll.u32 s5, $0x1;
	s5 =	sadd.s32 s21, s3  }
0xa3: {  	[timem:s7], [sflag:s22] =	dma.local [hbm:s5], s20  }
0xa4: {  	_ =	swait.ge [sflag:s22], s20  }
0xa5: {  	s4 =	ssub.s32 $0x0, s20;
	[sflag:s22] =	ssyncset.done $0x0  }
0xa6: {  	[sflag:s22] =	ssyncadd.s32 s4;
	_ =	sdelay $0x1  }
0xa7: {  	s23 =	simm.s32 $0x1B8B  }
0xa8: {  	_ =	swait.ge [sflag:s23], $0x1  }
0xa9: {  	[sflag:s23] =	ssyncset.done $0x0  }
0xaa: {  	s25 =	simm.s32 $0x1B8E;
	s24 =	sld [smem:$0x3FFE];
	[sflag:s23] =	ssyncadd.s32 $0xFFFFFFFF  }
0xab: {  	s26 =	simm.s32 $execute0_lowered;
	[smem:$0x3FD2] =	sst s25  }
0xac: {  	s5 =	sshll.u32 s26, $0x1;
	_ =	strace $0x80000046;
	[dreg:$0x1] =	wrdreg $0xFFFFFFFF  }
0xad: {  	s28 =	simm.s32 $_size_execute0_lowered;
	s3 =	sadd.s32 s3, s5;
	[dreg:$0x0] =	wrdreg $0x0  }
0xae: {  	s5 =	sshll.u32 s28, $0x1;
	[dreg:$0x2] =	wrdreg s3  }
0xaf: {  	[dreg:$0x3] =	wrdreg s5  }
0xb0: {  	[dreg:$0x4] =	wrdreg $0xC0  }
0xb1: {  	_ =	task [dreg:s7], $0x5FFFF  }
0xb2: {  	[dreg:$0x1] =	wrdreg $0xFFFFFFFF  }
0xb3: {  	[dreg:$0x0] =	wrdreg $0x60  }
0xb4: {  	[dreg:$0x2] =	wrdreg s24  }
0xb5: {  	[dreg:$0x3] =	wrdreg s16  }
0xb6: {  	[dreg:$0x4] =	wrdreg $0x9  }
0xb7: {  	_ =	task.clear_ibuf [dreg:s7], $0x5FFFF;
	_ =	strace $0x90000046  }
0xb8: {  	s29 =	simm.s32 $0x9;
	_ =	strace $0x80000048  }
0xb9: {  	_ =	swait.ge [sflag:s29], $0x1  }
0xba: {  	[sflag:s29] =	ssyncadd.s32 $0xFFFFFFFF  }
0xbb: {  	_ =	strace $0x90000048  }
0xbc: {  	_ =	sfence  }
0xbd: {  	s30 =	sld [smem:$0x0];
	_ =	sdelay $0x2  }
0xbe: {  	s31 =	sshll.u32 s1, $0xD;
	s1 =	sshrl.u32 s1, $0x2  }
0xbf: {  	s3 =	sand.u32 $0x4000, s31;
	s1 =	sadd.s32 s1, s30  }
0xc0: {  	s0 =	sor.u32 s3, s0;
	s1 =	sshll.u32 s1, $0x11  }
0xc1: {  	s0 =	sor.u32 s1, s0  }
0xc2: {  	s0 =	sadd.s32 $0x8F2B, s0  }
0xc3: {  	[sflag:s0] =	ssyncadd.remote.s32 $0x1  }
0xc4: {  	_ =	sfence.sel $0xFFFF  }
0xc5: {  	[dreg:$0x0] =	wrdreg $0xFFFFFFFF;
	(pc) =	sbr.abs _section_cstart, $3  }
0xc6: {  	[dreg:$0x1] =	wrdreg $0xFFFFFFFF  }
0xc7: {  	_ =	task.clear_ibuf [dreg:s7], $0x2FFFF;
	_ =	strace $0x9FFFFFFF  }
0xc8: {  	(tm) =	ssettm $0x7FFFFFFF  }
0xc9: {  	_ =	shalt  }
tec
execute0_lowered:
.L_overlay_start_1:
0x0: {  	(tag) =	ssettag $0x1  }
0x1: {  	s0 =	rddreg [dreg:$0x0]  }
0x2: {  	s1 =	rddreg [dreg:$0x1];
	s2 =	simm.s32 $0x0  }
0x3: {  	s29 =	srdreg.scid;
	s11 =	stileid.u32;
	s13 =	simm.s32 $0x280  }
0x4: {  	s14 =	simm.s32 $0x1;
	s15 =	simm.s32 $0x80;
	s16 =	simm.s32 $0x500  }
0x5: {  	s18 =	simm.s32 $0x300;
	s24 =	simm.s32 $0x380;
	s31 =	simm.s32 $0x400  }
0x6: {  	s17 =	simm.s32 $0x10500;
	s19 =	simm.s32 $0x480;
	s20 =	simm.s32 $0x14700  }
0x7: {  	s21 =	simm.s32 $0x14980;
	s22 =	simm.s32 $0x14C00;
	s23 =	simm.s32 $0x2  }
0x8: {  	[smem:$0x7FF] =	sst s2;
	s3 =	sadd.s32 $0x1D5E00, s0;
	s5 =	sand.u32 $0x1, s29  }
.Ltmp0:
0x9: {  	s4 =	sadd.s32 $0xBA3C00, s0;
	s2 =	ssub.s32 $0x2, s5;
	(pc) =	sbr.rel .LBB2_1-.Ltmp0, $4  }
0xa: {  	s7 =	sadd.s32 $0xB99E00, s0;
	s8 =	sadd.s32 $0xBB7800, s0;
	s6 =	sshrl.u32 s2, $0x1  }
0xb: {  	v0 =	vlaneseq.u32;
	s9 =	sadd.s32 $0xBADA00, s0;
	s10 =	sadd.s32 $0xBD5200, s0;
	s30 =	ssub.s32 s2, s6  }
0xc: {  	s11 =	sshll.u32 s11, $0x1;
	v0 =	vmul.u32 $0x80, v0;
	_ =	strace $0x80000047;
	s0 =	smax.u32 s30, $0x1  }
0xd: {  	s2 =	simm.s32 $0x200;
	s6 =	simm.s32 $0x0;
	[dreg:$0x3] =	wrdreg s0  }
.LBB2_7:
0xe: {  	s6 =	rddreg [dreg:$0x4]  }
0xf: {  	s0 =	rddreg [dreg:$0x3];
	s6 =	sadd.s32 $0x1, s6  }
0x10: {  	p0 =	sne.s32 s6, s0  }
.Ltmp1:
0x11: {  	_ = 	snop;
	(pc) =	sbr.rel @!p0 .LBB2_8-.Ltmp1, $1  }
0x12: {  	_ =	sdelay $0x3  }
.LBB2_1:
.Ltmp2:
0x13: {  	(pc) =	sbr.rel .LBB2_2-.Ltmp2, $2  }
0x14: {  	_ =	sdelay $0x2  }
0x15: {  	[dreg:$0x4] =	wrdreg s6;
	s25 =	simm.s32 $0x0  }
.LBB2_6:
0x16: {  	s25 =	sadd.s32 $0x1, s25  }
0x17: {  	p0 =	sne.s32 s25, $0x10  }
.Ltmp3:
0x18: {  	_ = 	snop;
	(pc) =	sbr.rel @!p0 .LBB2_7-.Ltmp3, $1  }
0x19: {  	_ =	sdelay $0x3  }
.LBB2_2:
0x1a: {  	s0 =	sshll.u32 s25, $0x5  }
0x1b: {  	s0 =	sor.u32 s11, s0  }
0x1c: {  	p0 =	sgt.u32 s0, $0x1F3  }
.Ltmp4:
0x1d: {  	_ = 	snop;
	(pc) =	sbr.rel @p0 .LBB2_6-.Ltmp4, $1  }
0x1e: {  	_ =	sdelay $0x3  }
0x1f: {  	s26 =	sor.u32 s5, s0  }
0x20: {  	s28 =	smul.u32 $0x50, s26;
	_ =	sdelay $0x1  }
0x21: {  	s0 =	simm.s32 $0x0;
	s29 =	sadd.s32 s8, s28  }
0x22: {  	[tilespmem:s0], [sflag:$0x1] =	stream.linear.gather [hbm4b:s29+s0], $0x280, $0x38;
	[tilespmem:$0x14C80] =	vst v63  }
0x23: {  	s28 =	sadd.s32 s9, s28  }
0x24: {  	[tilespmem:s13], [sflag:$0x1] =	stream.linear.gather [hbm4b:s28+s0], $0x280, $0x38;
	[tilespmem:$0x14C80] =	vst v63  }
0x25: {  	_ =	swait.ge [sflag:s14], $0x280  }
0x26: {  	[sflag:s14] =	ssyncset.done $0x0  }
0x27: {  	[sflag:s14] =	ssyncadd.s32 $0xFFFFFD80  }
0x28: {  	_ =	swait.ge [sflag:s14], $0x280  }
0x29: {  	[sflag:s14] =	ssyncset.done $0x0  }
0x2a: {  	[sflag:s14] =	ssyncadd.s32 $0xFFFFFD80  }
0x2b: {  	[tilespmem:s16], [sflag:$0x1] =	stream.indirect.gather [hbm4b:s3+s15], $0x80, s0, s15, $0xb8;
	[tilespmem:$0x14C80] =	vst v63  }
0x2c: {  	s30 =	simm.s32 $0x14500  }
0x2d: {  	[tilespmem:s30], [sflag:$0x1] =	stream.indirect.gather [hbm4b:s4+s15], $0x1, s13, s15, $0xb8;
	[tilespmem:$0x14C80] =	vst v63  }
0x2e: {  	s29 =	simm.s32 $0x14780  }
0x2f: {  	[tilespmem:s29], [sflag:$0x1] =	stream.indirect.gather [hbm4b:s7+s15], $0x1, s13, s15, $0xb8;
	[tilespmem:$0x14C80] =	vst v63  }
0x30: {  	s28 =	simm.s32 $0x14A00  }
0x31: {  	[tilespmem:s28], [sflag:$0x1] =	stream.indirect.gather [hbm4b:s1+s15], $0x1, s13, s15, $0xb8;
	[tilespmem:$0x14C80] =	vst v63  }
0x32: {  	s6 =	simm.s32 $0x4500  }
0x33: {  	[tilespmem:s6], [sflag:$0x1] =	stream.indirect.gather [hbm4b:s3+s15], $0x80, s15, s15, $0xb8;
	[tilespmem:$0x14C80] =	vst v63  }
0x34: {  	s12 =	simm.s32 $0x14580  }
0x35: {  	[tilespmem:s12], [sflag:$0x1] =	stream.indirect.gather [hbm4b:s4+s15], $0x1, s18, s15, $0xb8;
	[tilespmem:$0x14C80] =	vst v63  }
0x36: {  	s12 =	simm.s32 $0x14800  }
0x37: {  	[tilespmem:s12], [sflag:$0x1] =	stream.indirect.gather [hbm4b:s7+s15], $0x1, s18, s15, $0xb8;
	[tilespmem:$0x14C80] =	vst v63  }
0x38: {  	s12 =	simm.s32 $0x14A80  }
0x39: {  	[tilespmem:s12], [sflag:$0x1] =	stream.indirect.gather [hbm4b:s1+s15], $0x1, s18, s15, $0xb8;
	[tilespmem:$0x14C80] =	vst v63  }
0x3a: {  	s6 =	simm.s32 $0x100;
	s12 =	simm.s32 $0x8500  }
0x3b: {  	[tilespmem:s12], [sflag:$0x1] =	stream.indirect.gather [hbm4b:s3+s15], $0x80, s6, s15, $0xb8;
	[tilespmem:$0x14C80] =	vst v63  }
0x3c: {  	s12 =	simm.s32 $0x14600  }
0x3d: {  	[tilespmem:s12], [sflag:$0x1] =	stream.indirect.gather [hbm4b:s4+s15], $0x1, s24, s15, $0xb8;
	[tilespmem:$0x14C80] =	vst v63  }
0x3e: {  	s12 =	simm.s32 $0x14880  }
0x3f: {  	[tilespmem:s12], [sflag:$0x1] =	stream.indirect.gather [hbm4b:s7+s15], $0x1, s24, s15, $0xb8;
	[tilespmem:$0x14C80] =	vst v63  }
0x40: {  	s12 =	simm.s32 $0x14B00  }
0x41: {  	[tilespmem:s12], [sflag:$0x1] =	stream.indirect.gather [hbm4b:s1+s15], $0x1, s24, s15, $0xb8;
	[tilespmem:$0x14C80] =	vst v63  }
0x42: {  	s6 =	simm.s32 $0x180;
	s12 =	simm.s32 $0xC500  }
0x43: {  	[tilespmem:s12], [sflag:$0x1] =	stream.indirect.gather [hbm4b:s3+s15], $0x80, s6, s15, $0xb8;
	[tilespmem:$0x14C80] =	vst v63  }
0x44: {  	s12 =	simm.s32 $0x14680  }
0x45: {  	[tilespmem:s12], [sflag:$0x1] =	stream.indirect.gather [hbm4b:s4+s15], $0x1, s31, s15, $0xb8;
	[tilespmem:$0x14C80] =	vst v63  }
0x46: {  	s12 =	simm.s32 $0x14900  }
0x47: {  	[tilespmem:s12], [sflag:$0x1] =	stream.indirect.gather [hbm4b:s7+s15], $0x1, s31, s15, $0xb8;
	[tilespmem:$0x14C80] =	vst v63  }
0x48: {  	s12 =	simm.s32 $0x14B80  }
0x49: {  	[tilespmem:s12], [sflag:$0x1] =	stream.indirect.gather [hbm4b:s1+s15], $0x1, s31, s15, $0xb8;
	[tilespmem:$0x14C80] =	vst v63  }
0x4a: {  	_ = 	snop  }
0x4b: {  	[tilespmem:s17], [sflag:$0x1] =	stream.indirect.gather [hbm4b:s3+s15], $0x80, s2, s15, $0xb8;
	[tilespmem:$0x14C80] =	vst v63  }
0x4c: {  	_ = 	snop  }
0x4d: {  	[tilespmem:s20], [sflag:$0x1] =	stream.indirect.gather [hbm4b:s4+s15], $0x1, s19, s15, $0xb8;
	[tilespmem:$0x14C80] =	vst v63  }
0x4e: {  	_ = 	snop  }
0x4f: {  	[tilespmem:s21], [sflag:$0x1] =	stream.indirect.gather [hbm4b:s7+s15], $0x1, s19, s15, $0xb8;
	[tilespmem:$0x14C80] =	vst v63  }
0x50: {  	_ = 	snop  }
0x51: {  	[tilespmem:s22], [sflag:$0x1] =	stream.indirect.gather [hbm4b:s1+s15], $0x1, s19, s15, $0xb8;
	[tilespmem:$0x14C80] =	vst v63  }
0x52: {  	_ =	swait.ge [sflag:s14], $0x4000  }
0x53: {  	[sflag:s14] =	ssyncset.done $0x0  }
0x54: {  	[sflag:s14] =	ssyncadd.s32 $0xFFFFC000  }
0x55: {  	_ =	swait.ge [sflag:s14], $0x80  }
0x56: {  	[sflag:s14] =	ssyncset.done $0x0  }
0x57: {  	[sflag:s14] =	ssyncadd.s32 $0xFFFFFF80  }
0x58: {  	_ =	swait.ge [sflag:s14], $0x80  }
0x59: {  	[sflag:s14] =	ssyncset.done $0x0  }
0x5a: {  	[sflag:s14] =	ssyncadd.s32 $0xFFFFFF80  }
0x5b: {  	_ =	swait.ge [sflag:s14], $0x80  }
0x5c: {  	[sflag:s14] =	ssyncset.done $0x0  }
0x5d: {  	[sflag:s14] =	ssyncadd.s32 $0xFFFFFF80  }
0x5e: {  	_ =	swait.ge [sflag:s14], $0x4000  }
0x5f: {  	[sflag:s14] =	ssyncset.done $0x0  }
0x60: {  	[sflag:s14] =	ssyncadd.s32 $0xFFFFC000  }
0x61: {  	_ =	swait.ge [sflag:s14], $0x80  }
0x62: {  	[sflag:s14] =	ssyncset.done $0x0  }
0x63: {  	[sflag:s14] =	ssyncadd.s32 $0xFFFFFF80  }
0x64: {  	_ =	swait.ge [sflag:s14], $0x80  }
0x65: {  	[sflag:s14] =	ssyncset.done $0x0  }
0x66: {  	[sflag:s14] =	ssyncadd.s32 $0xFFFFFF80  }
0x67: {  	_ =	swait.ge [sflag:s14], $0x80  }
0x68: {  	[sflag:s14] =	ssyncset.done $0x0  }
0x69: {  	[sflag:s14] =	ssyncadd.s32 $0xFFFFFF80  }
0x6a: {  	_ =	swait.ge [sflag:s14], $0x4000  }
0x6b: {  	[sflag:s14] =	ssyncset.done $0x0  }
0x6c: {  	[sflag:s14] =	ssyncadd.s32 $0xFFFFC000  }
0x6d: {  	_ =	swait.ge [sflag:s14], $0x80  }
0x6e: {  	[sflag:s14] =	ssyncset.done $0x0  }
0x6f: {  	[sflag:s14] =	ssyncadd.s32 $0xFFFFFF80  }
0x70: {  	_ =	swait.ge [sflag:s14], $0x80  }
0x71: {  	[sflag:s14] =	ssyncset.done $0x0  }
0x72: {  	[sflag:s14] =	ssyncadd.s32 $0xFFFFFF80  }
0x73: {  	_ =	swait.ge [sflag:s14], $0x80  }
0x74: {  	[sflag:s14] =	ssyncset.done $0x0  }
0x75: {  	[sflag:s14] =	ssyncadd.s32 $0xFFFFFF80  }
0x76: {  	_ =	swait.ge [sflag:s14], $0x4000  }
0x77: {  	[sflag:s14] =	ssyncset.done $0x0  }
0x78: {  	[sflag:s14] =	ssyncadd.s32 $0xFFFFC000  }
0x79: {  	_ =	swait.ge [sflag:s14], $0x80  }
0x7a: {  	[sflag:s14] =	ssyncset.done $0x0  }
0x7b: {  	[sflag:s14] =	ssyncadd.s32 $0xFFFFFF80  }
0x7c: {  	_ =	swait.ge [sflag:s14], $0x80  }
0x7d: {  	[sflag:s14] =	ssyncset.done $0x0  }
0x7e: {  	[sflag:s14] =	ssyncadd.s32 $0xFFFFFF80  }
0x7f: {  	_ =	swait.ge [sflag:s14], $0x80  }
0x80: {  	[sflag:s14] =	ssyncset.done $0x0  }
0x81: {  	[sflag:s14] =	ssyncadd.s32 $0xFFFFFF80  }
0x82: {  	_ =	swait.ge [sflag:s14], $0x4000  }
0x83: {  	[sflag:s14] =	ssyncset.done $0x0  }
0x84: {  	[sflag:s14] =	ssyncadd.s32 $0xFFFFC000  }
0x85: {  	_ =	swait.ge [sflag:s14], $0x80  }
0x86: {  	[sflag:s14] =	ssyncset.done $0x0  }
0x87: {  	v1 =	vmov s0;
	[sflag:s14] =	ssyncadd.s32 $0xFFFFFF80  }
0x88: {  	v1 =	vshll.u32 v1, $0x7;
	_ =	swait.ge [sflag:s14], $0x80  }
0x89: {  	v2 =	vor.u32 v0, v1;
	[sflag:s14] =	ssyncset.done $0x0  }
0x8a: {  	v1 =	vor.u32 $0x70, v2;
	[sflag:s14] =	ssyncadd.s32 $0xFFFFFF80  }
0x8b: {  	v3 =	vor.u32 $0x71, v2;
	_ =	swait.ge [sflag:s14], $0x80  }
0x8c: {  	[sflag:s14] =	ssyncset.done $0x0  }
0x8d: {  	v2 =	vor.u32 $0x72, v2;
	[sflag:s14] =	ssyncadd.s32 $0xFFFFFF80  }
0x8e: {  	v4 =	vld [tilespmem:s30+$0x0]  }
0x8f: {  	v5 =	vld.idx.msk [tilespmem:v1+s16+$0x0], $0xffff  }
0x90: {  	v3 =	vld.idx.msk [tilespmem:v3+s16+$0x0], $0xffff  }
0x91: {  	v6 =	vld [tilespmem:s29+$0x0]  }
0x92: {  	v7 =	vld.idx.msk [tilespmem:v2+s16+$0x0], $0xffff  }
0x93: {  	v8 =	vld [tilespmem:s28+$0x0];
	_ =	sdelay $0x2  }
0x94: {  	v2 =	vmul.f32 v4, v5;
	v3 =	vmul.f32 v6, v3  }
0x95: {  	s12 =	simm.s32 $0x10  }
0x96: {  	v4 =	vmov s12;
	v2 =	vadd.f32 v3, v2;
	v3 =	vmul.f32 v8, v7  }
0x97: {  	s0 =	simm.s32 $0x20;
	v4 =	vshll.u32 v4, $0x7  }
.LBB2_4:
0x98: {  	p0 =	sne.s32 s0, $0x270;
	v4 =	vor.u32 v0, v4;
	v2 =	vadd.f32 v3, v2  }
0x99: {  	v3 =	vor.u32 $0x70, v4  }
0x9a: {  	v5 =	vor.u32 $0x71, v4;
	v2 =	vmax.f32 v2, $-1.000000000e+00  }
0x9b: {  	v2 =	vmin.f32 v2, $1.000000000e+00  }
0x9c: {  	s30 =	sadd.s32 $0x10, s30;
	v4 =	vor.u32 $0x72, v4;
	[tilespmem:v1+s16+$0x0] =	vst.idx.msk $0xffff, v2;
	v1 =	vmov v3  }
0x9d: {  	v2 =	vld [tilespmem:s30+$0x0]  }
0x9e: {  	v3 =	vld.idx.msk [tilespmem:v3+s16+$0x0], $0xffff  }
0x9f: {  	s29 =	sadd.s32 $0x10, s29;
	v5 =	vld.idx.msk [tilespmem:v5+s16+$0x0], $0xffff  }
0xa0: {  	v6 =	vld [tilespmem:s29+$0x0]  }
0xa1: {  	s28 =	sadd.s32 $0x10, s28;
	v4 =	vld.idx.msk [tilespmem:v4+s16+$0x0], $0xffff  }
0xa2: {  	v7 =	vld [tilespmem:s28+$0x0];
	_ =	sdelay $0x1  }
.Ltmp5:
0xa3: {  	(pc) =	sbr.rel @p0 .LBB2_4-.Ltmp5, $3  }
0xa4: {  	v2 =	vmul.f32 v2, v3;
	v3 =	vmul.f32 v6, v5;
	_ =	sdelay $0x1  }
0xa5: {  	v5 =	vmov s0;
	v2 =	vadd.f32 v3, v2;
	v3 =	vmul.f32 v7, v4  }
0xa6: {  	s0 =	sadd.s32 $0x10, s0;
	v4 =	vshll.u32 v5, $0x7  }
0xa7: {  	v2 =	vadd.f32 v3, v2  }
0xa8: {  	v4 =	vor.u32 v0, v4  }
0xa9: {  	v3 =	vor.u32 $0x70, v4;
	v2 =	vmax.f32 v2, $-1.000000000e+00  }
0xaa: {  	v5 =	vor.u32 $0x71, v4;
	v2 =	vmin.f32 v2, $1.000000000e+00  }
0xab: {  	s0 =	sadd.s32 $0x10, s30;
	[tilespmem:v1+s16+$0x0] =	vst.idx.msk $0xffff, v2  }
0xac: {  	s12 =	sadd.s32 $0x10, s29;
	v4 =	vor.u32 $0x72, v4;
	v1 =	vld [tilespmem:s0+$0x0]  }
0xad: {  	v6 =	vld [tilespmem:s12+$0x0]  }
0xae: {  	v2 =	vld.idx.msk [tilespmem:v3+s16+$0x0], $0xffff  }
0xaf: {  	s28 =	sadd.s32 $0x10, s28;
	v5 =	vld.idx.msk [tilespmem:v5+s16+$0x0], $0xffff  }
0xb0: {  	v7 =	vld [tilespmem:s28+$0x0]  }
0xb1: {  	v4 =	vld.idx.msk [tilespmem:v4+s16+$0x0], $0xffff;
	_ =	sdelay $0x2  }
0xb2: {  	v1 =	vmul.f32 v1, v2;
	v2 =	vmul.f32 v6, v5;
	_ =	sdelay $0x1  }
0xb3: {  	v1 =	vadd.f32 v2, v1;
	v2 =	vmul.f32 v7, v4;
	_ =	sdelay $0x1  }
0xb4: {  	v1 =	vadd.f32 v2, v1;
	_ =	sdelay $0x1  }
0xb5: {  	s29 =	smul.u32 $0x2800, s26;
	v1 =	vmax.f32 v1, $-1.000000000e+00  }
0xb6: {  	v1 =	vmin.f32 v1, $1.000000000e+00  }
.Ltmp6:
0xb7: {  	s30 =	simm.s32 $0x0;
	s0 =	sadd.s32 s10, s29;
	[tilespmem:v3+s16+$0x0] =	vst.idx.msk $0xffff, v1;
	(pc) =	sbr.rel .LBB2_6-.Ltmp6, $4  }
0xb8: {  	[hbm4b:s0+s30] =	stream.linear.scatter [tilespmem:s16], [sflag:$0x2], $0x14000, $0x38;
	[tilespmem:$0x14C80] =	vst v63  }
0xb9: {  	_ =	swait.ge [sflag:s23], $0x14000  }
0xba: {  	[sflag:s23] =	ssyncset.done $0x0  }
0xbb: {  	[sflag:s23] =	ssyncadd.s32 $0xFFFEC000  }
.LBB2_8:
0xbc: {  	_ =	sfence.sel $0x180000  }
0xbd: {  	[bflag:$0x0] =	sbarrier.arrive $0xFFFF  }
0xbe: {  	_ =	strace $0x90000047  }
0xbf: {  	s0 =	stileid.u32;
	[bflag:$0x2] =	sbarrier.arrive $0xFFFF  }
0xc0: {  	p0 =	sne.s32 s0, $0x0;
	s0 =	rddreg [dreg:$0x2]  }
0xc1: {  	s0 =	sadd.s32 @!p0 $0x100000, s0  }
0xc2: {  	[sflag:s0] =	ssyncadd.tile.s32 @!p0 $0x1;
	_ =	shalt  }
.Lfunc_end2:
_tile_overlayer_lowered:
.L_overlay_start_2:
0xc3: {  	(tag) =	ssettag $0x2  }
0xc4: {  	s0 =	rddreg [dreg:$0x0];
	s2 =	stileid.u32  }
0xc5: {  	s1 =	rddreg [dreg:$0x1];
	p0 =	sne.s32 s2, $0x0  }
0xc6: {  	s3 =	rddreg [dreg:$0x2];
	[bflag:$0x3] =	sbarrier.arrive $0xFFFF;
	s2 =	simm.s32 @!p0 $0x1C02  }
0xc7: {  	[timem:s3], [sflag:s2] =	dma.local @!p0 [hbm:s0], s1  }
0xc8: {  	s0 =	simm.s32 @!p0 $0x2  }
0xc9: {  	_ =	swait.ge @!p0 [sflag:s0], s1  }
0xca: {  	s1 =	ssub.s32 @!p0 $0x0, s1;
	[sflag:s0] =	ssyncset.done @!p0 $0x0  }
0xcb: {  	[sflag:s0] =	ssyncadd.s32 @!p0 s1  }
0xcc: {  	[bflag:$0x3] =	sbarrier.arrive $0xFFFF  }
0xcd: {  	_ =	shalt  }

// kernel: kernel.13.cloned.1.call-start
scs
__scs_entry_jumppad:
0x0: {  	(pc) =	sbr.rel $0x88, $3  }
0x1: {  	(tag) =	ssettag $0x0;
	lr =	simm.s32 $0x1  }
0x2: {  	[smem:$0x3F96] =	sst lr;
	_ =	strace $0xD0000000  }
0x3: {  	_ = 	snop  }
0x4: {  	_ = 	snop  }
0x5: {  	_ = 	snop  }
0x6: {  	_ = 	snop  }
0x7: {  	_ = 	snop  }
__scs_overlays_trampoline_lowered:
0x8: {  	[smem:$0x3FA5] =	sst s0  }
0x9: {  	[smem:$0x3FA6] =	sst s1  }
0xa: {  	[smem:$0x3FA7] =	sst s2  }
0xb: {  	[smem:$0x3FA8] =	sst s3  }
0xc: {  	[smem:$0x3FA9] =	sst s4  }
0xd: {  	[smem:$0x3FAA] =	sst s5  }
0xe: {  	[smem:$0x3FAB] =	sst s6  }
0xf: {  	[smem:$0x3FAC] =	sst s7  }
0x10: {  	[smem:$0x3FAD] =	sst s8  }
0x11: {  	[smem:$0x3FAE] =	sst s9;
	s0 =	simm.s32 @!p0 $0x0  }
0x12: {  	s1 =	sld [smem:$0x3F94];
	s0 =	simm.s32 @p0 $0x1  }
0x13: {  	[smem:$0x3FAF] =	sst s0;
	s0 =	simm.s32 @!p1 $0x0  }
0x14: {  	s2 =	sld [smem:$0x3F93];
	s0 =	simm.s32 @p1 $0x1  }
0x15: {  	[smem:$0x3FB0] =	sst s0;
	s0 =	simm.s32 @!p2 $0x0  }
0x16: {  	s3 =	sld [smem:$0x3FDB];
	s0 =	simm.s32 @p2 $0x1  }
0x17: {  	s4 =	simm.s32 $0x1BF5;
	[smem:$0x3FB2] =	sst s0  }
0x18: {  	s0 =	sld [smem:$0x3F95];
	_ =	swait.ge [sflag:s4], $0x0  }
0x19: {  	s7 =	sld [smem:$0x3F96]  }
0x1a: {  	s8 =	sadd.s32 $0xFFFFE003, lr  }
0x1b: {  	s9 =	sadd.s32 $0xFFFFFEF7, lr;
	s5 =	simm.s32 $0xFFFFFFFF;
	p2 =	slt.u32 s8, $0xFFFFF086  }
0x1c: {  	p1 =	slt.u32 s9, $0xF7A;
	s5 =	simm.s32 @!p2 $0x0  }
0x1d: {  	s5 =	simm.s32 @p1 $0x1;
	p0 =	seq.s32 s7, s2  }
0x1e: {  	s7 =	smul.u32 @!p0 $0xF7A, s2;
	p2 =	seq.s32 @!p0 s5, $0x0  }
0x1f: {  	s9 =	smul.u32 $0xF7A, s1;
	s8 =	simm.s32 @!p0 $0x1BF5;
	p2 =	por !p2, p0  }
0x20: {  	[sflag:s8] =	ssyncset.s32 @!p0 $0xFFFFF086;
	s6 =	sadd.s32 @!p0 s3, s7;
	s7 =	simm.s32 @!p0 $0x108  }
0x21: {  	s3 =	sadd.s32 s3, s9;
	s6 =	sadd.s32 @!p0 $0x88, s6;
	s7 =	simm.s32 @p2 $0x1082  }
0x22: {  	[simem:s7], [sflag:s8] =	dma.local @!p0 [hbm:s6], $0xF7A  }
0x23: {  	s9 =	sor.u32 $0xD0000000, s2;
	s6 =	simm.s32 $0x108;
	_ =	swait.ge @!p0 [sflag:s8], $0x0  }
0x24: {  	s3 =	sadd.s32 $0x88, s3;
	s6 =	simm.s32 @!p1 $0x1082;
	[sflag:s4] =	ssyncset.s32 $0xFFFFF086  }
0x25: {  	[simem:s6], [sflag:s4] =	dma.local [hbm:s3], $0xF7A  }
0x26: {  	[smem:$0x3F96] =	sst s1;
	(tag) =	ssettag s2;
	_ =	strace s9  }
0x27: {  	s1 =	sld [smem:$0x3FA6]  }
0x28: {  	s2 =	sld [smem:$0x3FA7]  }
0x29: {  	s4 =	sld [smem:$0x3FA9]  }
0x2a: {  	p0 =	seq.s32 s5, $0x0;
	s5 =	sld [smem:$0x3FAA]  }
0x2b: {  	s6 =	sld [smem:$0x3FAB]  }
0x2c: {  	s7 =	sld [smem:$0x3FAC]  }
0x2d: {  	s3 =	simm.s32 $0x108;
	s8 =	sld [smem:$0x3FAD]  }
0x2e: {  	s3 =	simm.s32 @!p0 $0x1082;
	s9 =	sld [smem:$0x3FAE]  }
0x2f: {  	lr =	sadd.s32 s0, s3;
	s0 =	sld [smem:$0x3FA5]  }
0x30: {  	s3 =	sld [smem:$0x3FA8]  }
0x31: {  	[smem:$0x3FB1] =	sst s10  }
0x32: {  	s10 =	sld [smem:$0x3FAF];
	_ =	sdelay $0x3  }
0x33: {  	p0 =	seq.s32 s10, $0x1;
	s10 =	sld [smem:$0x3FB1];
	_ =	sdelay $0x3  }
0x34: {  	[smem:$0x3FB1] =	sst s10  }
0x35: {  	s10 =	sld [smem:$0x3FB0];
	_ =	sdelay $0x3  }
0x36: {  	p1 =	seq.s32 s10, $0x1;
	s10 =	sld [smem:$0x3FB1];
	_ =	sdelay $0x3  }
0x37: {  	[smem:$0x3FB1] =	sst s10  }
0x38: {  	s10 =	sld [smem:$0x3FB2]  }
0x39: {  	_ = 	snop;
	(pc) =	sbr.ind lr, $3  }
0x3a: {  	_ = 	snop  }
0x3b: {  	_ = 	snop  }
0x3c: {  	p2 =	seq.s32 s10, $0x1;
	s10 =	sld [smem:$0x3FB1]  }
0x3d: {  	_ =	shalt  }
0x3e: {  	_ =	shalt  }
0x3f: {  	_ =	shalt  }
0x40: {  	_ =	shalt  }
0x41: {  	_ =	shalt  }
0x42: {  	_ =	shalt  }
0x43: {  	_ =	shalt  }
0x44: {  	_ =	shalt  }
0x45: {  	_ =	shalt  }
0x46: {  	_ =	shalt  }
0x47: {  	_ =	shalt  }
0x48: {  	_ =	shalt  }
0x49: {  	_ =	shalt  }
0x4a: {  	_ =	shalt  }
0x4b: {  	_ =	shalt  }
0x4c: {  	_ =	shalt  }
0x4d: {  	_ =	shalt  }
0x4e: {  	_ =	shalt  }
0x4f: {  	_ =	shalt  }
0x50: {  	_ =	shalt  }
0x51: {  	_ =	shalt  }
0x52: {  	_ =	shalt  }
0x53: {  	_ =	shalt  }
0x54: {  	_ =	shalt  }
0x55: {  	_ =	shalt  }
0x56: {  	_ =	shalt  }
0x57: {  	_ =	shalt  }
0x58: {  	_ =	shalt  }
0x59: {  	_ =	shalt  }
0x5a: {  	_ =	shalt  }
0x5b: {  	_ =	shalt  }
0x5c: {  	_ =	shalt  }
0x5d: {  	_ =	shalt  }
0x5e: {  	_ =	shalt  }
0x5f: {  	_ =	shalt  }
0x60: {  	_ =	shalt  }
0x61: {  	_ =	shalt  }
0x62: {  	_ =	shalt  }
0x63: {  	_ =	shalt  }
0x64: {  	_ =	shalt  }
0x65: {  	_ =	shalt  }
0x66: {  	_ =	shalt  }
0x67: {  	_ =	shalt  }
0x68: {  	_ =	shalt  }
0x69: {  	_ =	shalt  }
0x6a: {  	_ =	shalt  }
0x6b: {  	_ =	shalt  }
0x6c: {  	_ =	shalt  }
0x6d: {  	_ =	shalt  }
0x6e: {  	_ =	shalt  }
0x6f: {  	_ =	shalt  }
0x70: {  	_ =	shalt  }
0x71: {  	_ =	shalt  }
0x72: {  	_ =	shalt  }
0x73: {  	_ =	shalt  }
0x74: {  	_ =	shalt  }
0x75: {  	_ =	shalt  }
0x76: {  	_ =	shalt  }
0x77: {  	_ =	shalt  }
0x78: {  	_ =	shalt  }
0x79: {  	_ =	shalt  }
0x7a: {  	_ =	shalt  }
0x7b: {  	_ =	shalt  }
0x7c: {  	_ =	shalt  }
0x7d: {  	_ =	shalt  }
0x7e: {  	_ =	shalt  }
0x7f: {  	_ =	shalt  }
0x80: {  	_ =	shalt  }
0x81: {  	_ =	shalt  }
0x82: {  	_ =	shalt  }
0x83: {  	_ =	shalt  }
0x84: {  	_ =	shalt  }
0x85: {  	_ =	shalt  }
0x86: {  	_ =	shalt  }
0x87: {  	_ =	shalt  }
.Lfunc_end0:
.L_simem_size_0:
called_computation.1_lowered:
.L_overlay_start_0:
0x88: {  	s2 =	sld [smem:$0x3FD9]  }
0x89: {  	s3 =	sld [smem:$0x3FFE];
	_ =	sdelay $0x1  }
0x8a: {  	s1 =	srdreg.scid  }
0x8b: {  	s0 =	sand.u32 $0x1, s1  }
0x8c: {  	s15 =	sshll.u32 s0, $0xA;
	s2 =	sadd.s32 s3, s2  }
0x8d: {  	s2 =	sadd.s32 s2, s15  }
0x8e: {  	[smem:$0x3FBD] =	sst s2  }
0x8f: {  	_ = 	snop  }
0x90: {  	s2 =	sld [smem:$0x3FD0];
	_ =	sdelay $0x2  }
0x91: {  	s4 =	simm.s32 $0xD;
	s16 =	simm.s32 $0x10  }
0x92: {  	[smem:s16], [sflag:s4] =	dma.local [hbm:s2], $0x1  }
0x93: {  	_ =	swait.eq [sflag:s4], $0x1  }
0x94: {  	[sflag:s4] =	ssyncset.done $0x0  }
0x95: {  	s17 =	sld [smem:$0x10];
	[sflag:s4] =	ssyncadd.s32 $0xFFFFFFFF  }
0x96: {  	s18 =	sld [smem:$0x14];
	(tm) =	ssettm $0x1  }
0x97: {  	s19 =	sld [smem:$0x3FFB];
	_ =	sdelay $0x3  }
0x98: {  	_ =	strace s19  }
0x99: {  	s2 =	sld [smem:$0x3FFC];
	_ =	sdelay $0x3  }
0x9a: {  	_ =	strace s2  }
0x9b: {  	s2 =	sld [smem:$0x3FFD];
	_ =	sdelay $0x3  }
0x9c: {  	_ =	strace s2  }
0x9d: {  	_ =	strace $0x8FFFFFFF  }
0x9e: {  	s20 =	sld [smem:$0x3FDB];
	_ =	sdelay $0x1  }
0x9f: {  	s5 =	simm.s32 $_scs_section_size  }
0xa0: {  	s6 =	simm.s32 $_size__tile_overlayer_lowered;
	s7 =	simm.s32 $_tile_overlayer_lowered  }
0xa1: {  	s8 =	simm.s32 $0x1BFF;
	s21 =	sshll.u32 s7, $0x1;
	s5 =	sadd.s32 s5, s20  }
0xa2: {  	s22 =	simm.s32 $0x0;
	s6 =	sshll.u32 s6, $0x1;
	s7 =	sadd.s32 s21, s5  }
0xa3: {  	[timem:s22], [sflag:s8] =	dma.local [hbm:s7], s6  }
0xa4: {  	_ =	swait.ge [sflag:s8], s6  }
0xa5: {  	s6 =	ssub.s32 $0x0, s6;
	[sflag:s8] =	ssyncset.done $0x0  }
0xa6: {  	[sflag:s8] =	ssyncadd.s32 s6;
	_ =	sdelay $0x1  }
0xa7: {  	s23 =	simm.s32 $0x1B8B  }
0xa8: {  	_ =	swait.ge [sflag:s23], $0x1  }
0xa9: {  	[sflag:s23] =	ssyncset.done $0x0  }
0xaa: {  	[sflag:s23] =	ssyncadd.s32 $0xFFFFFFFF  }
0xab: {  	s6 =	sld [smem:$0x0]  }
0xac: {  	s7 =	sand.u32 $0xFFFFFFFE, s1  }
0xad: {  	p0 =	sne.s32 s1, s7  }
0xae: {  	s7 =	sshll.u32 @p0 s7, $0xE  }
0xaf: {  	s7 =	sadd.s32 @p0 $0x11B8D, s7;
	s8 =	sshll.u32 @p0 s6, $0x11  }
0xb0: {  	s7 =	sor.u32 @p0 s8, s7  }
0xb1: {  	[sflag:s7] =	ssyncadd.remote.s32 @p0 $0x1;
	_ =	sdelay $0x1  }
0xb2: {  	s7 =	simm.s32 @p0 $0x1B8D  }
0xb3: {  	_ =	swait.eq @p0 [sflag:s7], $0x1  }
0xb4: {  	[sflag:s7] =	ssyncadd.s32 @p0 $0xFFFFFFFF  }
0xb5: {  	s8 =	sshll.u32 @!p0 s1, $0xE  }
0xb6: {  	s8 =	sor.u32 @!p0 $0x4000, s8;
	s7 =	simm.s32 @!p0 $0x1B8D  }
0xb7: {  	s6 =	sshll.u32 @!p0 s6, $0x11;
	s8 =	sadd.s32 @!p0 $0x11B8D, s8;
	_ =	swait.eq @!p0 [sflag:s7], $0x1  }
0xb8: {  	s6 =	sor.u32 @!p0 s6, s8;
	[sflag:s7] =	ssyncadd.s32 @!p0 $0xFFFFFFFF  }
0xb9: {  	s25 =	simm.s32 $0x1B8E;
	s24 =	sld [smem:$0x3FFE];
	[sflag:s6] =	ssyncadd.remote.s32 @!p0 $0x1  }
0xba: {  	s26 =	simm.s32 $execute0_lowered;
	[smem:$0x3FD2] =	sst s25  }
0xbb: {  	s7 =	sshll.u32 s26, $0x1;
	_ =	strace $0x80000049;
	[dreg:$0x1] =	wrdreg $0xFFFFFFFF  }
0xbc: {  	s28 =	simm.s32 $_size_execute0_lowered;
	s5 =	sadd.s32 s5, s7;
	[dreg:$0x0] =	wrdreg $0x0  }
0xbd: {  	s7 =	sshll.u32 s28, $0x1;
	[dreg:$0x2] =	wrdreg s5  }
0xbe: {  	[dreg:$0x3] =	wrdreg s7  }
0xbf: {  	[dreg:$0x4] =	wrdreg $0xC0  }
0xc0: {  	_ =	task [dreg:s22], $0x5FFFF  }
0xc1: {  	[dreg:$0x1] =	wrdreg $0xFFFFFFFF  }
0xc2: {  	[dreg:$0x0] =	wrdreg $0x60  }
0xc3: {  	[dreg:$0x2] =	wrdreg s24  }
0xc4: {  	[dreg:$0x3] =	wrdreg s18  }
0xc5: {  	[dreg:$0x4] =	wrdreg s17  }
0xc6: {  	[dreg:$0x5] =	wrdreg $0xA  }
0xc7: {  	_ =	task.clear_ibuf [dreg:s22], $0x6FFFF;
	_ =	strace $0x90000049  }
0xc8: {  	s29 =	simm.s32 $0xA;
	_ =	strace $0x8000004B  }
0xc9: {  	_ =	swait.ge [sflag:s29], $0x1  }
0xca: {  	[sflag:s29] =	ssyncadd.s32 $0xFFFFFFFF  }
0xcb: {  	_ =	strace $0x9000004B  }
0xcc: {  	_ =	sfence  }
0xcd: {  	s30 =	sld [smem:$0x0];
	_ =	sdelay $0x2  }
0xce: {  	s31 =	sshll.u32 s1, $0xD;
	s1 =	sshrl.u32 s1, $0x2  }
0xcf: {  	s4 =	sand.u32 $0x4000, s31;
	s1 =	sadd.s32 s1, s30  }
0xd0: {  	s0 =	sor.u32 s4, s0;
	s1 =	sshll.u32 s1, $0x11  }
0xd1: {  	s0 =	sor.u32 s1, s0  }
0xd2: {  	s0 =	sadd.s32 $0x8F2B, s0  }
0xd3: {  	[sflag:s0] =	ssyncadd.remote.s32 $0x1  }
0xd4: {  	_ =	sfence.sel $0xFFFF  }
0xd5: {  	[dreg:$0x0] =	wrdreg $0xFFFFFFFF;
	(pc) =	sbr.abs _section_cstart, $3  }
0xd6: {  	[dreg:$0x1] =	wrdreg $0xFFFFFFFF  }
0xd7: {  	_ =	task.clear_ibuf [dreg:s22], $0x2FFFF;
	_ =	strace $0x9FFFFFFF  }
0xd8: {  	(tm) =	ssettm $0x7FFFFFFF  }
0xd9: {  	_ =	shalt  }
tec
execute0_lowered:
.L_overlay_start_1:
0x0: {  	(tag) =	ssettag $0x1  }
0x1: {  	s0 =	rddreg [dreg:$0x0]  }
0x2: {  	s1 =	rddreg [dreg:$0x1];
	s2 =	simm.s32 $0x0  }
0x3: {  	s29 =	srdreg.scid;
	s6 =	stileid.u32;
	s13 =	simm.s32 $0x280  }
0x4: {  	s14 =	simm.s32 $0x1;
	s15 =	simm.s32 $0x80;
	s16 =	simm.s32 $0x500  }
0x5: {  	s18 =	simm.s32 $0x300;
	s24 =	simm.s32 $0x380;
	s31 =	simm.s32 $0x400  }
0x6: {  	s12 =	simm.s32 $0x14B80;
	s17 =	simm.s32 $0x480;
	s19 =	simm.s32 $0x14700  }
0x7: {  	s20 =	simm.s32 $0x14980;
	s21 =	simm.s32 $0x14C00;
	s22 =	simm.s32 $0x2  }
0x8: {  	[smem:$0x7FF] =	sst s2;
	s4 =	sadd.s32 $0x1D5E00, s0;
	s5 =	sand.u32 $0x1, s29  }
.Ltmp0:
0x9: {  	s7 =	sadd.s32 $0xBA3C00, s0;
	s2 =	ssub.s32 $0x2, s5;
	(pc) =	sbr.rel .LBB2_1-.Ltmp0, $4  }
0xa: {  	s8 =	sadd.s32 $0xB99E00, s0;
	s9 =	sadd.s32 $0xBCB400, s0;
	s3 =	sshrl.u32 s2, $0x1  }
0xb: {  	v0 =	vlaneseq.u32;
	s10 =	sadd.s32 $0xBC1600, s0;
	s11 =	sshll.u32 s6, $0x1;
	s30 =	ssub.s32 s2, s3  }
0xc: {  	v0 =	vmul.u32 $0x80, v0;
	_ =	strace $0x8000004A;
	s2 =	simm.s32 $0x200;
	s0 =	smax.u32 s30, $0x1  }
0xd: {  	s3 =	simm.s32 $0x10500;
	[dreg:$0x4] =	wrdreg s0;
	s0 =	simm.s32 $0x0  }
.LBB2_7:
0xe: {  	s0 =	rddreg [dreg:$0x5]  }
0xf: {  	s23 =	rddreg [dreg:$0x4];
	s0 =	sadd.s32 $0x1, s0  }
0x10: {  	p0 =	sne.s32 s0, s23  }
.Ltmp1:
0x11: {  	_ = 	snop;
	(pc) =	sbr.rel @!p0 .LBB2_8-.Ltmp1, $1  }
0x12: {  	_ =	sdelay $0x3  }
.LBB2_1:
.Ltmp2:
0x13: {  	(pc) =	sbr.rel .LBB2_2-.Ltmp2, $2  }
0x14: {  	_ =	sdelay $0x2  }
0x15: {  	[dreg:$0x5] =	wrdreg s0;
	s23 =	simm.s32 $0x0  }
.LBB2_6:
0x16: {  	s23 =	sadd.s32 $0x1, s23  }
0x17: {  	p0 =	sne.s32 s23, $0x10  }
.Ltmp3:
0x18: {  	_ = 	snop;
	(pc) =	sbr.rel @!p0 .LBB2_7-.Ltmp3, $1  }
0x19: {  	_ =	sdelay $0x3  }
.LBB2_2:
0x1a: {  	s25 =	sshll.u32 s23, $0x5  }
0x1b: {  	s25 =	sor.u32 s11, s25  }
0x1c: {  	p0 =	sgt.u32 s25, $0x1F3  }
.Ltmp4:
0x1d: {  	_ = 	snop;
	(pc) =	sbr.rel @p0 .LBB2_6-.Ltmp4, $1  }
0x1e: {  	_ =	sdelay $0x3  }
0x1f: {  	s25 =	sor.u32 s5, s25  }
0x20: {  	s26 =	smul.u32 $0x50, s25;
	_ =	sdelay $0x1  }
0x21: {  	s30 =	simm.s32 $0x0;
	s28 =	sadd.s32 s9, s26  }
0x22: {  	[tilespmem:s30], [sflag:$0x1] =	stream.linear.gather [hbm4b:s28+s30], $0x280, $0x38;
	[tilespmem:$0x14C80] =	vst v63  }
0x23: {  	s26 =	sadd.s32 s10, s26  }
0x24: {  	[tilespmem:s13], [sflag:$0x1] =	stream.linear.gather [hbm4b:s26+s30], $0x280, $0x38;
	[tilespmem:$0x14C80] =	vst v63  }
0x25: {  	_ =	swait.ge [sflag:s14], $0x280  }
0x26: {  	[sflag:s14] =	ssyncset.done $0x0  }
0x27: {  	[sflag:s14] =	ssyncadd.s32 $0xFFFFFD80  }
0x28: {  	_ =	swait.ge [sflag:s14], $0x280  }
0x29: {  	[sflag:s14] =	ssyncset.done $0x0  }
0x2a: {  	[sflag:s14] =	ssyncadd.s32 $0xFFFFFD80  }
0x2b: {  	[tilespmem:s16], [sflag:$0x1] =	stream.indirect.gather [hbm4b:s4+s15], $0x80, s30, s15, $0xb8;
	[tilespmem:$0x14C80] =	vst v63  }
0x2c: {  	s29 =	simm.s32 $0x14500  }
0x2d: {  	[tilespmem:s29], [sflag:$0x1] =	stream.indirect.gather [hbm4b:s7+s15], $0x1, s13, s15, $0xb8;
	[tilespmem:$0x14C80] =	vst v63  }
0x2e: {  	s28 =	simm.s32 $0x14780  }
0x2f: {  	[tilespmem:s28], [sflag:$0x1] =	stream.indirect.gather [hbm4b:s8+s15], $0x1, s13, s15, $0xb8;
	[tilespmem:$0x14C80] =	vst v63  }
0x30: {  	s26 =	simm.s32 $0x14A00  }
0x31: {  	[tilespmem:s26], [sflag:$0x1] =	stream.indirect.gather [hbm4b:s1+s15], $0x1, s13, s15, $0xb8;
	[tilespmem:$0x14C80] =	vst v63  }
0x32: {  	s0 =	simm.s32 $0x4500  }
0x33: {  	[tilespmem:s0], [sflag:$0x1] =	stream.indirect.gather [hbm4b:s4+s15], $0x80, s15, s15, $0xb8;
	[tilespmem:$0x14C80] =	vst v63  }
0x34: {  	s6 =	simm.s32 $0x14580  }
0x35: {  	[tilespmem:s6], [sflag:$0x1] =	stream.indirect.gather [hbm4b:s7+s15], $0x1, s18, s15, $0xb8;
	[tilespmem:$0x14C80] =	vst v63  }
0x36: {  	s6 =	simm.s32 $0x14800  }
0x37: {  	[tilespmem:s6], [sflag:$0x1] =	stream.indirect.gather [hbm4b:s8+s15], $0x1, s18, s15, $0xb8;
	[tilespmem:$0x14C80] =	vst v63  }
0x38: {  	s6 =	simm.s32 $0x14A80  }
0x39: {  	[tilespmem:s6], [sflag:$0x1] =	stream.indirect.gather [hbm4b:s1+s15], $0x1, s18, s15, $0xb8;
	[tilespmem:$0x14C80] =	vst v63  }
0x3a: {  	s0 =	simm.s32 $0x100;
	s6 =	simm.s32 $0x8500  }
0x3b: {  	[tilespmem:s6], [sflag:$0x1] =	stream.indirect.gather [hbm4b:s4+s15], $0x80, s0, s15, $0xb8;
	[tilespmem:$0x14C80] =	vst v63  }
0x3c: {  	s6 =	simm.s32 $0x14600  }
0x3d: {  	[tilespmem:s6], [sflag:$0x1] =	stream.indirect.gather [hbm4b:s7+s15], $0x1, s24, s15, $0xb8;
	[tilespmem:$0x14C80] =	vst v63  }
0x3e: {  	s6 =	simm.s32 $0x14880  }
0x3f: {  	[tilespmem:s6], [sflag:$0x1] =	stream.indirect.gather [hbm4b:s8+s15], $0x1, s24, s15, $0xb8;
	[tilespmem:$0x14C80] =	vst v63  }
0x40: {  	s6 =	simm.s32 $0x14B00  }
0x41: {  	[tilespmem:s6], [sflag:$0x1] =	stream.indirect.gather [hbm4b:s1+s15], $0x1, s24, s15, $0xb8;
	[tilespmem:$0x14C80] =	vst v63  }
0x42: {  	s0 =	simm.s32 $0x180;
	s6 =	simm.s32 $0xC500  }
0x43: {  	[tilespmem:s6], [sflag:$0x1] =	stream.indirect.gather [hbm4b:s4+s15], $0x80, s0, s15, $0xb8;
	[tilespmem:$0x14C80] =	vst v63  }
0x44: {  	s6 =	simm.s32 $0x14680  }
0x45: {  	[tilespmem:s6], [sflag:$0x1] =	stream.indirect.gather [hbm4b:s7+s15], $0x1, s31, s15, $0xb8;
	[tilespmem:$0x14C80] =	vst v63  }
0x46: {  	s6 =	simm.s32 $0x14900  }
0x47: {  	[tilespmem:s6], [sflag:$0x1] =	stream.indirect.gather [hbm4b:s8+s15], $0x1, s31, s15, $0xb8;
	[tilespmem:$0x14C80] =	vst v63  }
0x48: {  	_ = 	snop  }
0x49: {  	[tilespmem:s12], [sflag:$0x1] =	stream.indirect.gather [hbm4b:s1+s15], $0x1, s31, s15, $0xb8;
	[tilespmem:$0x14C80] =	vst v63  }
0x4a: {  	_ = 	snop  }
0x4b: {  	[tilespmem:s3], [sflag:$0x1] =	stream.indirect.gather [hbm4b:s4+s15], $0x80, s2, s15, $0xb8;
	[tilespmem:$0x14C80] =	vst v63  }
0x4c: {  	_ = 	snop  }
0x4d: {  	[tilespmem:s19], [sflag:$0x1] =	stream.indirect.gather [hbm4b:s7+s15], $0x1, s17, s15, $0xb8;
	[tilespmem:$0x14C80] =	vst v63  }
0x4e: {  	_ = 	snop  }
0x4f: {  	[tilespmem:s20], [sflag:$0x1] =	stream.indirect.gather [hbm4b:s8+s15], $0x1, s17, s15, $0xb8;
	[tilespmem:$0x14C80] =	vst v63  }
0x50: {  	_ = 	snop  }
0x51: {  	[tilespmem:s21], [sflag:$0x1] =	stream.indirect.gather [hbm4b:s1+s15], $0x1, s17, s15, $0xb8;
	[tilespmem:$0x14C80] =	vst v63  }
0x52: {  	_ =	swait.ge [sflag:s14], $0x4000  }
0x53: {  	[sflag:s14] =	ssyncset.done $0x0  }
0x54: {  	[sflag:s14] =	ssyncadd.s32 $0xFFFFC000  }
0x55: {  	_ =	swait.ge [sflag:s14], $0x80  }
0x56: {  	[sflag:s14] =	ssyncset.done $0x0  }
0x57: {  	[sflag:s14] =	ssyncadd.s32 $0xFFFFFF80  }
0x58: {  	_ =	swait.ge [sflag:s14], $0x80  }
0x59: {  	[sflag:s14] =	ssyncset.done $0x0  }
0x5a: {  	[sflag:s14] =	ssyncadd.s32 $0xFFFFFF80  }
0x5b: {  	_ =	swait.ge [sflag:s14], $0x80  }
0x5c: {  	[sflag:s14] =	ssyncset.done $0x0  }
0x5d: {  	[sflag:s14] =	ssyncadd.s32 $0xFFFFFF80  }
0x5e: {  	_ =	swait.ge [sflag:s14], $0x4000  }
0x5f: {  	[sflag:s14] =	ssyncset.done $0x0  }
0x60: {  	[sflag:s14] =	ssyncadd.s32 $0xFFFFC000  }
0x61: {  	_ =	swait.ge [sflag:s14], $0x80  }
0x62: {  	[sflag:s14] =	ssyncset.done $0x0  }
0x63: {  	[sflag:s14] =	ssyncadd.s32 $0xFFFFFF80  }
0x64: {  	_ =	swait.ge [sflag:s14], $0x80  }
0x65: {  	[sflag:s14] =	ssyncset.done $0x0  }
0x66: {  	[sflag:s14] =	ssyncadd.s32 $0xFFFFFF80  }
0x67: {  	_ =	swait.ge [sflag:s14], $0x80  }
0x68: {  	[sflag:s14] =	ssyncset.done $0x0  }
0x69: {  	[sflag:s14] =	ssyncadd.s32 $0xFFFFFF80  }
0x6a: {  	_ =	swait.ge [sflag:s14], $0x4000  }
0x6b: {  	[sflag:s14] =	ssyncset.done $0x0  }
0x6c: {  	[sflag:s14] =	ssyncadd.s32 $0xFFFFC000  }
0x6d: {  	_ =	swait.ge [sflag:s14], $0x80  }
0x6e: {  	[sflag:s14] =	ssyncset.done $0x0  }
0x6f: {  	[sflag:s14] =	ssyncadd.s32 $0xFFFFFF80  }
0x70: {  	_ =	swait.ge [sflag:s14], $0x80  }
0x71: {  	[sflag:s14] =	ssyncset.done $0x0  }
0x72: {  	[sflag:s14] =	ssyncadd.s32 $0xFFFFFF80  }
0x73: {  	_ =	swait.ge [sflag:s14], $0x80  }
0x74: {  	[sflag:s14] =	ssyncset.done $0x0  }
0x75: {  	[sflag:s14] =	ssyncadd.s32 $0xFFFFFF80  }
0x76: {  	_ =	swait.ge [sflag:s14], $0x4000  }
0x77: {  	[sflag:s14] =	ssyncset.done $0x0  }
0x78: {  	[sflag:s14] =	ssyncadd.s32 $0xFFFFC000  }
0x79: {  	_ =	swait.ge [sflag:s14], $0x80  }
0x7a: {  	[sflag:s14] =	ssyncset.done $0x0  }
0x7b: {  	[sflag:s14] =	ssyncadd.s32 $0xFFFFFF80  }
0x7c: {  	_ =	swait.ge [sflag:s14], $0x80  }
0x7d: {  	[sflag:s14] =	ssyncset.done $0x0  }
0x7e: {  	[sflag:s14] =	ssyncadd.s32 $0xFFFFFF80  }
0x7f: {  	_ =	swait.ge [sflag:s14], $0x80  }
0x80: {  	[sflag:s14] =	ssyncset.done $0x0  }
0x81: {  	[sflag:s14] =	ssyncadd.s32 $0xFFFFFF80  }
0x82: {  	_ =	swait.ge [sflag:s14], $0x4000  }
0x83: {  	[sflag:s14] =	ssyncset.done $0x0  }
0x84: {  	[sflag:s14] =	ssyncadd.s32 $0xFFFFC000  }
0x85: {  	_ =	swait.ge [sflag:s14], $0x80  }
0x86: {  	[sflag:s14] =	ssyncset.done $0x0  }
0x87: {  	v1 =	vmov s30;
	[sflag:s14] =	ssyncadd.s32 $0xFFFFFF80  }
0x88: {  	v1 =	vshll.u32 v1, $0x7;
	_ =	swait.ge [sflag:s14], $0x80  }
0x89: {  	v2 =	vor.u32 v0, v1;
	[sflag:s14] =	ssyncset.done $0x0  }
0x8a: {  	v1 =	vor.u32 $0x70, v2;
	[sflag:s14] =	ssyncadd.s32 $0xFFFFFF80  }
0x8b: {  	v3 =	vor.u32 $0x71, v2;
	_ =	swait.ge [sflag:s14], $0x80  }
0x8c: {  	[sflag:s14] =	ssyncset.done $0x0  }
0x8d: {  	v2 =	vor.u32 $0x72, v2;
	[sflag:s14] =	ssyncadd.s32 $0xFFFFFF80  }
0x8e: {  	v4 =	vld [tilespmem:s29+$0x0]  }
0x8f: {  	v5 =	vld.idx.msk [tilespmem:v1+s16+$0x0], $0xffff  }
0x90: {  	v3 =	vld.idx.msk [tilespmem:v3+s16+$0x0], $0xffff  }
0x91: {  	v6 =	vld [tilespmem:s28+$0x0]  }
0x92: {  	v7 =	vld.idx.msk [tilespmem:v2+s16+$0x0], $0xffff  }
0x93: {  	v8 =	vld [tilespmem:s26+$0x0];
	_ =	sdelay $0x2  }
0x94: {  	v2 =	vmul.f32 v4, v5;
	v3 =	vmul.f32 v6, v3  }
0x95: {  	s30 =	simm.s32 $0x10  }
0x96: {  	v4 =	vmov s30;
	v2 =	vadd.f32 v3, v2;
	v3 =	vmul.f32 v8, v7  }
0x97: {  	s30 =	simm.s32 $0x20;
	v4 =	vshll.u32 v4, $0x7  }
.LBB2_4:
0x98: {  	p0 =	sne.s32 s30, $0x270;
	v4 =	vor.u32 v0, v4;
	v2 =	vadd.f32 v3, v2  }
0x99: {  	v3 =	vor.u32 $0x70, v4  }
0x9a: {  	v5 =	vor.u32 $0x71, v4;
	v2 =	vmax.f32 v2, $-1.000000000e+00  }
0x9b: {  	v2 =	vmin.f32 v2, $1.000000000e+00  }
0x9c: {  	s29 =	sadd.s32 $0x10, s29;
	v4 =	vor.u32 $0x72, v4;
	[tilespmem:v1+s16+$0x0] =	vst.idx.msk $0xffff, v2;
	v1 =	vmov v3  }
0x9d: {  	v2 =	vld [tilespmem:s29+$0x0]  }
0x9e: {  	v3 =	vld.idx.msk [tilespmem:v3+s16+$0x0], $0xffff  }
0x9f: {  	s28 =	sadd.s32 $0x10, s28;
	v5 =	vld.idx.msk [tilespmem:v5+s16+$0x0], $0xffff  }
0xa0: {  	v6 =	vld [tilespmem:s28+$0x0]  }
0xa1: {  	s26 =	sadd.s32 $0x10, s26;
	v4 =	vld.idx.msk [tilespmem:v4+s16+$0x0], $0xffff  }
0xa2: {  	v7 =	vld [tilespmem:s26+$0x0];
	_ =	sdelay $0x1  }
.Ltmp5:
0xa3: {  	(pc) =	sbr.rel @p0 .LBB2_4-.Ltmp5, $3  }
0xa4: {  	v2 =	vmul.f32 v2, v3;
	v3 =	vmul.f32 v6, v5;
	_ =	sdelay $0x1  }
0xa5: {  	v5 =	vmov s30;
	v2 =	vadd.f32 v3, v2;
	v3 =	vmul.f32 v7, v4  }
0xa6: {  	s30 =	sadd.s32 $0x10, s30;
	v4 =	vshll.u32 v5, $0x7  }
0xa7: {  	v2 =	vadd.f32 v3, v2  }
0xa8: {  	v4 =	vor.u32 v0, v4  }
0xa9: {  	v3 =	vor.u32 $0x70, v4;
	v2 =	vmax.f32 v2, $-1.000000000e+00  }
0xaa: {  	v5 =	vor.u32 $0x71, v4;
	v2 =	vmin.f32 v2, $1.000000000e+00  }
0xab: {  	s29 =	sadd.s32 $0x10, s29;
	[tilespmem:v1+s16+$0x0] =	vst.idx.msk $0xffff, v2  }
0xac: {  	s28 =	sadd.s32 $0x10, s28;
	v4 =	vor.u32 $0x72, v4;
	v1 =	vld [tilespmem:s29+$0x0]  }
0xad: {  	v6 =	vld [tilespmem:s28+$0x0]  }
0xae: {  	v2 =	vld.idx.msk [tilespmem:v3+s16+$0x0], $0xffff  }
0xaf: {  	s26 =	sadd.s32 $0x10, s26;
	v5 =	vld.idx.msk [tilespmem:v5+s16+$0x0], $0xffff  }
0xb0: {  	v7 =	vld [tilespmem:s26+$0x0]  }
0xb1: {  	v4 =	vld.idx.msk [tilespmem:v4+s16+$0x0], $0xffff;
	_ =	sdelay $0x2  }
0xb2: {  	v1 =	vmul.f32 v1, v2;
	v2 =	vmul.f32 v6, v5;
	_ =	sdelay $0x1  }
0xb3: {  	v1 =	vadd.f32 v2, v1;
	v2 =	vmul.f32 v7, v4;
	_ =	sdelay $0x1  }
0xb4: {  	v1 =	vadd.f32 v2, v1;
	_ =	sdelay $0x1  }
0xb5: {  	s25 =	smul.u32 $0x2800, s25;
	v1 =	vmax.f32 v1, $-1.000000000e+00  }
0xb6: {  	s29 =	rddreg [dreg:$0x2];
	v1 =	vmin.f32 v1, $1.000000000e+00  }
.Ltmp6:
0xb7: {  	s30 =	simm.s32 $0x0;
	s25 =	sadd.s32 s29, s25;
	[tilespmem:v3+s16+$0x0] =	vst.idx.msk $0xffff, v1;
	(pc) =	sbr.rel .LBB2_6-.Ltmp6, $4  }
0xb8: {  	[hbm4b:s25+s30] =	stream.linear.scatter [tilespmem:s16], [sflag:$0x2], $0x14000, $0x38;
	[tilespmem:$0x14C80] =	vst v63  }
0xb9: {  	_ =	swait.ge [sflag:s22], $0x14000  }
0xba: {  	[sflag:s22] =	ssyncset.done $0x0  }
0xbb: {  	[sflag:s22] =	ssyncadd.s32 $0xFFFEC000  }
.LBB2_8:
0xbc: {  	_ =	sfence.sel $0x180000  }
0xbd: {  	[bflag:$0x0] =	sbarrier.arrive $0xFFFF  }
0xbe: {  	_ =	strace $0x9000004A  }
0xbf: {  	s0 =	stileid.u32;
	[bflag:$0x2] =	sbarrier.arrive $0xFFFF  }
0xc0: {  	p0 =	sne.s32 s0, $0x0;
	s0 =	rddreg [dreg:$0x3]  }
0xc1: {  	s0 =	sadd.s32 @!p0 $0x100000, s0  }
0xc2: {  	[sflag:s0] =	ssyncadd.tile.s32 @!p0 $0x1;
	_ =	shalt  }
.Lfunc_end2:
_tile_overlayer_lowered:
.L_overlay_start_2:
0xc3: {  	(tag) =	ssettag $0x2  }
0xc4: {  	s0 =	rddreg [dreg:$0x0];
	s2 =	stileid.u32  }
0xc5: {  	s1 =	rddreg [dreg:$0x1];
	p0 =	sne.s32 s2, $0x0  }
0xc6: {  	s3 =	rddreg [dreg:$0x2];
	[bflag:$0x3] =	sbarrier.arrive $0xFFFF;
	s2 =	simm.s32 @!p0 $0x1C02  }
0xc7: {  	[timem:s3], [sflag:s2] =	dma.local @!p0 [hbm:s0], s1  }
0xc8: {  	s0 =	simm.s32 @!p0 $0x2  }
0xc9: {  	_ =	swait.ge @!p0 [sflag:s0], s1  }
0xca: {  	s1 =	ssub.s32 @!p0 $0x0, s1;
	[sflag:s0] =	ssyncset.done @!p0 $0x0  }
0xcb: {  	[sflag:s0] =	ssyncadd.s32 @!p0 s1  }
0xcc: {  	[bflag:$0x3] =	sbarrier.arrive $0xFFFF  }
0xcd: {  	_ =	shalt  }

// kernel: kernel.16.cloned.1.call-start
scs
__scs_entry_jumppad:
0x0: {  	(pc) =	sbr.rel $0x88, $3  }
0x1: {  	(tag) =	ssettag $0x0;
	lr =	simm.s32 $0x1  }
0x2: {  	[smem:$0x3F96] =	sst lr;
	_ =	strace $0xD0000000  }
0x3: {  	_ = 	snop  }
0x4: {  	_ = 	snop  }
0x5: {  	_ = 	snop  }
0x6: {  	_ = 	snop  }
0x7: {  	_ = 	snop  }
__scs_overlays_trampoline_lowered:
0x8: {  	[smem:$0x3FA5] =	sst s0  }
0x9: {  	[smem:$0x3FA6] =	sst s1  }
0xa: {  	[smem:$0x3FA7] =	sst s2  }
0xb: {  	[smem:$0x3FA8] =	sst s3  }
0xc: {  	[smem:$0x3FA9] =	sst s4  }
0xd: {  	[smem:$0x3FAA] =	sst s5  }
0xe: {  	[smem:$0x3FAB] =	sst s6  }
0xf: {  	[smem:$0x3FAC] =	sst s7  }
0x10: {  	[smem:$0x3FAD] =	sst s8  }
0x11: {  	[smem:$0x3FAE] =	sst s9;
	s0 =	simm.s32 @!p0 $0x0  }
0x12: {  	s1 =	sld [smem:$0x3F94];
	s0 =	simm.s32 @p0 $0x1  }
0x13: {  	[smem:$0x3FAF] =	sst s0;
	s0 =	simm.s32 @!p1 $0x0  }
0x14: {  	s2 =	sld [smem:$0x3F93];
	s0 =	simm.s32 @p1 $0x1  }
0x15: {  	[smem:$0x3FB0] =	sst s0;
	s0 =	simm.s32 @!p2 $0x0  }
0x16: {  	s3 =	sld [smem:$0x3FDB];
	s0 =	simm.s32 @p2 $0x1  }
0x17: {  	s4 =	simm.s32 $0x1BF5;
	[smem:$0x3FB2] =	sst s0  }
0x18: {  	s0 =	sld [smem:$0x3F95];
	_ =	swait.ge [sflag:s4], $0x0  }
0x19: {  	s7 =	sld [smem:$0x3F96]  }
0x1a: {  	s8 =	sadd.s32 $0xFFFFE003, lr  }
0x1b: {  	s9 =	sadd.s32 $0xFFFFFEF7, lr;
	s5 =	simm.s32 $0xFFFFFFFF;
	p2 =	slt.u32 s8, $0xFFFFF086  }
0x1c: {  	p1 =	slt.u32 s9, $0xF7A;
	s5 =	simm.s32 @!p2 $0x0  }
0x1d: {  	s5 =	simm.s32 @p1 $0x1;
	p0 =	seq.s32 s7, s2  }
0x1e: {  	s7 =	smul.u32 @!p0 $0xF7A, s2;
	p2 =	seq.s32 @!p0 s5, $0x0  }
0x1f: {  	s9 =	smul.u32 $0xF7A, s1;
	s8 =	simm.s32 @!p0 $0x1BF5;
	p2 =	por !p2, p0  }
0x20: {  	[sflag:s8] =	ssyncset.s32 @!p0 $0xFFFFF086;
	s6 =	sadd.s32 @!p0 s3, s7;
	s7 =	simm.s32 @!p0 $0x108  }
0x21: {  	s3 =	sadd.s32 s3, s9;
	s6 =	sadd.s32 @!p0 $0x88, s6;
	s7 =	simm.s32 @p2 $0x1082  }
0x22: {  	[simem:s7], [sflag:s8] =	dma.local @!p0 [hbm:s6], $0xF7A  }
0x23: {  	s9 =	sor.u32 $0xD0000000, s2;
	s6 =	simm.s32 $0x108;
	_ =	swait.ge @!p0 [sflag:s8], $0x0  }
0x24: {  	s3 =	sadd.s32 $0x88, s3;
	s6 =	simm.s32 @!p1 $0x1082;
	[sflag:s4] =	ssyncset.s32 $0xFFFFF086  }
0x25: {  	[simem:s6], [sflag:s4] =	dma.local [hbm:s3], $0xF7A  }
0x26: {  	[smem:$0x3F96] =	sst s1;
	(tag) =	ssettag s2;
	_ =	strace s9  }
0x27: {  	s1 =	sld [smem:$0x3FA6]  }
0x28: {  	s2 =	sld [smem:$0x3FA7]  }
0x29: {  	s4 =	sld [smem:$0x3FA9]  }
0x2a: {  	p0 =	seq.s32 s5, $0x0;
	s5 =	sld [smem:$0x3FAA]  }
0x2b: {  	s6 =	sld [smem:$0x3FAB]  }
0x2c: {  	s7 =	sld [smem:$0x3FAC]  }
0x2d: {  	s3 =	simm.s32 $0x108;
	s8 =	sld [smem:$0x3FAD]  }
0x2e: {  	s3 =	simm.s32 @!p0 $0x1082;
	s9 =	sld [smem:$0x3FAE]  }
0x2f: {  	lr =	sadd.s32 s0, s3;
	s0 =	sld [smem:$0x3FA5]  }
0x30: {  	s3 =	sld [smem:$0x3FA8]  }
0x31: {  	[smem:$0x3FB1] =	sst s10  }
0x32: {  	s10 =	sld [smem:$0x3FAF];
	_ =	sdelay $0x3  }
0x33: {  	p0 =	seq.s32 s10, $0x1;
	s10 =	sld [smem:$0x3FB1];
	_ =	sdelay $0x3  }
0x34: {  	[smem:$0x3FB1] =	sst s10  }
0x35: {  	s10 =	sld [smem:$0x3FB0];
	_ =	sdelay $0x3  }
0x36: {  	p1 =	seq.s32 s10, $0x1;
	s10 =	sld [smem:$0x3FB1];
	_ =	sdelay $0x3  }
0x37: {  	[smem:$0x3FB1] =	sst s10  }
0x38: {  	s10 =	sld [smem:$0x3FB2]  }
0x39: {  	_ = 	snop;
	(pc) =	sbr.ind lr, $3  }
0x3a: {  	_ = 	snop  }
0x3b: {  	_ = 	snop  }
0x3c: {  	p2 =	seq.s32 s10, $0x1;
	s10 =	sld [smem:$0x3FB1]  }
0x3d: {  	_ =	shalt  }
0x3e: {  	_ =	shalt  }
0x3f: {  	_ =	shalt  }
0x40: {  	_ =	shalt  }
0x41: {  	_ =	shalt  }
0x42: {  	_ =	shalt  }
0x43: {  	_ =	shalt  }
0x44: {  	_ =	shalt  }
0x45: {  	_ =	shalt  }
0x46: {  	_ =	shalt  }
0x47: {  	_ =	shalt  }
0x48: {  	_ =	shalt  }
0x49: {  	_ =	shalt  }
0x4a: {  	_ =	shalt  }
0x4b: {  	_ =	shalt  }
0x4c: {  	_ =	shalt  }
0x4d: {  	_ =	shalt  }
0x4e: {  	_ =	shalt  }
0x4f: {  	_ =	shalt  }
0x50: {  	_ =	shalt  }
0x51: {  	_ =	shalt  }
0x52: {  	_ =	shalt  }
0x53: {  	_ =	shalt  }
0x54: {  	_ =	shalt  }
0x55: {  	_ =	shalt  }
0x56: {  	_ =	shalt  }
0x57: {  	_ =	shalt  }
0x58: {  	_ =	shalt  }
0x59: {  	_ =	shalt  }
0x5a: {  	_ =	shalt  }
0x5b: {  	_ =	shalt  }
0x5c: {  	_ =	shalt  }
0x5d: {  	_ =	shalt  }
0x5e: {  	_ =	shalt  }
0x5f: {  	_ =	shalt  }
0x60: {  	_ =	shalt  }
0x61: {  	_ =	shalt  }
0x62: {  	_ =	shalt  }
0x63: {  	_ =	shalt  }
0x64: {  	_ =	shalt  }
0x65: {  	_ =	shalt  }
0x66: {  	_ =	shalt  }
0x67: {  	_ =	shalt  }
0x68: {  	_ =	shalt  }
0x69: {  	_ =	shalt  }
0x6a: {  	_ =	shalt  }
0x6b: {  	_ =	shalt  }
0x6c: {  	_ =	shalt  }
0x6d: {  	_ =	shalt  }
0x6e: {  	_ =	shalt  }
0x6f: {  	_ =	shalt  }
0x70: {  	_ =	shalt  }
0x71: {  	_ =	shalt  }
0x72: {  	_ =	shalt  }
0x73: {  	_ =	shalt  }
0x74: {  	_ =	shalt  }
0x75: {  	_ =	shalt  }
0x76: {  	_ =	shalt  }
0x77: {  	_ =	shalt  }
0x78: {  	_ =	shalt  }
0x79: {  	_ =	shalt  }
0x7a: {  	_ =	shalt  }
0x7b: {  	_ =	shalt  }
0x7c: {  	_ =	shalt  }
0x7d: {  	_ =	shalt  }
0x7e: {  	_ =	shalt  }
0x7f: {  	_ =	shalt  }
0x80: {  	_ =	shalt  }
0x81: {  	_ =	shalt  }
0x82: {  	_ =	shalt  }
0x83: {  	_ =	shalt  }
0x84: {  	_ =	shalt  }
0x85: {  	_ =	shalt  }
0x86: {  	_ =	shalt  }
0x87: {  	_ =	shalt  }
.Lfunc_end0:
.L_simem_size_0:
called_computation.2_lowered:
.L_overlay_start_0:
0x88: {  	s2 =	sld [smem:$0x3FD9]  }
0x89: {  	s3 =	sld [smem:$0x3FFE];
	_ =	sdelay $0x1  }
0x8a: {  	s1 =	srdreg.scid  }
0x8b: {  	s0 =	sand.u32 $0x1, s1  }
0x8c: {  	s17 =	sshll.u32 s0, $0xA;
	s2 =	sadd.s32 s3, s2  }
0x8d: {  	s2 =	sadd.s32 s2, s17  }
0x8e: {  	[smem:$0x3FBD] =	sst s2  }
0x8f: {  	_ = 	snop  }
0x90: {  	s18 =	sld [smem:$0x3FC9];
	(tm) =	ssettm $0x1  }
0x91: {  	s19 =	sld [smem:$0x3FFB];
	_ =	sdelay $0x3  }
0x92: {  	_ =	strace s19  }
0x93: {  	s2 =	sld [smem:$0x3FFC];
	_ =	sdelay $0x3  }
0x94: {  	_ =	strace s2  }
0x95: {  	s2 =	sld [smem:$0x3FFD];
	_ =	sdelay $0x3  }
0x96: {  	_ =	strace s2  }
0x97: {  	_ =	strace $0x8FFFFFFF  }
0x98: {  	s20 =	sld [smem:$0x3FDB];
	_ =	sdelay $0x1  }
0x99: {  	s4 =	simm.s32 $_scs_section_size  }
0x9a: {  	s5 =	simm.s32 $_size__tile_overlayer_lowered;
	s6 =	simm.s32 $_tile_overlayer_lowered  }
0x9b: {  	s7 =	simm.s32 $0x1BFF;
	s21 =	sshll.u32 s6, $0x1;
	s4 =	sadd.s32 s4, s20  }
0x9c: {  	s22 =	simm.s32 $0x0;
	s5 =	sshll.u32 s5, $0x1;
	s6 =	sadd.s32 s21, s4  }
0x9d: {  	[timem:s22], [sflag:s7] =	dma.local [hbm:s6], s5  }
0x9e: {  	_ =	swait.ge [sflag:s7], s5  }
0x9f: {  	s5 =	ssub.s32 $0x0, s5;
	[sflag:s7] =	ssyncset.done $0x0  }
0xa0: {  	[sflag:s7] =	ssyncadd.s32 s5;
	_ =	sdelay $0x1  }
0xa1: {  	s23 =	simm.s32 $0x1B8B  }
0xa2: {  	_ =	swait.ge [sflag:s23], $0x1  }
0xa3: {  	[sflag:s23] =	ssyncset.done $0x0  }
0xa4: {  	[sflag:s23] =	ssyncadd.s32 $0xFFFFFFFF  }
0xa5: {  	s5 =	sld [smem:$0x0]  }
0xa6: {  	s6 =	sand.u32 $0xFFFFFFFE, s1  }
0xa7: {  	p0 =	sne.s32 s1, s6  }
0xa8: {  	s6 =	sshll.u32 @p0 s6, $0xE  }
0xa9: {  	s6 =	sadd.s32 @p0 $0x11B8D, s6;
	s7 =	sshll.u32 @p0 s5, $0x11  }
0xaa: {  	s6 =	sor.u32 @p0 s7, s6  }
0xab: {  	[sflag:s6] =	ssyncadd.remote.s32 @p0 $0x1;
	_ =	sdelay $0x1  }
0xac: {  	s6 =	simm.s32 @p0 $0x1B8D  }
0xad: {  	_ =	swait.eq @p0 [sflag:s6], $0x1  }
0xae: {  	[sflag:s6] =	ssyncadd.s32 @p0 $0xFFFFFFFF  }
0xaf: {  	s7 =	sshll.u32 @!p0 s1, $0xE  }
0xb0: {  	s7 =	sor.u32 @!p0 $0x4000, s7;
	s6 =	simm.s32 @!p0 $0x1B8D  }
0xb1: {  	s5 =	sshll.u32 @!p0 s5, $0x11;
	s7 =	sadd.s32 @!p0 $0x11B8D, s7;
	_ =	swait.eq @!p0 [sflag:s6], $0x1  }
0xb2: {  	s5 =	sor.u32 @!p0 s5, s7;
	[sflag:s6] =	ssyncadd.s32 @!p0 $0xFFFFFFFF  }
0xb3: {  	s25 =	simm.s32 $0x1B8E;
	s24 =	sld [smem:$0x3FFE];
	[sflag:s5] =	ssyncadd.remote.s32 @!p0 $0x1  }
0xb4: {  	s26 =	simm.s32 $execute0_lowered;
	[smem:$0x3FD2] =	sst s25  }
0xb5: {  	s6 =	sshll.u32 s26, $0x1;
	_ =	strace $0x8000004C;
	[dreg:$0x1] =	wrdreg $0xFFFFFFFF  }
0xb6: {  	s28 =	simm.s32 $_size_execute0_lowered;
	s4 =	sadd.s32 s4, s6;
	[dreg:$0x0] =	wrdreg $0x0  }
0xb7: {  	s6 =	sshll.u32 s28, $0x1;
	[dreg:$0x2] =	wrdreg s4  }
0xb8: {  	[dreg:$0x3] =	wrdreg s6  }
0xb9: {  	[dreg:$0x4] =	wrdreg $0xC0  }
0xba: {  	_ =	task [dreg:s22], $0x5FFFF  }
0xbb: {  	[dreg:$0x1] =	wrdreg $0xFFFFFFFF  }
0xbc: {  	[dreg:$0x0] =	wrdreg $0x60  }
0xbd: {  	[dreg:$0x2] =	wrdreg s18  }
0xbe: {  	[dreg:$0x3] =	wrdreg s24  }
0xbf: {  	[dreg:$0x4] =	wrdreg $0xB  }
0xc0: {  	_ =	task.clear_ibuf [dreg:s22], $0x5FFFF;
	_ =	strace $0x9000004C  }
0xc1: {  	s29 =	simm.s32 $0xB;
	_ =	strace $0x8000004E  }
0xc2: {  	_ =	swait.ge [sflag:s29], $0x1  }
0xc3: {  	[sflag:s29] =	ssyncadd.s32 $0xFFFFFFFF  }
0xc4: {  	_ =	strace $0x9000004E  }
0xc5: {  	_ =	sfence  }
0xc6: {  	s30 =	sld [smem:$0x0];
	_ =	sdelay $0x2  }
0xc7: {  	s31 =	sshll.u32 s1, $0xD;
	s1 =	sshrl.u32 s1, $0x2  }
0xc8: {  	s4 =	sand.u32 $0x4000, s31;
	s1 =	sadd.s32 s1, s30  }
0xc9: {  	s0 =	sor.u32 s4, s0;
	s1 =	sshll.u32 s1, $0x11  }
0xca: {  	s0 =	sor.u32 s1, s0  }
0xcb: {  	s0 =	sadd.s32 $0x8F2B, s0  }
0xcc: {  	[sflag:s0] =	ssyncadd.remote.s32 $0x1  }
0xcd: {  	_ =	sfence.sel $0xFFFF  }
0xce: {  	[dreg:$0x0] =	wrdreg $0xFFFFFFFF;
	(pc) =	sbr.abs _section_cstart, $3  }
0xcf: {  	[dreg:$0x1] =	wrdreg $0xFFFFFFFF  }
0xd0: {  	_ =	task.clear_ibuf [dreg:s22], $0x2FFFF;
	_ =	strace $0x9FFFFFFF  }
0xd1: {  	(tm) =	ssettm $0x7FFFFFFF  }
tec
execute0_lowered:
.L_overlay_start_1:
0x0: {  	(tag) =	ssettag $0x1  }
0x1: {  	s1 =	rddreg [dreg:$0x0]  }
0x2: {  	s4 =	rddreg [dreg:$0x1]  }
0x3: {  	s0 =	rddreg [dreg:$0x2];
	s3 =	simm.s32 $0x0;
	s2 =	stileid.u32  }
0x4: {  	s5 =	srdreg.scid;
	[smem:$0x7FF] =	sst s3  }
0x5: {  	s6 =	sshll.u32 s2, $0x7;
	s7 =	sand.u32 $0x1, s5;
	s28 =	sshll.u32 s2, $0xE  }
0x6: {  	s31 =	sshll.u32 s2, $0x1;
	_ =	strace $0x8000004D;
	s26 =	sadd.s32 s6, s4  }
0x7: {  	s8 =	ssub.s32 $0x2, s7;
	s6 =	sadd.s32 s28, s4;
	s9 =	sshll.u32 s7, $0x6  }
0x8: {  	s30 =	sshll.u32 s7, $0xD;
	s7 =	sor.u32 s7, s31;
	s29 =	sshrl.u32 s8, $0x1  }
0x9: {  	s5 =	sadd.s32 s9, s26;
	s6 =	sadd.s32 s30, s6;
	s4 =	ssub.s32 s8, s29  }
0xa: {  	s5 =	sadd.s32 $0x10B7200, s5;
	s6 =	sadd.s32 $0x10CAE00, s6;
	s4 =	smax.u32 s4, $0x1  }
.LBB2_1:
0xb: {  	s8 =	sadd.s32 $0x0, s7  }
0xc: {  	p0 =	sgt.u32 s8, $0x270  }
0xd: {  	s8 =	simm.s32 @!p0 $0x0;
	s9 =	simm.s32 @!p0 $0x3  }
0xe: {  	[tilespmem:s8], [sflag:$0x3] =	stream.linear.gather @!p0 [hbm4b:s5+s8], $0x200, $0x38;
	[tilespmem:$0x10200] =	vst v63  }
0xf: {  	_ =	swait.ge @!p0 [sflag:s9], $0x200  }
0x10: {  	[sflag:s9] =	ssyncset.done @!p0 $0x0;
	p0 =	por p0, p0  }
0x11: {  	[sflag:s9] =	ssyncadd.s32 @!p0 $0xFFFFFE00;
	s9 =	simm.s32 @!p0 $0x80;
	s10 =	simm.s32 @!p0 $0x200  }
0x12: {  	[tilespmem:s10], [sflag:$0x1] =	stream.indirect.gather @!p0 [hbm4b:s1+s9], $0x80, s8, s9, $0xb8;
	[tilespmem:$0x10200] =	vst v63  }
0x13: {  	s11 =	simm.s32 @!p0 $0x4200  }
0x14: {  	[tilespmem:s11], [sflag:$0x1] =	stream.indirect.gather @!p0 [hbm4b:s1+s9], $0x80, s9, s9, $0xb8;
	[tilespmem:$0x10200] =	vst v63  }
0x15: {  	s12 =	simm.s32 @!p0 $0x8200;
	s11 =	simm.s32 @!p0 $0x100  }
0x16: {  	[tilespmem:s12], [sflag:$0x1] =	stream.indirect.gather @!p0 [hbm4b:s1+s9], $0x80, s11, s9, $0xb8;
	[tilespmem:$0x10200] =	vst v63  }
0x17: {  	s13 =	simm.s32 @!p0 $0x1;
	s11 =	simm.s32 @!p0 $0x180;
	s12 =	simm.s32 @!p0 $0xC200  }
0x18: {  	[tilespmem:s12], [sflag:$0x1] =	stream.indirect.gather @!p0 [hbm4b:s1+s9], $0x80, s11, s9, $0xb8;
	[tilespmem:$0x10200] =	vst v63  }
0x19: {  	_ =	swait.ge @!p0 [sflag:s13], $0x4000  }
0x1a: {  	[sflag:s13] =	ssyncset.done @!p0 $0x0  }
0x1b: {  	[sflag:s13] =	ssyncadd.s32 @!p0 $0xFFFFC000  }
0x1c: {  	_ =	swait.ge @!p0 [sflag:s13], $0x4000  }
0x1d: {  	[sflag:s13] =	ssyncset.done @!p0 $0x0  }
0x1e: {  	[sflag:s13] =	ssyncadd.s32 @!p0 $0xFFFFC000  }
0x1f: {  	_ =	swait.ge @!p0 [sflag:s13], $0x4000  }
0x20: {  	[sflag:s13] =	ssyncset.done @!p0 $0x0  }
0x21: {  	[sflag:s13] =	ssyncadd.s32 @!p0 $0xFFFFC000  }
0x22: {  	_ =	swait.ge @!p0 [sflag:s13], $0x4000  }
0x23: {  	[sflag:s13] =	ssyncset.done @!p0 $0x0  }
0x24: {  	s31 =	sadd.s32 $0x20, s7;
	s11 =	simm.s32 @!p0 $0x2;
	[sflag:s13] =	ssyncadd.s32 @!p0 $0xFFFFC000  }
0x25: {  	[hbm4b:s6+s8] =	stream.linear.scatter @!p0 [tilespmem:s10], [sflag:$0x2], $0x10000, $0x38;
	[tilespmem:$0x10200] =	vst v63  }
0x26: {  	p2 =	sgt.u32 s31, $0x270;
	s9 =	simm.s32 $0x40;
	_ =	swait.ge @!p0 [sflag:s11], $0x10000  }
0x27: {  	s8 =	sadd.s32 $0x40000, s6;
	s10 =	sadd.s32 $0x800, s5;
	[sflag:s11] =	ssyncset.done @!p0 $0x0  }
.LBB2_2:
0x28: {  	s12 =	simm.s32 @!p2 $0x0;
	s13 =	simm.s32 @!p2 $0x3;
	[sflag:s11] =	ssyncadd.s32 @!p0 $0xFFFF0000  }
0x29: {  	[tilespmem:s12], [sflag:$0x3] =	stream.linear.gather @!p2 [hbm4b:s10+s12], $0x200, $0x38;
	[tilespmem:$0x10200] =	vst v63  }
0x2a: {  	s14 =	smov.u32 s9;
	s9 =	sadd.s32 $0x20, s9;
	_ =	swait.ge @!p2 [sflag:s13], $0x200  }
0x2b: {  	p0 =	por p2, p2;
	p1 =	sne.s32 s9, $0x280;
	[sflag:s13] =	ssyncset.done @!p2 $0x0  }
0x2c: {  	s11 =	simm.s32 @!p0 $0x80;
	[sflag:s13] =	ssyncadd.s32 @!p0 $0xFFFFFE00;
	s13 =	simm.s32 @!p0 $0x200  }
0x2d: {  	[tilespmem:s13], [sflag:$0x1] =	stream.indirect.gather @!p0 [hbm4b:s1+s11], $0x80, s12, s11, $0xb8;
	[tilespmem:$0x10200] =	vst v63  }
0x2e: {  	s15 =	simm.s32 @!p0 $0x4200  }
0x2f: {  	[tilespmem:s15], [sflag:$0x1] =	stream.indirect.gather @!p0 [hbm4b:s1+s11], $0x80, s11, s11, $0xb8;
	[tilespmem:$0x10200] =	vst v63  }
0x30: {  	s16 =	simm.s32 @!p0 $0x8200;
	s15 =	simm.s32 @!p0 $0x100  }
0x31: {  	[tilespmem:s16], [sflag:$0x1] =	stream.indirect.gather @!p0 [hbm4b:s1+s11], $0x80, s15, s11, $0xb8;
	[tilespmem:$0x10200] =	vst v63  }
0x32: {  	s17 =	simm.s32 @!p0 $0x1;
	s15 =	simm.s32 @!p0 $0x180;
	s16 =	simm.s32 @!p0 $0xC200  }
0x33: {  	[tilespmem:s16], [sflag:$0x1] =	stream.indirect.gather @!p0 [hbm4b:s1+s11], $0x80, s15, s11, $0xb8;
	[tilespmem:$0x10200] =	vst v63  }
0x34: {  	_ =	swait.ge @!p0 [sflag:s17], $0x4000  }
0x35: {  	[sflag:s17] =	ssyncset.done @!p0 $0x0  }
0x36: {  	[sflag:s17] =	ssyncadd.s32 @!p0 $0xFFFFC000  }
0x37: {  	_ =	swait.ge @!p0 [sflag:s17], $0x4000  }
0x38: {  	[sflag:s17] =	ssyncset.done @!p0 $0x0  }
0x39: {  	[sflag:s17] =	ssyncadd.s32 @!p0 $0xFFFFC000  }
0x3a: {  	_ =	swait.ge @!p0 [sflag:s17], $0x4000  }
0x3b: {  	[sflag:s17] =	ssyncset.done @!p0 $0x0  }
0x3c: {  	[sflag:s17] =	ssyncadd.s32 @!p0 $0xFFFFC000  }
0x3d: {  	_ =	swait.ge @!p0 [sflag:s17], $0x4000  }
.Ltmp0:
0x3e: {  	[sflag:s17] =	ssyncset.done @!p0 $0x0;
	(pc) =	sbr.rel @p1 .LBB2_2-.Ltmp0, $4  }
0x3f: {  	s11 =	simm.s32 @!p0 $0x2;
	[sflag:s17] =	ssyncadd.s32 @!p0 $0xFFFFC000  }
0x40: {  	[hbm4b:s8+s12] =	stream.linear.scatter @!p0 [tilespmem:s13], [sflag:$0x2], $0x10000, $0x38;
	[tilespmem:$0x10200] =	vst v63  }
0x41: {  	s12 =	sadd.s32 s14, s7;
	s8 =	sadd.s32 $0x40000, s8;
	_ =	swait.ge @!p0 [sflag:s11], $0x10000  }
0x42: {  	s10 =	sadd.s32 $0x800, s10;
	p2 =	sgt.u32 s12, $0x270;
	[sflag:s11] =	ssyncset.done @!p0 $0x0  }
0x43: {  	s9 =	simm.s32 @!p2 $0x0;
	s12 =	simm.s32 @!p2 $0x3;
	[sflag:s11] =	ssyncadd.s32 @!p0 $0xFFFF0000  }
0x44: {  	[tilespmem:s9], [sflag:$0x3] =	stream.linear.gather @!p2 [hbm4b:s10+s9], $0x200, $0x38;
	[tilespmem:$0x10200] =	vst v63  }
0x45: {  	_ =	swait.ge @!p2 [sflag:s12], $0x200  }
0x46: {  	p0 =	por p2, p2;
	[sflag:s12] =	ssyncset.done @!p2 $0x0  }
0x47: {  	s10 =	simm.s32 @!p0 $0x80;
	s11 =	simm.s32 @!p0 $0x200;
	[sflag:s12] =	ssyncadd.s32 @!p0 $0xFFFFFE00  }
0x48: {  	[tilespmem:s11], [sflag:$0x1] =	stream.indirect.gather @!p0 [hbm4b:s1+s10], $0x80, s9, s10, $0xb8;
	[tilespmem:$0x10200] =	vst v63  }
0x49: {  	s12 =	simm.s32 @!p0 $0x4200  }
0x4a: {  	[tilespmem:s12], [sflag:$0x1] =	stream.indirect.gather @!p0 [hbm4b:s1+s10], $0x80, s10, s10, $0xb8;
	[tilespmem:$0x10200] =	vst v63  }
0x4b: {  	s13 =	simm.s32 @!p0 $0x8200;
	s12 =	simm.s32 @!p0 $0x100  }
0x4c: {  	[tilespmem:s13], [sflag:$0x1] =	stream.indirect.gather @!p0 [hbm4b:s1+s10], $0x80, s12, s10, $0xb8;
	[tilespmem:$0x10200] =	vst v63  }
0x4d: {  	s14 =	simm.s32 @!p0 $0x1;
	s12 =	simm.s32 @!p0 $0x180;
	s13 =	simm.s32 @!p0 $0xC200  }
0x4e: {  	[tilespmem:s13], [sflag:$0x1] =	stream.indirect.gather @!p0 [hbm4b:s1+s10], $0x80, s12, s10, $0xb8;
	[tilespmem:$0x10200] =	vst v63  }
0x4f: {  	_ =	swait.ge @!p0 [sflag:s14], $0x4000  }
0x50: {  	[sflag:s14] =	ssyncset.done @!p0 $0x0  }
0x51: {  	[sflag:s14] =	ssyncadd.s32 @!p0 $0xFFFFC000  }
0x52: {  	_ =	swait.ge @!p0 [sflag:s14], $0x4000  }
0x53: {  	[sflag:s14] =	ssyncset.done @!p0 $0x0  }
0x54: {  	[sflag:s14] =	ssyncadd.s32 @!p0 $0xFFFFC000  }
0x55: {  	_ =	swait.ge @!p0 [sflag:s14], $0x4000  }
0x56: {  	[sflag:s14] =	ssyncset.done @!p0 $0x0  }
0x57: {  	[sflag:s14] =	ssyncadd.s32 @!p0 $0xFFFFC000  }
0x58: {  	s3 =	sadd.s32 $0x1, s3;
	_ =	swait.ge @!p0 [sflag:s14], $0x4000  }
0x59: {  	p1 =	sne.s32 s3, s4;
	[sflag:s14] =	ssyncset.done @!p0 $0x0  }
.Ltmp1:
0x5a: {  	s10 =	simm.s32 @!p0 $0x2;
	[sflag:s14] =	ssyncadd.s32 @!p0 $0xFFFFC000;
	(pc) =	sbr.rel @p1 .LBB2_1-.Ltmp1, $4  }
0x5b: {  	[hbm4b:s8+s9] =	stream.linear.scatter @!p0 [tilespmem:s11], [sflag:$0x2], $0x10000, $0x38;
	[tilespmem:$0x10200] =	vst v63  }
0x5c: {  	_ =	swait.ge @!p0 [sflag:s10], $0x10000  }
0x5d: {  	[sflag:s10] =	ssyncset.done @!p0 $0x0  }
0x5e: {  	[sflag:s10] =	ssyncadd.s32 @!p0 $0xFFFF0000  }
0x5f: {  	_ =	sfence.sel $0x180000  }
0x60: {  	[bflag:$0x0] =	sbarrier.arrive $0xFFFF  }
0x61: {  	p0 =	sne.s32 s2, $0x0;
	_ =	strace $0x9000004D  }
0x62: {  	s0 =	sadd.s32 @!p0 $0x100000, s0;
	[bflag:$0x2] =	sbarrier.arrive $0xFFFF  }
0x63: {  	[sflag:s0] =	ssyncadd.tile.s32 @!p0 $0x1;
	_ =	shalt  }
.Lfunc_end2:
_tile_overlayer_lowered:
.L_overlay_start_2:
0x64: {  	(tag) =	ssettag $0x2  }
0x65: {  	s0 =	rddreg [dreg:$0x0];
	s2 =	stileid.u32  }
0x66: {  	s1 =	rddreg [dreg:$0x1];
	p0 =	sne.s32 s2, $0x0  }
0x67: {  	s3 =	rddreg [dreg:$0x2];
	[bflag:$0x3] =	sbarrier.arrive $0xFFFF;
	s2 =	simm.s32 @!p0 $0x1C02  }
0x68: {  	[timem:s3], [sflag:s2] =	dma.local @!p0 [hbm:s0], s1  }
0x69: {  	s0 =	simm.s32 @!p0 $0x2  }
0x6a: {  	_ =	swait.ge @!p0 [sflag:s0], s1  }
0x6b: {  	s1 =	ssub.s32 @!p0 $0x0, s1;
	[sflag:s0] =	ssyncset.done @!p0 $0x0  }
0x6c: {  	[sflag:s0] =	ssyncadd.s32 @!p0 s1  }
0x6d: {  	[bflag:$0x3] =	sbarrier.arrive $0xFFFF  }
0x6e: {  	_ =	shalt  }

// kernel: kernel.19.cloned.1.call-start
scs
__scs_entry_jumppad:
0x0: {  	(pc) =	sbr.rel $0x88, $3  }
0x1: {  	(tag) =	ssettag $0x0;
	lr =	simm.s32 $0x1  }
0x2: {  	[smem:$0x3F96] =	sst lr;
	_ =	strace $0xD0000000  }
0x3: {  	_ = 	snop  }
0x4: {  	_ = 	snop  }
0x5: {  	_ = 	snop  }
0x6: {  	_ = 	snop  }
0x7: {  	_ = 	snop  }
__scs_overlays_trampoline_lowered:
0x8: {  	[smem:$0x3FA5] =	sst s0  }
0x9: {  	[smem:$0x3FA6] =	sst s1  }
0xa: {  	[smem:$0x3FA7] =	sst s2  }
0xb: {  	[smem:$0x3FA8] =	sst s3  }
0xc: {  	[smem:$0x3FA9] =	sst s4  }
0xd: {  	[smem:$0x3FAA] =	sst s5  }
0xe: {  	[smem:$0x3FAB] =	sst s6  }
0xf: {  	[smem:$0x3FAC] =	sst s7  }
0x10: {  	[smem:$0x3FAD] =	sst s8  }
0x11: {  	[smem:$0x3FAE] =	sst s9;
	s0 =	simm.s32 @!p0 $0x0  }
0x12: {  	s1 =	sld [smem:$0x3F94];
	s0 =	simm.s32 @p0 $0x1  }
0x13: {  	[smem:$0x3FAF] =	sst s0;
	s0 =	simm.s32 @!p1 $0x0  }
0x14: {  	s2 =	sld [smem:$0x3F93];
	s0 =	simm.s32 @p1 $0x1  }
0x15: {  	[smem:$0x3FB0] =	sst s0;
	s0 =	simm.s32 @!p2 $0x0  }
0x16: {  	s3 =	sld [smem:$0x3FDB];
	s0 =	simm.s32 @p2 $0x1  }
0x17: {  	s4 =	simm.s32 $0x1BF5;
	[smem:$0x3FB2] =	sst s0  }
0x18: {  	s0 =	sld [smem:$0x3F95];
	_ =	swait.ge [sflag:s4], $0x0  }
0x19: {  	s7 =	sld [smem:$0x3F96]  }
0x1a: {  	s8 =	sadd.s32 $0xFFFFE003, lr  }
0x1b: {  	s9 =	sadd.s32 $0xFFFFFEF7, lr;
	s5 =	simm.s32 $0xFFFFFFFF;
	p2 =	slt.u32 s8, $0xFFFFF086  }
0x1c: {  	p1 =	slt.u32 s9, $0xF7A;
	s5 =	simm.s32 @!p2 $0x0  }
0x1d: {  	s5 =	simm.s32 @p1 $0x1;
	p0 =	seq.s32 s7, s2  }
0x1e: {  	s7 =	smul.u32 @!p0 $0xF7A, s2;
	p2 =	seq.s32 @!p0 s5, $0x0  }
0x1f: {  	s9 =	smul.u32 $0xF7A, s1;
	s8 =	simm.s32 @!p0 $0x1BF5;
	p2 =	por !p2, p0  }
0x20: {  	[sflag:s8] =	ssyncset.s32 @!p0 $0xFFFFF086;
	s6 =	sadd.s32 @!p0 s3, s7;
	s7 =	simm.s32 @!p0 $0x108  }
0x21: {  	s3 =	sadd.s32 s3, s9;
	s6 =	sadd.s32 @!p0 $0x88, s6;
	s7 =	simm.s32 @p2 $0x1082  }
0x22: {  	[simem:s7], [sflag:s8] =	dma.local @!p0 [hbm:s6], $0xF7A  }
0x23: {  	s9 =	sor.u32 $0xD0000000, s2;
	s6 =	simm.s32 $0x108;
	_ =	swait.ge @!p0 [sflag:s8], $0x0  }
0x24: {  	s3 =	sadd.s32 $0x88, s3;
	s6 =	simm.s32 @!p1 $0x1082;
	[sflag:s4] =	ssyncset.s32 $0xFFFFF086  }
0x25: {  	[simem:s6], [sflag:s4] =	dma.local [hbm:s3], $0xF7A  }
0x26: {  	[smem:$0x3F96] =	sst s1;
	(tag) =	ssettag s2;
	_ =	strace s9  }
0x27: {  	s1 =	sld [smem:$0x3FA6]  }
0x28: {  	s2 =	sld [smem:$0x3FA7]  }
0x29: {  	s4 =	sld [smem:$0x3FA9]  }
0x2a: {  	p0 =	seq.s32 s5, $0x0;
	s5 =	sld [smem:$0x3FAA]  }
0x2b: {  	s6 =	sld [smem:$0x3FAB]  }
0x2c: {  	s7 =	sld [smem:$0x3FAC]  }
0x2d: {  	s3 =	simm.s32 $0x108;
	s8 =	sld [smem:$0x3FAD]  }
0x2e: {  	s3 =	simm.s32 @!p0 $0x1082;
	s9 =	sld [smem:$0x3FAE]  }
0x2f: {  	lr =	sadd.s32 s0, s3;
	s0 =	sld [smem:$0x3FA5]  }
0x30: {  	s3 =	sld [smem:$0x3FA8]  }
0x31: {  	[smem:$0x3FB1] =	sst s10  }
0x32: {  	s10 =	sld [smem:$0x3FAF];
	_ =	sdelay $0x3  }
0x33: {  	p0 =	seq.s32 s10, $0x1;
	s10 =	sld [smem:$0x3FB1];
	_ =	sdelay $0x3  }
0x34: {  	[smem:$0x3FB1] =	sst s10  }
0x35: {  	s10 =	sld [smem:$0x3FB0];
	_ =	sdelay $0x3  }
0x36: {  	p1 =	seq.s32 s10, $0x1;
	s10 =	sld [smem:$0x3FB1];
	_ =	sdelay $0x3  }
0x37: {  	[smem:$0x3FB1] =	sst s10  }
0x38: {  	s10 =	sld [smem:$0x3FB2]  }
0x39: {  	_ = 	snop;
	(pc) =	sbr.ind lr, $3  }
0x3a: {  	_ = 	snop  }
0x3b: {  	_ = 	snop  }
0x3c: {  	p2 =	seq.s32 s10, $0x1;
	s10 =	sld [smem:$0x3FB1]  }
0x3d: {  	_ =	shalt  }
0x3e: {  	_ =	shalt  }
0x3f: {  	_ =	shalt  }
0x40: {  	_ =	shalt  }
0x41: {  	_ =	shalt  }
0x42: {  	_ =	shalt  }
0x43: {  	_ =	shalt  }
0x44: {  	_ =	shalt  }
0x45: {  	_ =	shalt  }
0x46: {  	_ =	shalt  }
0x47: {  	_ =	shalt  }
0x48: {  	_ =	shalt  }
0x49: {  	_ =	shalt  }
0x4a: {  	_ =	shalt  }
0x4b: {  	_ =	shalt  }
0x4c: {  	_ =	shalt  }
0x4d: {  	_ =	shalt  }
0x4e: {  	_ =	shalt  }
0x4f: {  	_ =	shalt  }
0x50: {  	_ =	shalt  }
0x51: {  	_ =	shalt  }
0x52: {  	_ =	shalt  }
0x53: {  	_ =	shalt  }
0x54: {  	_ =	shalt  }
0x55: {  	_ =	shalt  }
0x56: {  	_ =	shalt  }
0x57: {  	_ =	shalt  }
0x58: {  	_ =	shalt  }
0x59: {  	_ =	shalt  }
0x5a: {  	_ =	shalt  }
0x5b: {  	_ =	shalt  }
0x5c: {  	_ =	shalt  }
0x5d: {  	_ =	shalt  }
0x5e: {  	_ =	shalt  }
0x5f: {  	_ =	shalt  }
0x60: {  	_ =	shalt  }
0x61: {  	_ =	shalt  }
0x62: {  	_ =	shalt  }
0x63: {  	_ =	shalt  }
0x64: {  	_ =	shalt  }
0x65: {  	_ =	shalt  }
0x66: {  	_ =	shalt  }
0x67: {  	_ =	shalt  }
0x68: {  	_ =	shalt  }
0x69: {  	_ =	shalt  }
0x6a: {  	_ =	shalt  }
0x6b: {  	_ =	shalt  }
0x6c: {  	_ =	shalt  }
0x6d: {  	_ =	shalt  }
0x6e: {  	_ =	shalt  }
0x6f: {  	_ =	shalt  }
0x70: {  	_ =	shalt  }
0x71: {  	_ =	shalt  }
0x72: {  	_ =	shalt  }
0x73: {  	_ =	shalt  }
0x74: {  	_ =	shalt  }
0x75: {  	_ =	shalt  }
0x76: {  	_ =	shalt  }
0x77: {  	_ =	shalt  }
0x78: {  	_ =	shalt  }
0x79: {  	_ =	shalt  }
0x7a: {  	_ =	shalt  }
0x7b: {  	_ =	shalt  }
0x7c: {  	_ =	shalt  }
0x7d: {  	_ =	shalt  }
0x7e: {  	_ =	shalt  }
0x7f: {  	_ =	shalt  }
0x80: {  	_ =	shalt  }
0x81: {  	_ =	shalt  }
0x82: {  	_ =	shalt  }
0x83: {  	_ =	shalt  }
0x84: {  	_ =	shalt  }
0x85: {  	_ =	shalt  }
0x86: {  	_ =	shalt  }
0x87: {  	_ =	shalt  }
.Lfunc_end0:
.L_simem_size_0:
called_computation.3_lowered:
.L_overlay_start_0:
0x88: {  	s2 =	sld [smem:$0x3FD9]  }
0x89: {  	s3 =	sld [smem:$0x3FFE];
	_ =	sdelay $0x1  }
0x8a: {  	s1 =	srdreg.scid  }
0x8b: {  	s0 =	sand.u32 $0x1, s1  }
0x8c: {  	s17 =	sshll.u32 s0, $0xA;
	s2 =	sadd.s32 s3, s2  }
0x8d: {  	s2 =	sadd.s32 s2, s17  }
0x8e: {  	[smem:$0x3FBD] =	sst s2  }
0x8f: {  	_ = 	snop  }
0x90: {  	s18 =	sld [smem:$0x3FC9];
	(tm) =	ssettm $0x1  }
0x91: {  	s19 =	sld [smem:$0x3FFB];
	_ =	sdelay $0x3  }
0x92: {  	_ =	strace s19  }
0x93: {  	s2 =	sld [smem:$0x3FFC];
	_ =	sdelay $0x3  }
0x94: {  	_ =	strace s2  }
0x95: {  	s2 =	sld [smem:$0x3FFD];
	_ =	sdelay $0x3  }
0x96: {  	_ =	strace s2  }
0x97: {  	_ =	strace $0x8FFFFFFF  }
0x98: {  	s20 =	sld [smem:$0x3FDB];
	_ =	sdelay $0x1  }
0x99: {  	s4 =	simm.s32 $_scs_section_size  }
0x9a: {  	s5 =	simm.s32 $_size__tile_overlayer_lowered;
	s6 =	simm.s32 $_tile_overlayer_lowered  }
0x9b: {  	s7 =	simm.s32 $0x1BFF;
	s21 =	sshll.u32 s6, $0x1;
	s4 =	sadd.s32 s4, s20  }
0x9c: {  	s22 =	simm.s32 $0x0;
	s5 =	sshll.u32 s5, $0x1;
	s6 =	sadd.s32 s21, s4  }
0x9d: {  	[timem:s22], [sflag:s7] =	dma.local [hbm:s6], s5  }
0x9e: {  	_ =	swait.ge [sflag:s7], s5  }
0x9f: {  	s5 =	ssub.s32 $0x0, s5;
	[sflag:s7] =	ssyncset.done $0x0  }
0xa0: {  	[sflag:s7] =	ssyncadd.s32 s5;
	_ =	sdelay $0x1  }
0xa1: {  	s23 =	simm.s32 $0x1B8B  }
0xa2: {  	_ =	swait.ge [sflag:s23], $0x1  }
0xa3: {  	[sflag:s23] =	ssyncset.done $0x0  }
0xa4: {  	[sflag:s23] =	ssyncadd.s32 $0xFFFFFFFF  }
0xa5: {  	s5 =	sld [smem:$0x0]  }
0xa6: {  	s6 =	sand.u32 $0xFFFFFFFE, s1  }
0xa7: {  	p0 =	sne.s32 s1, s6  }
0xa8: {  	s6 =	sshll.u32 @p0 s6, $0xE  }
0xa9: {  	s6 =	sadd.s32 @p0 $0x11B8D, s6;
	s7 =	sshll.u32 @p0 s5, $0x11  }
0xaa: {  	s6 =	sor.u32 @p0 s7, s6  }
0xab: {  	[sflag:s6] =	ssyncadd.remote.s32 @p0 $0x1;
	_ =	sdelay $0x1  }
0xac: {  	s6 =	simm.s32 @p0 $0x1B8D  }
0xad: {  	_ =	swait.eq @p0 [sflag:s6], $0x1  }
0xae: {  	[sflag:s6] =	ssyncadd.s32 @p0 $0xFFFFFFFF  }
0xaf: {  	s7 =	sshll.u32 @!p0 s1, $0xE  }
0xb0: {  	s7 =	sor.u32 @!p0 $0x4000, s7;
	s6 =	simm.s32 @!p0 $0x1B8D  }
0xb1: {  	s5 =	sshll.u32 @!p0 s5, $0x11;
	s7 =	sadd.s32 @!p0 $0x11B8D, s7;
	_ =	swait.eq @!p0 [sflag:s6], $0x1  }
0xb2: {  	s5 =	sor.u32 @!p0 s5, s7;
	[sflag:s6] =	ssyncadd.s32 @!p0 $0xFFFFFFFF  }
0xb3: {  	s25 =	simm.s32 $0x1B8E;
	s24 =	sld [smem:$0x3FFE];
	[sflag:s5] =	ssyncadd.remote.s32 @!p0 $0x1  }
0xb4: {  	s26 =	simm.s32 $execute0_lowered;
	[smem:$0x3FD2] =	sst s25  }
0xb5: {  	s6 =	sshll.u32 s26, $0x1;
	_ =	strace $0x8000004F;
	[dreg:$0x1] =	wrdreg $0xFFFFFFFF  }
0xb6: {  	s28 =	simm.s32 $_size_execute0_lowered;
	s4 =	sadd.s32 s4, s6;
	[dreg:$0x0] =	wrdreg $0x0  }
0xb7: {  	s6 =	sshll.u32 s28, $0x1;
	[dreg:$0x2] =	wrdreg s4  }
0xb8: {  	[dreg:$0x3] =	wrdreg s6  }
0xb9: {  	[dreg:$0x4] =	wrdreg $0xC0  }
0xba: {  	_ =	task [dreg:s22], $0x5FFFF  }
0xbb: {  	[dreg:$0x1] =	wrdreg $0xFFFFFFFF  }
0xbc: {  	[dreg:$0x0] =	wrdreg $0x60  }
0xbd: {  	[dreg:$0x2] =	wrdreg s18  }
0xbe: {  	[dreg:$0x3] =	wrdreg s24  }
0xbf: {  	[dreg:$0x4] =	wrdreg $0xC  }
0xc0: {  	_ =	task.clear_ibuf [dreg:s22], $0x5FFFF;
	_ =	strace $0x9000004F  }
0xc1: {  	s29 =	simm.s32 $0xC;
	_ =	strace $0x80000051  }
0xc2: {  	_ =	swait.ge [sflag:s29], $0x1  }
0xc3: {  	[sflag:s29] =	ssyncadd.s32 $0xFFFFFFFF  }
0xc4: {  	_ =	strace $0x90000051  }
0xc5: {  	_ =	sfence  }
0xc6: {  	s30 =	sld [smem:$0x0];
	_ =	sdelay $0x2  }
0xc7: {  	s31 =	sshll.u32 s1, $0xD;
	s1 =	sshrl.u32 s1, $0x2  }
0xc8: {  	s4 =	sand.u32 $0x4000, s31;
	s1 =	sadd.s32 s1, s30  }
0xc9: {  	s0 =	sor.u32 s4, s0;
	s1 =	sshll.u32 s1, $0x11  }
0xca: {  	s0 =	sor.u32 s1, s0  }
0xcb: {  	s0 =	sadd.s32 $0x8F2B, s0  }
0xcc: {  	[sflag:s0] =	ssyncadd.remote.s32 $0x1  }
0xcd: {  	_ =	sfence.sel $0xFFFF  }
0xce: {  	[dreg:$0x0] =	wrdreg $0xFFFFFFFF;
	(pc) =	sbr.abs _section_cstart, $3  }
0xcf: {  	[dreg:$0x1] =	wrdreg $0xFFFFFFFF  }
0xd0: {  	_ =	task.clear_ibuf [dreg:s22], $0x2FFFF;
	_ =	strace $0x9FFFFFFF  }
0xd1: {  	(tm) =	ssettm $0x7FFFFFFF  }
tec
execute0_lowered:
.L_overlay_start_1:
0x0: {  	(tag) =	ssettag $0x1  }
0x1: {  	s1 =	rddreg [dreg:$0x0]  }
0x2: {  	s4 =	rddreg [dreg:$0x1]  }
0x3: {  	s0 =	rddreg [dreg:$0x2];
	s3 =	simm.s32 $0x0;
	s2 =	stileid.u32  }
0x4: {  	s5 =	srdreg.scid;
	[smem:$0x7FF] =	sst s3  }
0x5: {  	s6 =	sshll.u32 s2, $0x7;
	s7 =	sand.u32 $0x1, s5;
	s28 =	sshll.u32 s2, $0xE  }
0x6: {  	s31 =	sshll.u32 s2, $0x1;
	_ =	strace $0x80000050;
	s26 =	sadd.s32 s6, s4  }
0x7: {  	s8 =	ssub.s32 $0x2, s7;
	s6 =	sadd.s32 s28, s4;
	s9 =	sshll.u32 s7, $0x6  }
0x8: {  	s30 =	sshll.u32 s7, $0xD;
	s7 =	sor.u32 s7, s31;
	s29 =	sshrl.u32 s8, $0x1  }
0x9: {  	s5 =	sadd.s32 s9, s26;
	s6 =	sadd.s32 s30, s6;
	s4 =	ssub.s32 s8, s29  }
0xa: {  	s5 =	sadd.s32 $0x10C1000, s5;
	s6 =	sadd.s32 $0x15ACE00, s6;
	s4 =	smax.u32 s4, $0x1  }
.LBB2_1:
0xb: {  	s8 =	sadd.s32 $0x0, s7  }
0xc: {  	p0 =	sgt.u32 s8, $0x270  }
0xd: {  	s8 =	simm.s32 @!p0 $0x0;
	s9 =	simm.s32 @!p0 $0x3  }
0xe: {  	[tilespmem:s8], [sflag:$0x3] =	stream.linear.gather @!p0 [hbm4b:s5+s8], $0x200, $0x38;
	[tilespmem:$0x10200] =	vst v63  }
0xf: {  	_ =	swait.ge @!p0 [sflag:s9], $0x200  }
0x10: {  	[sflag:s9] =	ssyncset.done @!p0 $0x0;
	p0 =	por p0, p0  }
0x11: {  	[sflag:s9] =	ssyncadd.s32 @!p0 $0xFFFFFE00;
	s9 =	simm.s32 @!p0 $0x80;
	s10 =	simm.s32 @!p0 $0x200  }
0x12: {  	[tilespmem:s10], [sflag:$0x1] =	stream.indirect.gather @!p0 [hbm4b:s1+s9], $0x80, s8, s9, $0xb8;
	[tilespmem:$0x10200] =	vst v63  }
0x13: {  	s11 =	simm.s32 @!p0 $0x4200  }
0x14: {  	[tilespmem:s11], [sflag:$0x1] =	stream.indirect.gather @!p0 [hbm4b:s1+s9], $0x80, s9, s9, $0xb8;
	[tilespmem:$0x10200] =	vst v63  }
0x15: {  	s12 =	simm.s32 @!p0 $0x8200;
	s11 =	simm.s32 @!p0 $0x100  }
0x16: {  	[tilespmem:s12], [sflag:$0x1] =	stream.indirect.gather @!p0 [hbm4b:s1+s9], $0x80, s11, s9, $0xb8;
	[tilespmem:$0x10200] =	vst v63  }
0x17: {  	s13 =	simm.s32 @!p0 $0x1;
	s11 =	simm.s32 @!p0 $0x180;
	s12 =	simm.s32 @!p0 $0xC200  }
0x18: {  	[tilespmem:s12], [sflag:$0x1] =	stream.indirect.gather @!p0 [hbm4b:s1+s9], $0x80, s11, s9, $0xb8;
	[tilespmem:$0x10200] =	vst v63  }
0x19: {  	_ =	swait.ge @!p0 [sflag:s13], $0x4000  }
0x1a: {  	[sflag:s13] =	ssyncset.done @!p0 $0x0  }
0x1b: {  	[sflag:s13] =	ssyncadd.s32 @!p0 $0xFFFFC000  }
0x1c: {  	_ =	swait.ge @!p0 [sflag:s13], $0x4000  }
0x1d: {  	[sflag:s13] =	ssyncset.done @!p0 $0x0  }
0x1e: {  	[sflag:s13] =	ssyncadd.s32 @!p0 $0xFFFFC000  }
0x1f: {  	_ =	swait.ge @!p0 [sflag:s13], $0x4000  }
0x20: {  	[sflag:s13] =	ssyncset.done @!p0 $0x0  }
0x21: {  	[sflag:s13] =	ssyncadd.s32 @!p0 $0xFFFFC000  }
0x22: {  	_ =	swait.ge @!p0 [sflag:s13], $0x4000  }
0x23: {  	[sflag:s13] =	ssyncset.done @!p0 $0x0  }
0x24: {  	s31 =	sadd.s32 $0x20, s7;
	s11 =	simm.s32 @!p0 $0x2;
	[sflag:s13] =	ssyncadd.s32 @!p0 $0xFFFFC000  }
0x25: {  	[hbm4b:s6+s8] =	stream.linear.scatter @!p0 [tilespmem:s10], [sflag:$0x2], $0x10000, $0x38;
	[tilespmem:$0x10200] =	vst v63  }
0x26: {  	p2 =	sgt.u32 s31, $0x270;
	s9 =	simm.s32 $0x40;
	_ =	swait.ge @!p0 [sflag:s11], $0x10000  }
0x27: {  	s8 =	sadd.s32 $0x40000, s6;
	s10 =	sadd.s32 $0x800, s5;
	[sflag:s11] =	ssyncset.done @!p0 $0x0  }
.LBB2_2:
0x28: {  	s12 =	simm.s32 @!p2 $0x0;
	s13 =	simm.s32 @!p2 $0x3;
	[sflag:s11] =	ssyncadd.s32 @!p0 $0xFFFF0000  }
0x29: {  	[tilespmem:s12], [sflag:$0x3] =	stream.linear.gather @!p2 [hbm4b:s10+s12], $0x200, $0x38;
	[tilespmem:$0x10200] =	vst v63  }
0x2a: {  	s14 =	smov.u32 s9;
	s9 =	sadd.s32 $0x20, s9;
	_ =	swait.ge @!p2 [sflag:s13], $0x200  }
0x2b: {  	p0 =	por p2, p2;
	p1 =	sne.s32 s9, $0x280;
	[sflag:s13] =	ssyncset.done @!p2 $0x0  }
0x2c: {  	s11 =	simm.s32 @!p0 $0x80;
	[sflag:s13] =	ssyncadd.s32 @!p0 $0xFFFFFE00;
	s13 =	simm.s32 @!p0 $0x200  }
0x2d: {  	[tilespmem:s13], [sflag:$0x1] =	stream.indirect.gather @!p0 [hbm4b:s1+s11], $0x80, s12, s11, $0xb8;
	[tilespmem:$0x10200] =	vst v63  }
0x2e: {  	s15 =	simm.s32 @!p0 $0x4200  }
0x2f: {  	[tilespmem:s15], [sflag:$0x1] =	stream.indirect.gather @!p0 [hbm4b:s1+s11], $0x80, s11, s11, $0xb8;
	[tilespmem:$0x10200] =	vst v63  }
0x30: {  	s16 =	simm.s32 @!p0 $0x8200;
	s15 =	simm.s32 @!p0 $0x100  }
0x31: {  	[tilespmem:s16], [sflag:$0x1] =	stream.indirect.gather @!p0 [hbm4b:s1+s11], $0x80, s15, s11, $0xb8;
	[tilespmem:$0x10200] =	vst v63  }
0x32: {  	s17 =	simm.s32 @!p0 $0x1;
	s15 =	simm.s32 @!p0 $0x180;
	s16 =	simm.s32 @!p0 $0xC200  }
0x33: {  	[tilespmem:s16], [sflag:$0x1] =	stream.indirect.gather @!p0 [hbm4b:s1+s11], $0x80, s15, s11, $0xb8;
	[tilespmem:$0x10200] =	vst v63  }
0x34: {  	_ =	swait.ge @!p0 [sflag:s17], $0x4000  }
0x35: {  	[sflag:s17] =	ssyncset.done @!p0 $0x0  }
0x36: {  	[sflag:s17] =	ssyncadd.s32 @!p0 $0xFFFFC000  }
0x37: {  	_ =	swait.ge @!p0 [sflag:s17], $0x4000  }
0x38: {  	[sflag:s17] =	ssyncset.done @!p0 $0x0  }
0x39: {  	[sflag:s17] =	ssyncadd.s32 @!p0 $0xFFFFC000  }
0x3a: {  	_ =	swait.ge @!p0 [sflag:s17], $0x4000  }
0x3b: {  	[sflag:s17] =	ssyncset.done @!p0 $0x0  }
0x3c: {  	[sflag:s17] =	ssyncadd.s32 @!p0 $0xFFFFC000  }
0x3d: {  	_ =	swait.ge @!p0 [sflag:s17], $0x4000  }
.Ltmp0:
0x3e: {  	[sflag:s17] =	ssyncset.done @!p0 $0x0;
	(pc) =	sbr.rel @p1 .LBB2_2-.Ltmp0, $4  }
0x3f: {  	s11 =	simm.s32 @!p0 $0x2;
	[sflag:s17] =	ssyncadd.s32 @!p0 $0xFFFFC000  }
0x40: {  	[hbm4b:s8+s12] =	stream.linear.scatter @!p0 [tilespmem:s13], [sflag:$0x2], $0x10000, $0x38;
	[tilespmem:$0x10200] =	vst v63  }
0x41: {  	s12 =	sadd.s32 s14, s7;
	s8 =	sadd.s32 $0x40000, s8;
	_ =	swait.ge @!p0 [sflag:s11], $0x10000  }
0x42: {  	s10 =	sadd.s32 $0x800, s10;
	p2 =	sgt.u32 s12, $0x270;
	[sflag:s11] =	ssyncset.done @!p0 $0x0  }
0x43: {  	s9 =	simm.s32 @!p2 $0x0;
	s12 =	simm.s32 @!p2 $0x3;
	[sflag:s11] =	ssyncadd.s32 @!p0 $0xFFFF0000  }
0x44: {  	[tilespmem:s9], [sflag:$0x3] =	stream.linear.gather @!p2 [hbm4b:s10+s9], $0x200, $0x38;
	[tilespmem:$0x10200] =	vst v63  }
0x45: {  	_ =	swait.ge @!p2 [sflag:s12], $0x200  }
0x46: {  	p0 =	por p2, p2;
	[sflag:s12] =	ssyncset.done @!p2 $0x0  }
0x47: {  	s10 =	simm.s32 @!p0 $0x80;
	s11 =	simm.s32 @!p0 $0x200;
	[sflag:s12] =	ssyncadd.s32 @!p0 $0xFFFFFE00  }
0x48: {  	[tilespmem:s11], [sflag:$0x1] =	stream.indirect.gather @!p0 [hbm4b:s1+s10], $0x80, s9, s10, $0xb8;
	[tilespmem:$0x10200] =	vst v63  }
0x49: {  	s12 =	simm.s32 @!p0 $0x4200  }
0x4a: {  	[tilespmem:s12], [sflag:$0x1] =	stream.indirect.gather @!p0 [hbm4b:s1+s10], $0x80, s10, s10, $0xb8;
	[tilespmem:$0x10200] =	vst v63  }
0x4b: {  	s13 =	simm.s32 @!p0 $0x8200;
	s12 =	simm.s32 @!p0 $0x100  }
0x4c: {  	[tilespmem:s13], [sflag:$0x1] =	stream.indirect.gather @!p0 [hbm4b:s1+s10], $0x80, s12, s10, $0xb8;
	[tilespmem:$0x10200] =	vst v63  }
0x4d: {  	s14 =	simm.s32 @!p0 $0x1;
	s12 =	simm.s32 @!p0 $0x180;
	s13 =	simm.s32 @!p0 $0xC200  }
0x4e: {  	[tilespmem:s13], [sflag:$0x1] =	stream.indirect.gather @!p0 [hbm4b:s1+s10], $0x80, s12, s10, $0xb8;
	[tilespmem:$0x10200] =	vst v63  }
0x4f: {  	_ =	swait.ge @!p0 [sflag:s14], $0x4000  }
0x50: {  	[sflag:s14] =	ssyncset.done @!p0 $0x0  }
0x51: {  	[sflag:s14] =	ssyncadd.s32 @!p0 $0xFFFFC000  }
0x52: {  	_ =	swait.ge @!p0 [sflag:s14], $0x4000  }
0x53: {  	[sflag:s14] =	ssyncset.done @!p0 $0x0  }
0x54: {  	[sflag:s14] =	ssyncadd.s32 @!p0 $0xFFFFC000  }
0x55: {  	_ =	swait.ge @!p0 [sflag:s14], $0x4000  }
0x56: {  	[sflag:s14] =	ssyncset.done @!p0 $0x0  }
0x57: {  	[sflag:s14] =	ssyncadd.s32 @!p0 $0xFFFFC000  }
0x58: {  	s3 =	sadd.s32 $0x1, s3;
	_ =	swait.ge @!p0 [sflag:s14], $0x4000  }
0x59: {  	p1 =	sne.s32 s3, s4;
	[sflag:s14] =	ssyncset.done @!p0 $0x0  }
.Ltmp1:
0x5a: {  	s10 =	simm.s32 @!p0 $0x2;
	[sflag:s14] =	ssyncadd.s32 @!p0 $0xFFFFC000;
	(pc) =	sbr.rel @p1 .LBB2_1-.Ltmp1, $4  }
0x5b: {  	[hbm4b:s8+s9] =	stream.linear.scatter @!p0 [tilespmem:s11], [sflag:$0x2], $0x10000, $0x38;
	[tilespmem:$0x10200] =	vst v63  }
0x5c: {  	_ =	swait.ge @!p0 [sflag:s10], $0x10000  }
0x5d: {  	[sflag:s10] =	ssyncset.done @!p0 $0x0  }
0x5e: {  	[sflag:s10] =	ssyncadd.s32 @!p0 $0xFFFF0000  }
0x5f: {  	_ =	sfence.sel $0x180000  }
0x60: {  	[bflag:$0x0] =	sbarrier.arrive $0xFFFF  }
0x61: {  	p0 =	sne.s32 s2, $0x0;
	_ =	strace $0x90000050  }
0x62: {  	s0 =	sadd.s32 @!p0 $0x100000, s0;
	[bflag:$0x2] =	sbarrier.arrive $0xFFFF  }
0x63: {  	[sflag:s0] =	ssyncadd.tile.s32 @!p0 $0x1;
	_ =	shalt  }
.Lfunc_end2:
_tile_overlayer_lowered:
.L_overlay_start_2:
0x64: {  	(tag) =	ssettag $0x2  }
0x65: {  	s0 =	rddreg [dreg:$0x0];
	s2 =	stileid.u32  }
0x66: {  	s1 =	rddreg [dreg:$0x1];
	p0 =	sne.s32 s2, $0x0  }
0x67: {  	s3 =	rddreg [dreg:$0x2];
	[bflag:$0x3] =	sbarrier.arrive $0xFFFF;
	s2 =	simm.s32 @!p0 $0x1C02  }
0x68: {  	[timem:s3], [sflag:s2] =	dma.local @!p0 [hbm:s0], s1  }
0x69: {  	s0 =	simm.s32 @!p0 $0x2  }
0x6a: {  	_ =	swait.ge @!p0 [sflag:s0], s1  }
0x6b: {  	s1 =	ssub.s32 @!p0 $0x0, s1;
	[sflag:s0] =	ssyncset.done @!p0 $0x0  }
0x6c: {  	[sflag:s0] =	ssyncadd.s32 @!p0 s1  }
0x6d: {  	[bflag:$0x3] =	sbarrier.arrive $0xFFFF  }
0x6e: {  	_ =	shalt  }

</sc_bundles>
